<compile_context>
chip_gen: v7x
topology: tpu7x:2x2x1
jax: 0.10.2.dev20260603
libtpu: 0.0.44.dev20260713+nightly
codegen_flags: <defaults>
</compile_context>

<pallas_src>
import functools

import jax
import jax.numpy as jnp
from jax import lax
from jax.experimental import pallas as pl
from jax.experimental.pallas import tpu as pltpu
from jax.experimental.pallas import tpu_sc as plsc

B = 4096
D = 64
L = 50
NU = 16
NI = 16
V = 100000
H1 = 512
H2 = 256

NC = 2
NS = 16
NW = NC * NS
CB = B // NW
LP = 64
NL = LP // 2
NSTREAM = CB * LP // 128


def _sc_gather_body(hist_idx, ucatT, icatT, ut0, ut1, ut2, it0, it1, it2,
                    htab,
                    hist_out, ucs_out, ics_out,
                    ihv, cidx, crow, cacc,
                    sidx0, sidx1, rows0, rows1, stage0, stage1,
                    semg0, semg1, semw0, semw1, semc):
    w = lax.axis_index("s") * NC + lax.axis_index("c")
    b0 = w * CB
    pltpu.sync_copy(hist_idx.at[pl.ds(b0, CB)], ihv)

    sidx = (sidx0, sidx1)
    rows = (rows0, rows1)
    stage = (stage0, stage1)
    semg = (semg0, semg1)
    semw = (semw0, semw1)
    zerosf16 = jnp.zeros((16,), jnp.float32)

    def zero_pads(st):
        def zp(k, carry):
            for h in (0, 1):
                for ch in range(8):
                    st[32 * h + 25 + k, pl.ds(16 * ch, 16)] = zerosf16
            return carry
        lax.fori_loop(0, 7, zp, 0)

    zero_pads(stage0)
    zero_pads(stage1)

    def build_idx(j, p):
        for h in (0, 1):
            r = 2 * j + h
            base = 50 * h
            for ch in range(3):
                sidx[p][pl.ds(base + 16 * ch, 16)] = ihv[r, pl.ds(16 * ch, 16)]
            sidx[p][pl.ds(base + 34, 16)] = ihv[r, pl.ds(34, 16)]

    def g_copy(p):
        return pltpu.make_async_copy(htab.at[sidx[p]], rows[p], semg[p])

    def w_copy(j, p):
        return pltpu.make_async_copy(
            stage[p], hist_out.at[pl.ds((w * NSTREAM + j) * 64, 64)],
            semw[p])

    def repack(p):
        def rp(it, carry):
            for h in (0, 1):
                for u in (0, 1):
                    src_r = 50 * h + 2 * it + u
                    dst_r = 32 * h + it
                    for ch in range(4):
                        stage[p][dst_r, pl.ds(D * u + 16 * ch, 16)] = (
                            rows[p][src_r, pl.ds(16 * ch, 16)])
            return carry
        lax.fori_loop(0, 25, rp, 0)

    build_idx(0, 0)
    g_copy(0).start()

    def step(it, carry):
        for b in (0, 1):
            j = 2 * it + b

            @pl.when(j + 1 < NSTREAM)
            def _():
                build_idx(j + 1, 1 - b)
                g_copy(1 - b).start()

            g_copy(b).wait()

            @pl.when(j >= 2)
            def _():
                w_copy(j - 2, b).wait()

            repack(b)
            w_copy(j, b).start()
        return carry

    lax.fori_loop(0, NSTREAM // 2, step, 0)
    w_copy(NSTREAM - 2, 0).wait()
    w_copy(NSTREAM - 1, 1).wait()

    for catT, tabs, out_ref in ((ucatT, (ut0, ut1, ut2), ucs_out),
                                (icatT, (it0, it1, it2), ics_out)):
        for t in range(3):
            pltpu.sync_copy(catT.at[t, pl.ds(b0, CB)], cidx)
            dst = cacc if t == 0 else crow
            pltpu.async_copy(tabs[t].at[cidx], dst, semc).wait()
            if t > 0:
                def add_step(r, carry):
                    for c in range(4):
                        sl = pl.ds(16 * c, 16)
                        cacc[r, sl] = cacc[r, sl] + crow[r, sl]
                    return carry
                lax.fori_loop(0, CB, add_step, 0)
        pltpu.sync_copy(cacc, out_ref.at[pl.ds(b0, CB)])


def _sc_gather(hist_idx, ucatT, icatT, ut0, ut1, ut2, it0, it1, it2, htab):
    mesh = plsc.VectorSubcoreMesh(core_axis_name="c", subcore_axis_name="s")
    f = functools.partial(
        pl.kernel,
        out_type=(
            jax.ShapeDtypeStruct((B * NL, 2 * D), jnp.float32),
            jax.ShapeDtypeStruct((B, D), jnp.float32),
            jax.ShapeDtypeStruct((B, D), jnp.float32),
        ),
        mesh=mesh,
        scratch_types=[
            pltpu.VMEM((CB, L), jnp.int32),
            pltpu.VMEM((CB,), jnp.int32),
            pltpu.VMEM((CB, D), jnp.float32),
            pltpu.VMEM((CB, D), jnp.float32),
            pltpu.VMEM((2 * L,), jnp.int32),
            pltpu.VMEM((2 * L,), jnp.int32),
            pltpu.VMEM((2 * L, D), jnp.float32),
            pltpu.VMEM((2 * L, D), jnp.float32),
            pltpu.VMEM((64, 2 * D), jnp.float32),
            pltpu.VMEM((64, 2 * D), jnp.float32),
            pltpu.SemaphoreType.DMA,
            pltpu.SemaphoreType.DMA,
            pltpu.SemaphoreType.DMA,
            pltpu.SemaphoreType.DMA,
            pltpu.SemaphoreType.DMA,
        ],
        compiler_params=pltpu.CompilerParams(use_tc_tiling_on_sc=False),
    )(_sc_gather_body)
    return f(hist_idx, ucatT, icatT, ut0, ut1, ut2, it0, it1, it2, htab)


R = 512


def _tc_body(un_ref, inum_ref, ucs_ref, ics_ref, hist_ref,
             Wun_ref, bun_ref, Wim_ref, bim_ref, wattn_ref,
             W1_ref, b1_ref, W2_ref, b2_ref, W3_ref, b3_ref, out_ref):
    f32 = jnp.float32
    ue = (jnp.dot(un_ref[...], Wun_ref[...], preferred_element_type=f32)
          + bun_ref[...] + ucs_ref[...])
    ie = (jnp.dot(inum_ref[...], Wim_ref[...], preferred_element_type=f32)
          + bim_ref[...] + ics_ref[...])
    hist = hist_ref[...].reshape(R, NL, 2 * D)
    qw = ie * wattn_ref[...]
    qw2 = jnp.concatenate([qw, qw], axis=1)
    prod = hist * qw2[:, None, :]
    lane = lax.broadcasted_iota(jnp.int32, (R, NL, 2 * D), 2)
    s_all = jnp.sum(prod, axis=2)
    s_e = jnp.sum(jnp.where(lane < D, prod, 0.0), axis=2)
    s_o = s_all - s_e
    t_e = jnp.tanh(s_e)
    t_o = jnp.tanh(s_o)
    k = lax.broadcasted_iota(jnp.int32, (R, NL), 1)
    e_e = jnp.where(k < L // 2, jnp.exp(t_e), 0.0)
    e_o = jnp.where(k < L // 2, jnp.exp(t_o), 0.0)
    z = jnp.sum(e_e + e_o, axis=1, keepdims=True)
    w_e = e_e / z
    w_o = e_o / z
    wfull = jnp.concatenate(
        [jnp.broadcast_to(w_e[:, :, None], (R, NL, D)),
         jnp.broadcast_to(w_o[:, :, None], (R, NL, D))], axis=2)
    att128 = jnp.sum(wfull * hist, axis=1)
    att = att128[:, :D] + att128[:, D:]
    comb = jnp.concatenate([ue, ie, att], axis=1)
    h = jnp.maximum(jnp.dot(comb, W1_ref[...], preferred_element_type=f32)
                    + b1_ref[...], 0.0)
    h = jnp.maximum(jnp.dot(h, W2_ref[...], preferred_element_type=f32)
                    + b2_ref[...], 0.0)
    logits = jnp.dot(h, W3_ref[...], preferred_element_type=f32) + b3_ref[...]
    out_ref[...] = jax.nn.sigmoid(logits)


def _tc_fused(user_num, item_num, ucs, ics, hist2,
              Wun, bun, Wim, bim, wattn, W1, b1, W2, b2, W3, b3):
    grid = (B // R,)
    full = lambda shape: pl.BlockSpec(shape, lambda i: (0,) * len(shape))
    return pl.pallas_call(
        _tc_body,
        grid=grid,
        in_specs=[
            pl.BlockSpec((R, NU), lambda i: (i, 0)),
            pl.BlockSpec((R, NI), lambda i: (i, 0)),
            pl.BlockSpec((R, D), lambda i: (i, 0)),
            pl.BlockSpec((R, D), lambda i: (i, 0)),
            pl.BlockSpec((R * NL, 2 * D), lambda i: (i, 0)),
            full((NU, D)), full((1, D)),
            full((NI, D)), full((1, D)), full((1, D)),
            full((3 * D, H1)), full((1, H1)),
            full((H1, H2)), full((1, H2)),
            full((H2, 1)), full((1, 1)),
        ],
        out_specs=pl.BlockSpec((R, 1), lambda i: (i, 0)),
        out_shape=jax.ShapeDtypeStruct((B, 1), jnp.float32),
    )(user_num, item_num, ucs, ics, hist2,
      Wun, bun, Wim, bim, wattn, W1, b1, W2, b2, W3, b3)


def kernel(user_num, item_num, user_cat, item_cat, history_items,
           Wun, bun, ut0, ut1, ut2, Wim, bim, it0, it1, it2,
           hist_tab, Wattn, W1, b1, W2, b2, W3, b3):
    hist2, ucs, ics = _sc_gather(
        history_items.astype(jnp.int32), user_cat.astype(jnp.int32).T,
        item_cat.astype(jnp.int32).T, ut0, ut1, ut2, it0, it1, it2, hist_tab)
    out = _tc_fused(user_num, item_num, ucs, ics,
                    hist2,
                    Wun, bun.reshape(1, D), Wim, bim.reshape(1, D),
                    Wattn.reshape(1, D), W1, b1.reshape(1, H1),
                    W2, b2.reshape(1, H2), W3, b3.reshape(1, 1))
    return out.reshape(B)

# --- scband reference (transcript-rebuilt; emitter-appended) ---
"""Pipeline reference for scband-din-68624987455578 (READ-ONLY COPY).

The authoritative reference and input builder live on the scoring server;
editing this copy changes nothing except your own understanding.
"""

import jax, jax.numpy as jnp
import numpy as np

B = 4096
D = 64
L = 50
NU = 16
NI = 16
V = 100000
H1 = 512
H2 = 256

def setup_inputs(seed: int = 0) -> dict:
    key = jax.random.key(seed)
    ks = jax.random.split(key, 24)
    inp = {}
    inp['user_num'] = jax.random.normal(ks[0], (B, NU), dtype=jnp.float32)
    inp['item_num'] = jax.random.normal(ks[1], (B, NI), dtype=jnp.float32)
    inp['user_cat'] = jax.random.randint(ks[2], (B, 3), 0, V, dtype=jnp.int64 if jax.config.jax_enable_x64 else jnp.int32)
    inp['item_cat'] = jax.random.randint(ks[3], (B, 3), 0, V, dtype=jnp.int64 if jax.config.jax_enable_x64 else jnp.int32)
    inp['history_items'] = jax.random.randint(ks[4], (B, L), 0, V, dtype=jnp.int64 if jax.config.jax_enable_x64 else jnp.int32)
    # parameters
    inp['Wun'] = jax.random.normal(ks[5], (NU, D), dtype=jnp.float32) * 0.05
    inp['bun'] = jnp.zeros((D,), dtype=jnp.float32)
    inp['ut0'] = jax.random.normal(ks[6], (V, D), dtype=jnp.float32) * 0.02
    inp['ut1'] = jax.random.normal(ks[7], (V, D), dtype=jnp.float32) * 0.02
    inp['ut2'] = jax.random.normal(ks[8], (V, D), dtype=jnp.float32) * 0.02
    inp['Wim'] = jax.random.normal(ks[9], (NI, D), dtype=jnp.float32) * 0.05
    inp['bim'] = jnp.zeros((D,), dtype=jnp.float32)
    inp['it0'] = jax.random.normal(ks[10], (V, D), dtype=jnp.float32) * 0.02
    inp['it1'] = jax.random.normal(ks[11], (V, D), dtype=jnp.float32) * 0.02
    inp['it2'] = jax.random.normal(ks[12], (V, D), dtype=jnp.float32) * 0.02
    hist_tab = jax.random.normal(ks[13], (V, D), dtype=jnp.float32) * 0.02
    inp['hist_tab'] = hist_tab.at[0].set(0.0)  # padding_idx=0
    inp['Wattn'] = jax.random.normal(ks[14], (D, 1), dtype=jnp.float32) * 0.1
    inp['W1'] = jax.random.normal(ks[15], (3 * D, H1), dtype=jnp.float32) * 0.05
    inp['b1'] = jnp.zeros((H1,), dtype=jnp.float32)
    inp['W2'] = jax.random.normal(ks[16], (H1, H2), dtype=jnp.float32) * 0.05
    inp['b2'] = jnp.zeros((H2,), dtype=jnp.float32)
    inp['W3'] = jax.random.normal(ks[17], (H2, 1), dtype=jnp.float32) * 0.05
    inp['b3'] = jnp.zeros((1,), dtype=jnp.float32)
    return inp


def reference(user_num, item_num, user_cat, item_cat, history_items,
              Wun, bun, ut0, ut1, ut2, Wim, bim, it0, it1, it2,
              hist_tab, Wattn, W1, b1, W2, b2, W3, b3):
    # user tower
    user_num_emb = user_num @ Wun + bun
    user_cat_emb = jnp.take(ut0, user_cat[:, 0], axis=0) \
                 + jnp.take(ut1, user_cat[:, 1], axis=0) \
                 + jnp.take(ut2, user_cat[:, 2], axis=0)
    user_emb = user_num_emb + user_cat_emb
    # item tower
    item_num_emb = item_num @ Wim + bim
    item_cat_emb = jnp.take(it0, item_cat[:, 0], axis=0) \
                 + jnp.take(it1, item_cat[:, 1], axis=0) \
                 + jnp.take(it2, item_cat[:, 2], axis=0)
    item_emb = item_num_emb + item_cat_emb
    # history
    history_emb = jnp.take(hist_tab, history_items, axis=0)  # [B, L, D]
    # attention pooling
    q = item_emb[:, None, :]                                  # [B, 1, D]
    attention_scores = jnp.tanh((history_emb * q) @ Wattn)    # [B, L, 1]
    attention_weights = jax.nn.softmax(attention_scores, axis=1)
    att_out = jnp.sum(attention_weights * history_emb, axis=1)  # [B, D]
    # DNN (dropout is identity at inference)
    combined = jnp.concatenate([user_emb, item_emb, att_out], axis=-1)
    h = jax.nn.relu(combined @ W1 + b1)
    h = jax.nn.relu(h @ W2 + b2)
    logits = h @ W3 + b3
    return jax.nn.sigmoid(logits).squeeze(-1)

if __name__ == "__main__":
    import jax
    _d = setup_inputs()
    print(jax.jit(kernel)(*tuple(_d.values())))

</pallas_src>

<mosaic_0001>
#map = affine_map<(d0, d1) -> (0, 0)>
module attributes {stable_mosaic.version = 14 : i64} {
  func.func @_sc_gather_body(%arg0: i32, %arg1: i32, %arg2: memref<4096x50xi32, #tpu.memory_space<hbm>>, %arg3: memref<3x4096xi32, #tpu.memory_space<hbm>>, %arg4: memref<3x4096xi32, #tpu.memory_space<hbm>>, %arg5: memref<100000x64xf32, #tpu.memory_space<hbm>>, %arg6: memref<100000x64xf32, #tpu.memory_space<hbm>>, %arg7: memref<100000x64xf32, #tpu.memory_space<hbm>>, %arg8: memref<100000x64xf32, #tpu.memory_space<hbm>>, %arg9: memref<100000x64xf32, #tpu.memory_space<hbm>>, %arg10: memref<100000x64xf32, #tpu.memory_space<hbm>>, %arg11: memref<100000x64xf32, #tpu.memory_space<hbm>>, %arg12: memref<131072x128xf32, #tpu.memory_space<hbm>>, %arg13: memref<4096x64xf32, #tpu.memory_space<hbm>>, %arg14: memref<4096x64xf32, #tpu.memory_space<hbm>>, %arg15: memref<128x50xi32, #tpu.memory_space<vmem>>, %arg16: memref<128xi32, #tpu.memory_space<vmem>>, %arg17: memref<128x64xf32, #tpu.memory_space<vmem>>, %arg18: memref<128x64xf32, #tpu.memory_space<vmem>>, %arg19: memref<100xi32, #tpu.memory_space<vmem>>, %arg20: memref<100xi32, #tpu.memory_space<vmem>>, %arg21: memref<100x64xf32, #tpu.memory_space<vmem>>, %arg22: memref<100x64xf32, #tpu.memory_space<vmem>>, %arg23: memref<64x128xf32, #tpu.memory_space<vmem>>, %arg24: memref<64x128xf32, #tpu.memory_space<vmem>>, %arg25: memref<!tpu.dma_semaphore, #tpu.memory_space<semaphore_mem>>, %arg26: memref<!tpu.dma_semaphore, #tpu.memory_space<semaphore_mem>>, %arg27: memref<!tpu.dma_semaphore, #tpu.memory_space<semaphore_mem>>, %arg28: memref<!tpu.dma_semaphore, #tpu.memory_space<semaphore_mem>>, %arg29: memref<!tpu.dma_semaphore, #tpu.memory_space<semaphore_mem>>) attributes {dimension_semantics = [#tpu.dimension_semantics<core_parallel>, #tpu.dimension_semantics<subcore_parallel>], iteration_bounds = array<i64: 2, 16>, scalar_prefetch = 0 : i64, scratch_operands = 15 : i64, tpu.core_type = #tpu.core_type<sc_vector_subcore>, window_params = [{transform_indices = #map}, {transform_indices = #map}, {transform_indices = #map}, {transform_indices = #map}, {transform_indices = #map}, {transform_indices = #map}, {transform_indices = #map}, {transform_indices = #map}, {transform_indices = #map}, {transform_indices = #map}, {transform_indices = #map}, {transform_indices = #map}, {transform_indices = #map}]} {
    %mul3A = arith.constant 2 : i32
    %mul3A_0 = arith.muli %arg1, %mul3A : i32
    %add3A = arith.addi %mul3A_0, %arg0 : i32
    %mul3A_1 = arith.constant 128 : i32
    %mul3A_2 = arith.muli %add3A, %mul3A_1 : i32
    "tpu.region"() ({
      %run_scoped3A_177 = tpu.sem_alloc : memref<!tpu.dma_semaphore, #tpu.memory_space<semaphore_mem>>
      %dma_start3A_178 = arith.constant 0 : i32
      %dma_start3A_179 = tpu.memref_slice %arg2[%mul3A_2, %dma_start3A_178] : memref<4096x50xi32, #tpu.memory_space<hbm>> -> memref<128x50xi32, #tpu.memory_space<hbm>>
      %dma_start3A_180 = arith.constant 0 : i32
      %dma_start3A_181 = tpu.memref_slice %arg2[%mul3A_2, %dma_start3A_180] : memref<4096x50xi32, #tpu.memory_space<hbm>> -> memref<128x50xi32, #tpu.memory_space<hbm>>
      tpu.enqueue_dma source(%dma_start3A_181 : memref<128x50xi32, #tpu.memory_space<hbm>>) target(%arg15 : memref<128x50xi32, #tpu.memory_space<vmem>>) target_semaphore(%run_scoped3A_177 : memref<!tpu.dma_semaphore, #tpu.memory_space<semaphore_mem>>)
      %dma_wait3A_182 = arith.constant 0 : i32
      %dma_wait3A_183 = tpu.memref_slice %arg2[%mul3A_2, %dma_wait3A_182] : memref<4096x50xi32, #tpu.memory_space<hbm>> -> memref<128x50xi32, #tpu.memory_space<hbm>>
      %dma_wait3A_184 = arith.constant 0 : i32
      %dma_wait3A_185 = tpu.memref_slice %arg2[%mul3A_2, %dma_wait3A_184] : memref<4096x50xi32, #tpu.memory_space<hbm>> -> memref<128x50xi32, #tpu.memory_space<hbm>>
      tpu.wait_dma2 semaphore(%run_scoped3A_177 : memref<!tpu.dma_semaphore, #tpu.memory_space<semaphore_mem>>) src(%dma_wait3A_185 : memref<128x50xi32, #tpu.memory_space<hbm>>) dst(%arg15 : memref<128x50xi32, #tpu.memory_space<vmem>>)
      tpu.yield
    }) : () -> ()
    %broadcast_in_dim3A = arith.constant 0.000000e+00 : f32
    %broadcast_in_dim3A_3 = vector.broadcast %broadcast_in_dim3A : f32 to vector<16xf32>
    %scan3A = arith.constant 0 : i32
    %scan3A_4 = arith.constant 0 : i32
    %scan3A_5 = arith.constant 7 : i32
    %scan3A_6 = arith.addi %scan3A_4, %scan3A_5 : i32
    %scan3A_7 = arith.constant 1 : i32
    scf.for %scan3A_177 = %scan3A_4 to %scan3A_6 step %scan3A_7  : i32 {
      %add3A_178 = arith.constant 25 : i32
      %add3A_179 = arith.addi %add3A_178, %scan3A_177 : i32
      %swap3A_180 = arith.index_cast %add3A_179 : i32 to index
      %swap3A_181 = arith.constant 0 : index
      %swap3A_182 = tpu.vector_load %arg23[%swap3A_180, %swap3A_181] {strides = array<i32>} : memref<64x128xf32, #tpu.memory_space<vmem>>, vector<1x16xf32>,
      %swap3A_183 = vector.shape_cast %swap3A_182 : vector<1x16xf32> to vector<16xf32>
      %swap3A_184 = vector.shape_cast %broadcast_in_dim3A_3 : vector<16xf32> to vector<1x16xf32>
      tpu.vector_store %arg23[%swap3A_180, %swap3A_181], %swap3A_184 {strides = array<i32>} : memref<64x128xf32, #tpu.memory_space<vmem>>, vector<1x16xf32>,
      %add3A_185 = arith.constant 25 : i32
      %add3A_186 = arith.addi %add3A_185, %scan3A_177 : i32
      %swap3A_187 = arith.index_cast %add3A_186 : i32 to index
      %swap3A_188 = arith.constant 16 : index
      %swap3A_189 = tpu.vector_load %arg23[%swap3A_187, %swap3A_188] {strides = array<i32>} : memref<64x128xf32, #tpu.memory_space<vmem>>, vector<1x16xf32>,
      %swap3A_190 = vector.shape_cast %swap3A_189 : vector<1x16xf32> to vector<16xf32>
      %swap3A_191 = vector.shape_cast %broadcast_in_dim3A_3 : vector<16xf32> to vector<1x16xf32>
      tpu.vector_store %arg23[%swap3A_187, %swap3A_188], %swap3A_191 {strides = array<i32>} : memref<64x128xf32, #tpu.memory_space<vmem>>, vector<1x16xf32>,
      %add3A_192 = arith.constant 25 : i32
      %add3A_193 = arith.addi %add3A_192, %scan3A_177 : i32
      %swap3A_194 = arith.index_cast %add3A_193 : i32 to index
      %swap3A_195 = arith.constant 32 : index
      %swap3A_196 = tpu.vector_load %arg23[%swap3A_194, %swap3A_195] {strides = array<i32>} : memref<64x128xf32, #tpu.memory_space<vmem>>, vector<1x16xf32>,
      %swap3A_197 = vector.shape_cast %swap3A_196 : vector<1x16xf32> to vector<16xf32>
      %swap3A_198 = vector.shape_cast %broadcast_in_dim3A_3 : vector<16xf32> to vector<1x16xf32>
      tpu.vector_store %arg23[%swap3A_194, %swap3A_195], %swap3A_198 {strides = array<i32>} : memref<64x128xf32, #tpu.memory_space<vmem>>, vector<1x16xf32>,
      %add3A_199 = arith.constant 25 : i32
      %add3A_200 = arith.addi %add3A_199, %scan3A_177 : i32
      %swap3A_201 = arith.index_cast %add3A_200 : i32 to index
      %swap3A_202 = arith.constant 48 : index
      %swap3A_203 = tpu.vector_load %arg23[%swap3A_201, %swap3A_202] {strides = array<i32>} : memref<64x128xf32, #tpu.memory_space<vmem>>, vector<1x16xf32>,
      %swap3A_204 = vector.shape_cast %swap3A_203 : vector<1x16xf32> to vector<16xf32>
      %swap3A_205 = vector.shape_cast %broadcast_in_dim3A_3 : vector<16xf32> to vector<1x16xf32>
      tpu.vector_store %arg23[%swap3A_201, %swap3A_202], %swap3A_205 {strides = array<i32>} : memref<64x128xf32, #tpu.memory_space<vmem>>, vector<1x16xf32>,
      %add3A_206 = arith.constant 25 : i32
      %add3A_207 = arith.addi %add3A_206, %scan3A_177 : i32
      %swap3A_208 = arith.index_cast %add3A_207 : i32 to index
      %swap3A_209 = arith.constant 64 : index
      %swap3A_210 = tpu.vector_load %arg23[%swap3A_208, %swap3A_209] {strides = array<i32>} : memref<64x128xf32, #tpu.memory_space<vmem>>, vector<1x16xf32>,
      %swap3A_211 = vector.shape_cast %swap3A_210 : vector<1x16xf32> to vector<16xf32>
      %swap3A_212 = vector.shape_cast %broadcast_in_dim3A_3 : vector<16xf32> to vector<1x16xf32>
      tpu.vector_store %arg23[%swap3A_208, %swap3A_209], %swap3A_212 {strides = array<i32>} : memref<64x128xf32, #tpu.memory_space<vmem>>, vector<1x16xf32>,
      %add3A_213 = arith.constant 25 : i32
      %add3A_214 = arith.addi %add3A_213, %scan3A_177 : i32
      %swap3A_215 = arith.index_cast %add3A_214 : i32 to index
      %swap3A_216 = arith.constant 80 : index
      %swap3A_217 = tpu.vector_load %arg23[%swap3A_215, %swap3A_216] {strides = array<i32>} : memref<64x128xf32, #tpu.memory_space<vmem>>, vector<1x16xf32>,
      %swap3A_218 = vector.shape_cast %swap3A_217 : vector<1x16xf32> to vector<16xf32>
      %swap3A_219 = vector.shape_cast %broadcast_in_dim3A_3 : vector<16xf32> to vector<1x16xf32>
      tpu.vector_store %arg23[%swap3A_215, %swap3A_216], %swap3A_219 {strides = array<i32>} : memref<64x128xf32, #tpu.memory_space<vmem>>, vector<1x16xf32>,
      %add3A_220 = arith.constant 25 : i32
      %add3A_221 = arith.addi %add3A_220, %scan3A_177 : i32
      %swap3A_222 = arith.index_cast %add3A_221 : i32 to index
      %swap3A_223 = arith.constant 96 : index
      %swap3A_224 = tpu.vector_load %arg23[%swap3A_222, %swap3A_223] {strides = array<i32>} : memref<64x128xf32, #tpu.memory_space<vmem>>, vector<1x16xf32>,
      %swap3A_225 = vector.shape_cast %swap3A_224 : vector<1x16xf32> to vector<16xf32>
      %swap3A_226 = vector.shape_cast %broadcast_in_dim3A_3 : vector<16xf32> to vector<1x16xf32>
      tpu.vector_store %arg23[%swap3A_222, %swap3A_223], %swap3A_226 {strides = array<i32>} : memref<64x128xf32, #tpu.memory_space<vmem>>, vector<1x16xf32>,
      %add3A_227 = arith.constant 25 : i32
      %add3A_228 = arith.addi %add3A_227, %scan3A_177 : i32
      %swap3A_229 = arith.index_cast %add3A_228 : i32 to index
      %swap3A_230 = arith.constant 112 : index
      %swap3A_231 = tpu.vector_load %arg23[%swap3A_229, %swap3A_230] {strides = array<i32>} : memref<64x128xf32, #tpu.memory_space<vmem>>, vector<1x16xf32>,
      %swap3A_232 = vector.shape_cast %swap3A_231 : vector<1x16xf32> to vector<16xf32>
      %swap3A_233 = vector.shape_cast %broadcast_in_dim3A_3 : vector<16xf32> to vector<1x16xf32>
      tpu.vector_store %arg23[%swap3A_229, %swap3A_230], %swap3A_233 {strides = array<i32>} : memref<64x128xf32, #tpu.memory_space<vmem>>, vector<1x16xf32>,
      %add3A_234 = arith.constant 57 : i32
      %add3A_235 = arith.addi %add3A_234, %scan3A_177 : i32
      %swap3A_236 = arith.index_cast %add3A_235 : i32 to index
      %swap3A_237 = arith.constant 0 : index
      %swap3A_238 = tpu.vector_load %arg23[%swap3A_236, %swap3A_237] {strides = array<i32>} : memref<64x128xf32, #tpu.memory_space<vmem>>, vector<1x16xf32>,
      %swap3A_239 = vector.shape_cast %swap3A_238 : vector<1x16xf32> to vector<16xf32>
      %swap3A_240 = vector.shape_cast %broadcast_in_dim3A_3 : vector<16xf32> to vector<1x16xf32>
      tpu.vector_store %arg23[%swap3A_236, %swap3A_237], %swap3A_240 {strides = array<i32>} : memref<64x128xf32, #tpu.memory_space<vmem>>, vector<1x16xf32>,
      %add3A_241 = arith.constant 57 : i32
      %add3A_242 = arith.addi %add3A_241, %scan3A_177 : i32
      %swap3A_243 = arith.index_cast %add3A_242 : i32 to index
      %swap3A_244 = arith.constant 16 : index
      %swap3A_245 = tpu.vector_load %arg23[%swap3A_243, %swap3A_244] {strides = array<i32>} : memref<64x128xf32, #tpu.memory_space<vmem>>, vector<1x16xf32>,
      %swap3A_246 = vector.shape_cast %swap3A_245 : vector<1x16xf32> to vector<16xf32>
      %swap3A_247 = vector.shape_cast %broadcast_in_dim3A_3 : vector<16xf32> to vector<1x16xf32>
      tpu.vector_store %arg23[%swap3A_243, %swap3A_244], %swap3A_247 {strides = array<i32>} : memref<64x128xf32, #tpu.memory_space<vmem>>, vector<1x16xf32>,
      %add3A_248 = arith.constant 57 : i32
      %add3A_249 = arith.addi %add3A_248, %scan3A_177 : i32
      %swap3A_250 = arith.index_cast %add3A_249 : i32 to index
      %swap3A_251 = arith.constant 32 : index
      %swap3A_252 = tpu.vector_load %arg23[%swap3A_250, %swap3A_251] {strides = array<i32>} : memref<64x128xf32, #tpu.memory_space<vmem>>, vector<1x16xf32>,
      %swap3A_253 = vector.shape_cast %swap3A_252 : vector<1x16xf32> to vector<16xf32>
      %swap3A_254 = vector.shape_cast %broadcast_in_dim3A_3 : vector<16xf32> to vector<1x16xf32>
      tpu.vector_store %arg23[%swap3A_250, %swap3A_251], %swap3A_254 {strides = array<i32>} : memref<64x128xf32, #tpu.memory_space<vmem>>, vector<1x16xf32>,
      %add3A_255 = arith.constant 57 : i32
      %add3A_256 = arith.addi %add3A_255, %scan3A_177 : i32
      %swap3A_257 = arith.index_cast %add3A_256 : i32 to index
      %swap3A_258 = arith.constant 48 : index
      %swap3A_259 = tpu.vector_load %arg23[%swap3A_257, %swap3A_258] {strides = array<i32>} : memref<64x128xf32, #tpu.memory_space<vmem>>, vector<1x16xf32>,
      %swap3A_260 = vector.shape_cast %swap3A_259 : vector<1x16xf32> to vector<16xf32>
      %swap3A_261 = vector.shape_cast %broadcast_in_dim3A_3 : vector<16xf32> to vector<1x16xf32>
      tpu.vector_store %arg23[%swap3A_257, %swap3A_258], %swap3A_261 {strides = array<i32>} : memref<64x128xf32, #tpu.memory_space<vmem>>, vector<1x16xf32>,
      %add3A_262 = arith.constant 57 : i32
      %add3A_263 = arith.addi %add3A_262, %scan3A_177 : i32
      %swap3A_264 = arith.index_cast %add3A_263 : i32 to index
      %swap3A_265 = arith.constant 64 : index
      %swap3A_266 = tpu.vector_load %arg23[%swap3A_264, %swap3A_265] {strides = array<i32>} : memref<64x128xf32, #tpu.memory_space<vmem>>, vector<1x16xf32>,
      %swap3A_267 = vector.shape_cast %swap3A_266 : vector<1x16xf32> to vector<16xf32>
      %swap3A_268 = vector.shape_cast %broadcast_in_dim3A_3 : vector<16xf32> to vector<1x16xf32>
      tpu.vector_store %arg23[%swap3A_264, %swap3A_265], %swap3A_268 {strides = array<i32>} : memref<64x128xf32, #tpu.memory_space<vmem>>, vector<1x16xf32>,
      %add3A_269 = arith.constant 57 : i32
      %add3A_270 = arith.addi %add3A_269, %scan3A_177 : i32
      %swap3A_271 = arith.index_cast %add3A_270 : i32 to index
      %swap3A_272 = arith.constant 80 : index
      %swap3A_273 = tpu.vector_load %arg23[%swap3A_271, %swap3A_272] {strides = array<i32>} : memref<64x128xf32, #tpu.memory_space<vmem>>, vector<1x16xf32>,
      %swap3A_274 = vector.shape_cast %swap3A_273 : vector<1x16xf32> to vector<16xf32>
      %swap3A_275 = vector.shape_cast %broadcast_in_dim3A_3 : vector<16xf32> to vector<1x16xf32>
      tpu.vector_store %arg23[%swap3A_271, %swap3A_272], %swap3A_275 {strides = array<i32>} : memref<64x128xf32, #tpu.memory_space<vmem>>, vector<1x16xf32>,
      %add3A_276 = arith.constant 57 : i32
      %add3A_277 = arith.addi %add3A_276, %scan3A_177 : i32
      %swap3A_278 = arith.index_cast %add3A_277 : i32 to index
      %swap3A_279 = arith.constant 96 : index
      %swap3A_280 = tpu.vector_load %arg23[%swap3A_278, %swap3A_279] {strides = array<i32>} : memref<64x128xf32, #tpu.memory_space<vmem>>, vector<1x16xf32>,
      %swap3A_281 = vector.shape_cast %swap3A_280 : vector<1x16xf32> to vector<16xf32>
      %swap3A_282 = vector.shape_cast %broadcast_in_dim3A_3 : vector<16xf32> to vector<1x16xf32>
      tpu.vector_store %arg23[%swap3A_278, %swap3A_279], %swap3A_282 {strides = array<i32>} : memref<64x128xf32, #tpu.memory_space<vmem>>, vector<1x16xf32>,
      %add3A_283 = arith.constant 57 : i32
      %add3A_284 = arith.addi %add3A_283, %scan3A_177 : i32
      %swap3A_285 = arith.index_cast %add3A_284 : i32 to index
      %swap3A_286 = arith.constant 112 : index
      %swap3A_287 = tpu.vector_load %arg23[%swap3A_285, %swap3A_286] {strides = array<i32>} : memref<64x128xf32, #tpu.memory_space<vmem>>, vector<1x16xf32>,
      %swap3A_288 = vector.shape_cast %swap3A_287 : vector<1x16xf32> to vector<16xf32>
      %swap3A_289 = vector.shape_cast %broadcast_in_dim3A_3 : vector<16xf32> to vector<1x16xf32>
      tpu.vector_store %arg23[%swap3A_285, %swap3A_286], %swap3A_289 {strides = array<i32>} : memref<64x128xf32, #tpu.memory_space<vmem>>, vector<1x16xf32>,
    }
    %scan3A_8 = arith.constant 7 : i32
    %scan3A_9 = arith.constant 0 : i32
    %scan3A_10 = arith.constant 0 : i32
    %scan3A_11 = arith.constant 7 : i32
    %scan3A_12 = arith.addi %scan3A_10, %scan3A_11 : i32
    %scan3A_13 = arith.constant 1 : i32
    scf.for %scan3A_177 = %scan3A_10 to %scan3A_12 step %scan3A_13  : i32 {
      %add3A_178 = arith.constant 25 : i32
      %add3A_179 = arith.addi %add3A_178, %scan3A_177 : i32
      %swap3A_180 = arith.index_cast %add3A_179 : i32 to index
      %swap3A_181 = arith.constant 0 : index
      %swap3A_182 = tpu.vector_load %arg24[%swap3A_180, %swap3A_181] {strides = array<i32>} : memref<64x128xf32, #tpu.memory_space<vmem>>, vector<1x16xf32>,
      %swap3A_183 = vector.shape_cast %swap3A_182 : vector<1x16xf32> to vector<16xf32>
      %swap3A_184 = vector.shape_cast %broadcast_in_dim3A_3 : vector<16xf32> to vector<1x16xf32>
      tpu.vector_store %arg24[%swap3A_180, %swap3A_181], %swap3A_184 {strides = array<i32>} : memref<64x128xf32, #tpu.memory_space<vmem>>, vector<1x16xf32>,
      %add3A_185 = arith.constant 25 : i32
      %add3A_186 = arith.addi %add3A_185, %scan3A_177 : i32
      %swap3A_187 = arith.index_cast %add3A_186 : i32 to index
      %swap3A_188 = arith.constant 16 : index
      %swap3A_189 = tpu.vector_load %arg24[%swap3A_187, %swap3A_188] {strides = array<i32>} : memref<64x128xf32, #tpu.memory_space<vmem>>, vector<1x16xf32>,
      %swap3A_190 = vector.shape_cast %swap3A_189 : vector<1x16xf32> to vector<16xf32>
      %swap3A_191 = vector.shape_cast %broadcast_in_dim3A_3 : vector<16xf32> to vector<1x16xf32>
      tpu.vector_store %arg24[%swap3A_187, %swap3A_188], %swap3A_191 {strides = array<i32>} : memref<64x128xf32, #tpu.memory_space<vmem>>, vector<1x16xf32>,
      %add3A_192 = arith.constant 25 : i32
      %add3A_193 = arith.addi %add3A_192, %scan3A_177 : i32
      %swap3A_194 = arith.index_cast %add3A_193 : i32 to index
      %swap3A_195 = arith.constant 32 : index
      %swap3A_196 = tpu.vector_load %arg24[%swap3A_194, %swap3A_195] {strides = array<i32>} : memref<64x128xf32, #tpu.memory_space<vmem>>, vector<1x16xf32>,
      %swap3A_197 = vector.shape_cast %swap3A_196 : vector<1x16xf32> to vector<16xf32>
      %swap3A_198 = vector.shape_cast %broadcast_in_dim3A_3 : vector<16xf32> to vector<1x16xf32>
      tpu.vector_store %arg24[%swap3A_194, %swap3A_195], %swap3A_198 {strides = array<i32>} : memref<64x128xf32, #tpu.memory_space<vmem>>, vector<1x16xf32>,
      %add3A_199 = arith.constant 25 : i32
      %add3A_200 = arith.addi %add3A_199, %scan3A_177 : i32
      %swap3A_201 = arith.index_cast %add3A_200 : i32 to index
      %swap3A_202 = arith.constant 48 : index
      %swap3A_203 = tpu.vector_load %arg24[%swap3A_201, %swap3A_202] {strides = array<i32>} : memref<64x128xf32, #tpu.memory_space<vmem>>, vector<1x16xf32>,
      %swap3A_204 = vector.shape_cast %swap3A_203 : vector<1x16xf32> to vector<16xf32>
      %swap3A_205 = vector.shape_cast %broadcast_in_dim3A_3 : vector<16xf32> to vector<1x16xf32>
      tpu.vector_store %arg24[%swap3A_201, %swap3A_202], %swap3A_205 {strides = array<i32>} : memref<64x128xf32, #tpu.memory_space<vmem>>, vector<1x16xf32>,
      %add3A_206 = arith.constant 25 : i32
      %add3A_207 = arith.addi %add3A_206, %scan3A_177 : i32
      %swap3A_208 = arith.index_cast %add3A_207 : i32 to index
      %swap3A_209 = arith.constant 64 : index
      %swap3A_210 = tpu.vector_load %arg24[%swap3A_208, %swap3A_209] {strides = array<i32>} : memref<64x128xf32, #tpu.memory_space<vmem>>, vector<1x16xf32>,
      %swap3A_211 = vector.shape_cast %swap3A_210 : vector<1x16xf32> to vector<16xf32>
      %swap3A_212 = vector.shape_cast %broadcast_in_dim3A_3 : vector<16xf32> to vector<1x16xf32>
      tpu.vector_store %arg24[%swap3A_208, %swap3A_209], %swap3A_212 {strides = array<i32>} : memref<64x128xf32, #tpu.memory_space<vmem>>, vector<1x16xf32>,
      %add3A_213 = arith.constant 25 : i32
      %add3A_214 = arith.addi %add3A_213, %scan3A_177 : i32
      %swap3A_215 = arith.index_cast %add3A_214 : i32 to index
      %swap3A_216 = arith.constant 80 : index
      %swap3A_217 = tpu.vector_load %arg24[%swap3A_215, %swap3A_216] {strides = array<i32>} : memref<64x128xf32, #tpu.memory_space<vmem>>, vector<1x16xf32>,
      %swap3A_218 = vector.shape_cast %swap3A_217 : vector<1x16xf32> to vector<16xf32>
      %swap3A_219 = vector.shape_cast %broadcast_in_dim3A_3 : vector<16xf32> to vector<1x16xf32>
      tpu.vector_store %arg24[%swap3A_215, %swap3A_216], %swap3A_219 {strides = array<i32>} : memref<64x128xf32, #tpu.memory_space<vmem>>, vector<1x16xf32>,
      %add3A_220 = arith.constant 25 : i32
      %add3A_221 = arith.addi %add3A_220, %scan3A_177 : i32
      %swap3A_222 = arith.index_cast %add3A_221 : i32 to index
      %swap3A_223 = arith.constant 96 : index
      %swap3A_224 = tpu.vector_load %arg24[%swap3A_222, %swap3A_223] {strides = array<i32>} : memref<64x128xf32, #tpu.memory_space<vmem>>, vector<1x16xf32>,
      %swap3A_225 = vector.shape_cast %swap3A_224 : vector<1x16xf32> to vector<16xf32>
      %swap3A_226 = vector.shape_cast %broadcast_in_dim3A_3 : vector<16xf32> to vector<1x16xf32>
      tpu.vector_store %arg24[%swap3A_222, %swap3A_223], %swap3A_226 {strides = array<i32>} : memref<64x128xf32, #tpu.memory_space<vmem>>, vector<1x16xf32>,
      %add3A_227 = arith.constant 25 : i32
      %add3A_228 = arith.addi %add3A_227, %scan3A_177 : i32
      %swap3A_229 = arith.index_cast %add3A_228 : i32 to index
      %swap3A_230 = arith.constant 112 : index
      %swap3A_231 = tpu.vector_load %arg24[%swap3A_229, %swap3A_230] {strides = array<i32>} : memref<64x128xf32, #tpu.memory_space<vmem>>, vector<1x16xf32>,
      %swap3A_232 = vector.shape_cast %swap3A_231 : vector<1x16xf32> to vector<16xf32>
      %swap3A_233 = vector.shape_cast %broadcast_in_dim3A_3 : vector<16xf32> to vector<1x16xf32>
      tpu.vector_store %arg24[%swap3A_229, %swap3A_230], %swap3A_233 {strides = array<i32>} : memref<64x128xf32, #tpu.memory_space<vmem>>, vector<1x16xf32>,
      %add3A_234 = arith.constant 57 : i32
      %add3A_235 = arith.addi %add3A_234, %scan3A_177 : i32
      %swap3A_236 = arith.index_cast %add3A_235 : i32 to index
      %swap3A_237 = arith.constant 0 : index
      %swap3A_238 = tpu.vector_load %arg24[%swap3A_236, %swap3A_237] {strides = array<i32>} : memref<64x128xf32, #tpu.memory_space<vmem>>, vector<1x16xf32>,
      %swap3A_239 = vector.shape_cast %swap3A_238 : vector<1x16xf32> to vector<16xf32>
      %swap3A_240 = vector.shape_cast %broadcast_in_dim3A_3 : vector<16xf32> to vector<1x16xf32>
      tpu.vector_store %arg24[%swap3A_236, %swap3A_237], %swap3A_240 {strides = array<i32>} : memref<64x128xf32, #tpu.memory_space<vmem>>, vector<1x16xf32>,
      %add3A_241 = arith.constant 57 : i32
      %add3A_242 = arith.addi %add3A_241, %scan3A_177 : i32
      %swap3A_243 = arith.index_cast %add3A_242 : i32 to index
      %swap3A_244 = arith.constant 16 : index
      %swap3A_245 = tpu.vector_load %arg24[%swap3A_243, %swap3A_244] {strides = array<i32>} : memref<64x128xf32, #tpu.memory_space<vmem>>, vector<1x16xf32>,
      %swap3A_246 = vector.shape_cast %swap3A_245 : vector<1x16xf32> to vector<16xf32>
      %swap3A_247 = vector.shape_cast %broadcast_in_dim3A_3 : vector<16xf32> to vector<1x16xf32>
      tpu.vector_store %arg24[%swap3A_243, %swap3A_244], %swap3A_247 {strides = array<i32>} : memref<64x128xf32, #tpu.memory_space<vmem>>, vector<1x16xf32>,
      %add3A_248 = arith.constant 57 : i32
      %add3A_249 = arith.addi %add3A_248, %scan3A_177 : i32
      %swap3A_250 = arith.index_cast %add3A_249 : i32 to index
      %swap3A_251 = arith.constant 32 : index
      %swap3A_252 = tpu.vector_load %arg24[%swap3A_250, %swap3A_251] {strides = array<i32>} : memref<64x128xf32, #tpu.memory_space<vmem>>, vector<1x16xf32>,
      %swap3A_253 = vector.shape_cast %swap3A_252 : vector<1x16xf32> to vector<16xf32>
      %swap3A_254 = vector.shape_cast %broadcast_in_dim3A_3 : vector<16xf32> to vector<1x16xf32>
      tpu.vector_store %arg24[%swap3A_250, %swap3A_251], %swap3A_254 {strides = array<i32>} : memref<64x128xf32, #tpu.memory_space<vmem>>, vector<1x16xf32>,
      %add3A_255 = arith.constant 57 : i32
      %add3A_256 = arith.addi %add3A_255, %scan3A_177 : i32
      %swap3A_257 = arith.index_cast %add3A_256 : i32 to index
      %swap3A_258 = arith.constant 48 : index
      %swap3A_259 = tpu.vector_load %arg24[%swap3A_257, %swap3A_258] {strides = array<i32>} : memref<64x128xf32, #tpu.memory_space<vmem>>, vector<1x16xf32>,
      %swap3A_260 = vector.shape_cast %swap3A_259 : vector<1x16xf32> to vector<16xf32>
      %swap3A_261 = vector.shape_cast %broadcast_in_dim3A_3 : vector<16xf32> to vector<1x16xf32>
      tpu.vector_store %arg24[%swap3A_257, %swap3A_258], %swap3A_261 {strides = array<i32>} : memref<64x128xf32, #tpu.memory_space<vmem>>, vector<1x16xf32>,
      %add3A_262 = arith.constant 57 : i32
      %add3A_263 = arith.addi %add3A_262, %scan3A_177 : i32
      %swap3A_264 = arith.index_cast %add3A_263 : i32 to index
      %swap3A_265 = arith.constant 64 : index
      %swap3A_266 = tpu.vector_load %arg24[%swap3A_264, %swap3A_265] {strides = array<i32>} : memref<64x128xf32, #tpu.memory_space<vmem>>, vector<1x16xf32>,
      %swap3A_267 = vector.shape_cast %swap3A_266 : vector<1x16xf32> to vector<16xf32>
      %swap3A_268 = vector.shape_cast %broadcast_in_dim3A_3 : vector<16xf32> to vector<1x16xf32>
      tpu.vector_store %arg24[%swap3A_264, %swap3A_265], %swap3A_268 {strides = array<i32>} : memref<64x128xf32, #tpu.memory_space<vmem>>, vector<1x16xf32>,
      %add3A_269 = arith.constant 57 : i32
      %add3A_270 = arith.addi %add3A_269, %scan3A_177 : i32
      %swap3A_271 = arith.index_cast %add3A_270 : i32 to index
      %swap3A_272 = arith.constant 80 : index
      %swap3A_273 = tpu.vector_load %arg24[%swap3A_271, %swap3A_272] {strides = array<i32>} : memref<64x128xf32, #tpu.memory_space<vmem>>, vector<1x16xf32>,
      %swap3A_274 = vector.shape_cast %swap3A_273 : vector<1x16xf32> to vector<16xf32>
      %swap3A_275 = vector.shape_cast %broadcast_in_dim3A_3 : vector<16xf32> to vector<1x16xf32>
      tpu.vector_store %arg24[%swap3A_271, %swap3A_272], %swap3A_275 {strides = array<i32>} : memref<64x128xf32, #tpu.memory_space<vmem>>, vector<1x16xf32>,
      %add3A_276 = arith.constant 57 : i32
      %add3A_277 = arith.addi %add3A_276, %scan3A_177 : i32
      %swap3A_278 = arith.index_cast %add3A_277 : i32 to index
      %swap3A_279 = arith.constant 96 : index
      %swap3A_280 = tpu.vector_load %arg24[%swap3A_278, %swap3A_279] {strides = array<i32>} : memref<64x128xf32, #tpu.memory_space<vmem>>, vector<1x16xf32>,
      %swap3A_281 = vector.shape_cast %swap3A_280 : vector<1x16xf32> to vector<16xf32>
      %swap3A_282 = vector.shape_cast %broadcast_in_dim3A_3 : vector<16xf32> to vector<1x16xf32>
      tpu.vector_store %arg24[%swap3A_278, %swap3A_279], %swap3A_282 {strides = array<i32>} : memref<64x128xf32, #tpu.memory_space<vmem>>, vector<1x16xf32>,
      %add3A_283 = arith.constant 57 : i32
      %add3A_284 = arith.addi %add3A_283, %scan3A_177 : i32
      %swap3A_285 = arith.index_cast %add3A_284 : i32 to index
      %swap3A_286 = arith.constant 112 : index
      %swap3A_287 = tpu.vector_load %arg24[%swap3A_285, %swap3A_286] {strides = array<i32>} : memref<64x128xf32, #tpu.memory_space<vmem>>, vector<1x16xf32>,
      %swap3A_288 = vector.shape_cast %swap3A_287 : vector<1x16xf32> to vector<16xf32>
      %swap3A_289 = vector.shape_cast %broadcast_in_dim3A_3 : vector<16xf32> to vector<1x16xf32>
      tpu.vector_store %arg24[%swap3A_285, %swap3A_286], %swap3A_289 {strides = array<i32>} : memref<64x128xf32, #tpu.memory_space<vmem>>, vector<1x16xf32>,
    }
    %scan3A_14 = arith.constant 7 : i32
    %get3A = arith.constant 0 : i32
    %get3A_15 = arith.index_cast %get3A : i32 to index
    %get3A_16 = arith.constant 0 : index
    %get3A_17 = tpu.vector_load %arg15[%get3A_15, %get3A_16] {strides = array<i32>} : memref<128x50xi32, #tpu.memory_space<vmem>>, vector<1x16xi32>,
    %get3A_18 = vector.shape_cast %get3A_17 : vector<1x16xi32> to vector<16xi32>
    %swap3A = arith.constant 0 : index
    %swap3A_19 = tpu.vector_load %arg19[%swap3A] {strides = array<i32>} : memref<100xi32, #tpu.memory_space<vmem>>, vector<16xi32>,
    %swap3A_20 = vector.shape_cast %swap3A_19 : vector<16xi32> to vector<16xi32>
    %swap3A_21 = vector.shape_cast %get3A_18 : vector<16xi32> to vector<16xi32>
    tpu.vector_store %arg19[%swap3A], %swap3A_21 {strides = array<i32>} : memref<100xi32, #tpu.memory_space<vmem>>, vector<16xi32>,
    %get3A_22 = arith.constant 0 : i32
    %get3A_23 = arith.index_cast %get3A_22 : i32 to index
    %get3A_24 = arith.constant 16 : index
    %get3A_25 = tpu.vector_load %arg15[%get3A_23, %get3A_24] {strides = array<i32>} : memref<128x50xi32, #tpu.memory_space<vmem>>, vector<1x16xi32>,
    %get3A_26 = vector.shape_cast %get3A_25 : vector<1x16xi32> to vector<16xi32>
    %swap3A_27 = arith.constant 16 : index
    %swap3A_28 = tpu.vector_load %arg19[%swap3A_27] {strides = array<i32>} : memref<100xi32, #tpu.memory_space<vmem>>, vector<16xi32>,
    %swap3A_29 = vector.shape_cast %swap3A_28 : vector<16xi32> to vector<16xi32>
    %swap3A_30 = vector.shape_cast %get3A_26 : vector<16xi32> to vector<16xi32>
    tpu.vector_store %arg19[%swap3A_27], %swap3A_30 {strides = array<i32>} : memref<100xi32, #tpu.memory_space<vmem>>, vector<16xi32>,
    %get3A_31 = arith.constant 0 : i32
    %get3A_32 = arith.index_cast %get3A_31 : i32 to index
    %get3A_33 = arith.constant 32 : index
    %get3A_34 = tpu.vector_load %arg15[%get3A_32, %get3A_33] {strides = array<i32>} : memref<128x50xi32, #tpu.memory_space<vmem>>, vector<1x16xi32>,
    %get3A_35 = vector.shape_cast %get3A_34 : vector<1x16xi32> to vector<16xi32>
    %swap3A_36 = arith.constant 32 : index
    %swap3A_37 = tpu.vector_load %arg19[%swap3A_36] {strides = array<i32>} : memref<100xi32, #tpu.memory_space<vmem>>, vector<16xi32>,
    %swap3A_38 = vector.shape_cast %swap3A_37 : vector<16xi32> to vector<16xi32>
    %swap3A_39 = vector.shape_cast %get3A_35 : vector<16xi32> to vector<16xi32>
    tpu.vector_store %arg19[%swap3A_36], %swap3A_39 {strides = array<i32>} : memref<100xi32, #tpu.memory_space<vmem>>, vector<16xi32>,
    %get3A_40 = arith.constant 0 : i32
    %get3A_41 = arith.index_cast %get3A_40 : i32 to index
    %get3A_42 = arith.constant 34 : index
    %get3A_43 = tpu.vector_load %arg15[%get3A_41, %get3A_42] {strides = array<i32>} : memref<128x50xi32, #tpu.memory_space<vmem>>, vector<1x16xi32>,
    %get3A_44 = vector.shape_cast %get3A_43 : vector<1x16xi32> to vector<16xi32>
    %swap3A_45 = arith.constant 34 : index
    %swap3A_46 = tpu.vector_load %arg19[%swap3A_45] {strides = array<i32>} : memref<100xi32, #tpu.memory_space<vmem>>, vector<16xi32>,
    %swap3A_47 = vector.shape_cast %swap3A_46 : vector<16xi32> to vector<16xi32>
    %swap3A_48 = vector.shape_cast %get3A_44 : vector<16xi32> to vector<16xi32>
    tpu.vector_store %arg19[%swap3A_45], %swap3A_48 {strides = array<i32>} : memref<100xi32, #tpu.memory_space<vmem>>, vector<16xi32>,
    %get3A_49 = arith.constant 1 : i32
    %get3A_50 = arith.index_cast %get3A_49 : i32 to index
    %get3A_51 = arith.constant 0 : index
    %get3A_52 = tpu.vector_load %arg15[%get3A_50, %get3A_51] {strides = array<i32>} : memref<128x50xi32, #tpu.memory_space<vmem>>, vector<1x16xi32>,
    %get3A_53 = vector.shape_cast %get3A_52 : vector<1x16xi32> to vector<16xi32>
    %swap3A_54 = arith.constant 50 : index
    %swap3A_55 = tpu.vector_load %arg19[%swap3A_54] {strides = array<i32>} : memref<100xi32, #tpu.memory_space<vmem>>, vector<16xi32>,
    %swap3A_56 = vector.shape_cast %swap3A_55 : vector<16xi32> to vector<16xi32>
    %swap3A_57 = vector.shape_cast %get3A_53 : vector<16xi32> to vector<16xi32>
    tpu.vector_store %arg19[%swap3A_54], %swap3A_57 {strides = array<i32>} : memref<100xi32, #tpu.memory_space<vmem>>, vector<16xi32>,
    %get3A_58 = arith.constant 1 : i32
    %get3A_59 = arith.index_cast %get3A_58 : i32 to index
    %get3A_60 = arith.constant 16 : index
    %get3A_61 = tpu.vector_load %arg15[%get3A_59, %get3A_60] {strides = array<i32>} : memref<128x50xi32, #tpu.memory_space<vmem>>, vector<1x16xi32>,
    %get3A_62 = vector.shape_cast %get3A_61 : vector<1x16xi32> to vector<16xi32>
    %swap3A_63 = arith.constant 66 : index
    %swap3A_64 = tpu.vector_load %arg19[%swap3A_63] {strides = array<i32>} : memref<100xi32, #tpu.memory_space<vmem>>, vector<16xi32>,
    %swap3A_65 = vector.shape_cast %swap3A_64 : vector<16xi32> to vector<16xi32>
    %swap3A_66 = vector.shape_cast %get3A_62 : vector<16xi32> to vector<16xi32>
    tpu.vector_store %arg19[%swap3A_63], %swap3A_66 {strides = array<i32>} : memref<100xi32, #tpu.memory_space<vmem>>, vector<16xi32>,
    %get3A_67 = arith.constant 1 : i32
    %get3A_68 = arith.index_cast %get3A_67 : i32 to index
    %get3A_69 = arith.constant 32 : index
    %get3A_70 = tpu.vector_load %arg15[%get3A_68, %get3A_69] {strides = array<i32>} : memref<128x50xi32, #tpu.memory_space<vmem>>, vector<1x16xi32>,
    %get3A_71 = vector.shape_cast %get3A_70 : vector<1x16xi32> to vector<16xi32>
    %swap3A_72 = arith.constant 82 : index
    %swap3A_73 = tpu.vector_load %arg19[%swap3A_72] {strides = array<i32>} : memref<100xi32, #tpu.memory_space<vmem>>, vector<16xi32>,
    %swap3A_74 = vector.shape_cast %swap3A_73 : vector<16xi32> to vector<16xi32>
    %swap3A_75 = vector.shape_cast %get3A_71 : vector<16xi32> to vector<16xi32>
    tpu.vector_store %arg19[%swap3A_72], %swap3A_75 {strides = array<i32>} : memref<100xi32, #tpu.memory_space<vmem>>, vector<16xi32>,
    %get3A_76 = arith.constant 1 : i32
    %get3A_77 = arith.index_cast %get3A_76 : i32 to index
    %get3A_78 = arith.constant 34 : index
    %get3A_79 = tpu.vector_load %arg15[%get3A_77, %get3A_78] {strides = array<i32>} : memref<128x50xi32, #tpu.memory_space<vmem>>, vector<1x16xi32>,
    %get3A_80 = vector.shape_cast %get3A_79 : vector<1x16xi32> to vector<16xi32>
    %swap3A_81 = arith.constant 84 : index
    %swap3A_82 = tpu.vector_load %arg19[%swap3A_81] {strides = array<i32>} : memref<100xi32, #tpu.memory_space<vmem>>, vector<16xi32>,
    %swap3A_83 = vector.shape_cast %swap3A_82 : vector<16xi32> to vector<16xi32>
    %swap3A_84 = vector.shape_cast %get3A_80 : vector<16xi32> to vector<16xi32>
    tpu.vector_store %arg19[%swap3A_81], %swap3A_84 {strides = array<i32>} : memref<100xi32, #tpu.memory_space<vmem>>, vector<16xi32>,
    %dma_start3A = arith.constant 0 : i32
    %dma_start3A_85 = arith.constant 0 : i32
    %dma_start3A_86 = tpu.memref_slice %arg11[%dma_start3A, %dma_start3A_85] : memref<100000x64xf32, #tpu.memory_space<hbm>> -> memref<100000x64xf32, #tpu.memory_space<hbm>>
    tpu.enqueue_indirect_dma source(%dma_start3A_86 : memref<100000x64xf32, #tpu.memory_space<hbm>>) target(%arg21 : memref<100x64xf32, #tpu.memory_space<vmem>>) offsets(%arg19 : memref<100xi32, #tpu.memory_space<vmem>>) semaphore(%arg25 : memref<!tpu.dma_semaphore, #tpu.memory_space<semaphore_mem>>)
    %scan3A_87 = arith.constant 0 : i32
    %scan3A_88 = arith.constant 0 : i32
    %scan3A_89 = arith.constant 32 : i32
    %scan3A_90 = arith.addi %scan3A_88, %scan3A_89 : i32
    %scan3A_91 = arith.constant 1 : i32
    scf.for %scan3A_177 = %scan3A_88 to %scan3A_90 step %scan3A_91  : i32 {
      %mul3A_178 = arith.constant 2 : i32
      %mul3A_179 = arith.muli %mul3A_178, %scan3A_177 : i32
      %add3A_180 = arith.constant 0 : i32
      %add3A_181 = arith.addi %mul3A_179, %add3A_180 : i32
      %add3A_182 = arith.constant 1 : i32
      %add3A_183 = arith.addi %add3A_181, %add3A_182 : i32
      %lt3A = arith.constant 64 : i32
      %lt3A_184 = arith.cmpi slt, %add3A_183, %lt3A : i32
      %convert_element_type3A = arith.extui %lt3A_184 : i1 to i32
      %cond3A = arith.constant 0 : i32
      %cond3A_185 = arith.cmpi ne, %convert_element_type3A, %cond3A : i32
      scf.if %cond3A_185 {
        %add3A_242 = arith.constant 1 : i32
        %add3A_243 = arith.addi %add3A_181, %add3A_242 : i32
        %mul3A_244 = arith.constant 2 : i32
        %mul3A_245 = arith.muli %mul3A_244, %add3A_243 : i32
        %add3A_246 = arith.constant 0 : i32
        %add3A_247 = arith.addi %mul3A_245, %add3A_246 : i32
        %get3A_248 = arith.index_cast %add3A_247 : i32 to index
        %get3A_249 = arith.constant 0 : index
        %get3A_250 = tpu.vector_load %arg15[%get3A_248, %get3A_249] {strides = array<i32>} : memref<128x50xi32, #tpu.memory_space<vmem>>, vector<1x16xi32>,
        %get3A_251 = vector.shape_cast %get3A_250 : vector<1x16xi32> to vector<16xi32>
        %swap3A_252 = arith.constant 0 : index
        %swap3A_253 = tpu.vector_load %arg20[%swap3A_252] {strides = array<i32>} : memref<100xi32, #tpu.memory_space<vmem>>, vector<16xi32>,
        %swap3A_254 = vector.shape_cast %swap3A_253 : vector<16xi32> to vector<16xi32>
        %swap3A_255 = vector.shape_cast %get3A_251 : vector<16xi32> to vector<16xi32>
        tpu.vector_store %arg20[%swap3A_252], %swap3A_255 {strides = array<i32>} : memref<100xi32, #tpu.memory_space<vmem>>, vector<16xi32>,
        %get3A_256 = arith.index_cast %add3A_247 : i32 to index
        %get3A_257 = arith.constant 16 : index
        %get3A_258 = tpu.vector_load %arg15[%get3A_256, %get3A_257] {strides = array<i32>} : memref<128x50xi32, #tpu.memory_space<vmem>>, vector<1x16xi32>,
        %get3A_259 = vector.shape_cast %get3A_258 : vector<1x16xi32> to vector<16xi32>
        %swap3A_260 = arith.constant 16 : index
        %swap3A_261 = tpu.vector_load %arg20[%swap3A_260] {strides = array<i32>} : memref<100xi32, #tpu.memory_space<vmem>>, vector<16xi32>,
        %swap3A_262 = vector.shape_cast %swap3A_261 : vector<16xi32> to vector<16xi32>
        %swap3A_263 = vector.shape_cast %get3A_259 : vector<16xi32> to vector<16xi32>
        tpu.vector_store %arg20[%swap3A_260], %swap3A_263 {strides = array<i32>} : memref<100xi32, #tpu.memory_space<vmem>>, vector<16xi32>,
        %get3A_264 = arith.index_cast %add3A_247 : i32 to index
        %get3A_265 = arith.constant 32 : index
        %get3A_266 = tpu.vector_load %arg15[%get3A_264, %get3A_265] {strides = array<i32>} : memref<128x50xi32, #tpu.memory_space<vmem>>, vector<1x16xi32>,
        %get3A_267 = vector.shape_cast %get3A_266 : vector<1x16xi32> to vector<16xi32>
        %swap3A_268 = arith.constant 32 : index
        %swap3A_269 = tpu.vector_load %arg20[%swap3A_268] {strides = array<i32>} : memref<100xi32, #tpu.memory_space<vmem>>, vector<16xi32>,
        %swap3A_270 = vector.shape_cast %swap3A_269 : vector<16xi32> to vector<16xi32>
        %swap3A_271 = vector.shape_cast %get3A_267 : vector<16xi32> to vector<16xi32>
        tpu.vector_store %arg20[%swap3A_268], %swap3A_271 {strides = array<i32>} : memref<100xi32, #tpu.memory_space<vmem>>, vector<16xi32>,
        %get3A_272 = arith.index_cast %add3A_247 : i32 to index
        %get3A_273 = arith.constant 34 : index
        %get3A_274 = tpu.vector_load %arg15[%get3A_272, %get3A_273] {strides = array<i32>} : memref<128x50xi32, #tpu.memory_space<vmem>>, vector<1x16xi32>,
        %get3A_275 = vector.shape_cast %get3A_274 : vector<1x16xi32> to vector<16xi32>
        %swap3A_276 = arith.constant 34 : index
        %swap3A_277 = tpu.vector_load %arg20[%swap3A_276] {strides = array<i32>} : memref<100xi32, #tpu.memory_space<vmem>>, vector<16xi32>,
        %swap3A_278 = vector.shape_cast %swap3A_277 : vector<16xi32> to vector<16xi32>
        %swap3A_279 = vector.shape_cast %get3A_275 : vector<16xi32> to vector<16xi32>
        tpu.vector_store %arg20[%swap3A_276], %swap3A_279 {strides = array<i32>} : memref<100xi32, #tpu.memory_space<vmem>>, vector<16xi32>,
        %mul3A_280 = arith.constant 2 : i32
        %mul3A_281 = arith.muli %mul3A_280, %add3A_243 : i32
        %add3A_282 = arith.constant 1 : i32
        %add3A_283 = arith.addi %mul3A_281, %add3A_282 : i32
        %get3A_284 = arith.index_cast %add3A_283 : i32 to index
        %get3A_285 = arith.constant 0 : index
        %get3A_286 = tpu.vector_load %arg15[%get3A_284, %get3A_285] {strides = array<i32>} : memref<128x50xi32, #tpu.memory_space<vmem>>, vector<1x16xi32>,
        %get3A_287 = vector.shape_cast %get3A_286 : vector<1x16xi32> to vector<16xi32>
        %swap3A_288 = arith.constant 50 : index
        %swap3A_289 = tpu.vector_load %arg20[%swap3A_288] {strides = array<i32>} : memref<100xi32, #tpu.memory_space<vmem>>, vector<16xi32>,
        %swap3A_290 = vector.shape_cast %swap3A_289 : vector<16xi32> to vector<16xi32>
        %swap3A_291 = vector.shape_cast %get3A_287 : vector<16xi32> to vector<16xi32>
        tpu.vector_store %arg20[%swap3A_288], %swap3A_291 {strides = array<i32>} : memref<100xi32, #tpu.memory_space<vmem>>, vector<16xi32>,
        %get3A_292 = arith.index_cast %add3A_283 : i32 to index
        %get3A_293 = arith.constant 16 : index
        %get3A_294 = tpu.vector_load %arg15[%get3A_292, %get3A_293] {strides = array<i32>} : memref<128x50xi32, #tpu.memory_space<vmem>>, vector<1x16xi32>,
        %get3A_295 = vector.shape_cast %get3A_294 : vector<1x16xi32> to vector<16xi32>
        %swap3A_296 = arith.constant 66 : index
        %swap3A_297 = tpu.vector_load %arg20[%swap3A_296] {strides = array<i32>} : memref<100xi32, #tpu.memory_space<vmem>>, vector<16xi32>,
        %swap3A_298 = vector.shape_cast %swap3A_297 : vector<16xi32> to vector<16xi32>
        %swap3A_299 = vector.shape_cast %get3A_295 : vector<16xi32> to vector<16xi32>
        tpu.vector_store %arg20[%swap3A_296], %swap3A_299 {strides = array<i32>} : memref<100xi32, #tpu.memory_space<vmem>>, vector<16xi32>,
        %get3A_300 = arith.index_cast %add3A_283 : i32 to index
        %get3A_301 = arith.constant 32 : index
        %get3A_302 = tpu.vector_load %arg15[%get3A_300, %get3A_301] {strides = array<i32>} : memref<128x50xi32, #tpu.memory_space<vmem>>, vector<1x16xi32>,
        %get3A_303 = vector.shape_cast %get3A_302 : vector<1x16xi32> to vector<16xi32>
        %swap3A_304 = arith.constant 82 : index
        %swap3A_305 = tpu.vector_load %arg20[%swap3A_304] {strides = array<i32>} : memref<100xi32, #tpu.memory_space<vmem>>, vector<16xi32>,
        %swap3A_306 = vector.shape_cast %swap3A_305 : vector<16xi32> to vector<16xi32>
        %swap3A_307 = vector.shape_cast %get3A_303 : vector<16xi32> to vector<16xi32>
        tpu.vector_store %arg20[%swap3A_304], %swap3A_307 {strides = array<i32>} : memref<100xi32, #tpu.memory_space<vmem>>, vector<16xi32>,
        %get3A_308 = arith.index_cast %add3A_283 : i32 to index
        %get3A_309 = arith.constant 34 : index
        %get3A_310 = tpu.vector_load %arg15[%get3A_308, %get3A_309] {strides = array<i32>} : memref<128x50xi32, #tpu.memory_space<vmem>>, vector<1x16xi32>,
        %get3A_311 = vector.shape_cast %get3A_310 : vector<1x16xi32> to vector<16xi32>
        %swap3A_312 = arith.constant 84 : index
        %swap3A_313 = tpu.vector_load %arg20[%swap3A_312] {strides = array<i32>} : memref<100xi32, #tpu.memory_space<vmem>>, vector<16xi32>,
        %swap3A_314 = vector.shape_cast %swap3A_313 : vector<16xi32> to vector<16xi32>
        %swap3A_315 = vector.shape_cast %get3A_311 : vector<16xi32> to vector<16xi32>
        tpu.vector_store %arg20[%swap3A_312], %swap3A_315 {strides = array<i32>} : memref<100xi32, #tpu.memory_space<vmem>>, vector<16xi32>,
        %dma_start3A_316 = arith.constant 0 : i32
        %dma_start3A_317 = arith.constant 0 : i32
        %dma_start3A_318 = tpu.memref_slice %arg11[%dma_start3A_316, %dma_start3A_317] : memref<100000x64xf32, #tpu.memory_space<hbm>> -> memref<100000x64xf32, #tpu.memory_space<hbm>>
        tpu.enqueue_indirect_dma source(%dma_start3A_318 : memref<100000x64xf32, #tpu.memory_space<hbm>>) target(%arg22 : memref<100x64xf32, #tpu.memory_space<vmem>>) offsets(%arg20 : memref<100xi32, #tpu.memory_space<vmem>>) semaphore(%arg26 : memref<!tpu.dma_semaphore, #tpu.memory_space<semaphore_mem>>)
      } else {
      }
      %dma_wait3A_186 = arith.constant 0 : i32
      %dma_wait3A_187 = arith.constant 0 : i32
      %dma_wait3A_188 = tpu.memref_slice %arg11[%dma_wait3A_186, %dma_wait3A_187] : memref<100000x64xf32, #tpu.memory_space<hbm>> -> memref<100000x64xf32, #tpu.memory_space<hbm>>
      tpu.wait_indirect_dma semaphore(%arg25 : memref<!tpu.dma_semaphore, #tpu.memory_space<semaphore_mem>>) src(%dma_wait3A_188 : memref<100000x64xf32, #tpu.memory_space<hbm>>) dst(%arg21 : memref<100x64xf32, #tpu.memory_space<vmem>>)
      %ge3A = arith.constant 2 : i32
      %ge3A_189 = arith.cmpi sge, %add3A_181, %ge3A : i32
      %convert_element_type3A_190 = arith.extui %ge3A_189 : i1 to i32
      %cond3A_191 = arith.constant 0 : i32
      %cond3A_192 = arith.cmpi ne, %convert_element_type3A_190, %cond3A_191 : i32
      scf.if %cond3A_192 {
        %sub3A = arith.constant 2 : i32
        %sub3A_242 = arith.subi %add3A_181, %sub3A : i32
        %mul3A_243 = arith.constant 64 : i32
        %mul3A_244 = arith.muli %add3A, %mul3A_243 : i32
        %add3A_245 = arith.addi %mul3A_244, %sub3A_242 : i32
        %mul3A_246 = arith.constant 64 : i32
        %mul3A_247 = arith.muli %add3A_245, %mul3A_246 : i32
        %dma_wait3A_248 = arith.constant 0 : i32
        %dma_wait3A_249 = tpu.memref_slice %arg12[%mul3A_247, %dma_wait3A_248] : memref<131072x128xf32, #tpu.memory_space<hbm>> -> memref<64x128xf32, #tpu.memory_space<hbm>>
        %dma_wait3A_250 = arith.constant 0 : i32
        %dma_wait3A_251 = tpu.memref_slice %arg12[%mul3A_247, %dma_wait3A_250] : memref<131072x128xf32, #tpu.memory_space<hbm>> -> memref<64x128xf32, #tpu.memory_space<hbm>>
        tpu.wait_dma2 semaphore(%arg27 : memref<!tpu.dma_semaphore, #tpu.memory_space<semaphore_mem>>) src(%arg23 : memref<64x128xf32, #tpu.memory_space<vmem>>) dst(%dma_wait3A_251 : memref<64x128xf32, #tpu.memory_space<hbm>>)
      } else {
      }
      %scan3A_193 = arith.constant 0 : i32
      %scan3A_194 = arith.constant 0 : i32
      %scan3A_195 = arith.constant 25 : i32
      %scan3A_196 = arith.addi %scan3A_194, %scan3A_195 : i32
      %scan3A_197 = arith.constant 1 : i32
      scf.for %scan3A_242 = %scan3A_194 to %scan3A_196 step %scan3A_197  : i32 {
        %mul3A_243 = arith.constant 2 : i32
        %mul3A_244 = arith.muli %mul3A_243, %scan3A_242 : i32
        %add3A_245 = arith.constant 0 : i32
        %add3A_246 = arith.addi %add3A_245, %mul3A_244 : i32
        %add3A_247 = arith.constant 0 : i32
        %add3A_248 = arith.addi %add3A_246, %add3A_247 : i32
        %add3A_249 = arith.constant 0 : i32
        %add3A_250 = arith.addi %add3A_249, %scan3A_242 : i32
        %get3A_251 = arith.index_cast %add3A_248 : i32 to index
        %get3A_252 = arith.constant 0 : index
        %get3A_253 = tpu.vector_load %arg21[%get3A_251, %get3A_252] {strides = array<i32>} : memref<100x64xf32, #tpu.memory_space<vmem>>, vector<1x16xf32>,
        %get3A_254 = vector.shape_cast %get3A_253 : vector<1x16xf32> to vector<16xf32>
        %swap3A_255 = arith.index_cast %add3A_250 : i32 to index
        %swap3A_256 = arith.constant 0 : index
        %swap3A_257 = tpu.vector_load %arg23[%swap3A_255, %swap3A_256] {strides = array<i32>} : memref<64x128xf32, #tpu.memory_space<vmem>>, vector<1x16xf32>,
        %swap3A_258 = vector.shape_cast %swap3A_257 : vector<1x16xf32> to vector<16xf32>
        %swap3A_259 = vector.shape_cast %get3A_254 : vector<16xf32> to vector<1x16xf32>
        tpu.vector_store %arg23[%swap3A_255, %swap3A_256], %swap3A_259 {strides = array<i32>} : memref<64x128xf32, #tpu.memory_space<vmem>>, vector<1x16xf32>,
        %get3A_260 = arith.index_cast %add3A_248 : i32 to index
        %get3A_261 = arith.constant 16 : index
        %get3A_262 = tpu.vector_load %arg21[%get3A_260, %get3A_261] {strides = array<i32>} : memref<100x64xf32, #tpu.memory_space<vmem>>, vector<1x16xf32>,
        %get3A_263 = vector.shape_cast %get3A_262 : vector<1x16xf32> to vector<16xf32>
        %swap3A_264 = arith.index_cast %add3A_250 : i32 to index
        %swap3A_265 = arith.constant 16 : index
        %swap3A_266 = tpu.vector_load %arg23[%swap3A_264, %swap3A_265] {strides = array<i32>} : memref<64x128xf32, #tpu.memory_space<vmem>>, vector<1x16xf32>,
        %swap3A_267 = vector.shape_cast %swap3A_266 : vector<1x16xf32> to vector<16xf32>
        %swap3A_268 = vector.shape_cast %get3A_263 : vector<16xf32> to vector<1x16xf32>
        tpu.vector_store %arg23[%swap3A_264, %swap3A_265], %swap3A_268 {strides = array<i32>} : memref<64x128xf32, #tpu.memory_space<vmem>>, vector<1x16xf32>,
        %get3A_269 = arith.index_cast %add3A_248 : i32 to index
        %get3A_270 = arith.constant 32 : index
        %get3A_271 = tpu.vector_load %arg21[%get3A_269, %get3A_270] {strides = array<i32>} : memref<100x64xf32, #tpu.memory_space<vmem>>, vector<1x16xf32>,
        %get3A_272 = vector.shape_cast %get3A_271 : vector<1x16xf32> to vector<16xf32>
        %swap3A_273 = arith.index_cast %add3A_250 : i32 to index
        %swap3A_274 = arith.constant 32 : index
        %swap3A_275 = tpu.vector_load %arg23[%swap3A_273, %swap3A_274] {strides = array<i32>} : memref<64x128xf32, #tpu.memory_space<vmem>>, vector<1x16xf32>,
        %swap3A_276 = vector.shape_cast %swap3A_275 : vector<1x16xf32> to vector<16xf32>
        %swap3A_277 = vector.shape_cast %get3A_272 : vector<16xf32> to vector<1x16xf32>
        tpu.vector_store %arg23[%swap3A_273, %swap3A_274], %swap3A_277 {strides = array<i32>} : memref<64x128xf32, #tpu.memory_space<vmem>>, vector<1x16xf32>,
        %get3A_278 = arith.index_cast %add3A_248 : i32 to index
        %get3A_279 = arith.constant 48 : index
        %get3A_280 = tpu.vector_load %arg21[%get3A_278, %get3A_279] {strides = array<i32>} : memref<100x64xf32, #tpu.memory_space<vmem>>, vector<1x16xf32>,
        %get3A_281 = vector.shape_cast %get3A_280 : vector<1x16xf32> to vector<16xf32>
        %swap3A_282 = arith.index_cast %add3A_250 : i32 to index
        %swap3A_283 = arith.constant 48 : index
        %swap3A_284 = tpu.vector_load %arg23[%swap3A_282, %swap3A_283] {strides = array<i32>} : memref<64x128xf32, #tpu.memory_space<vmem>>, vector<1x16xf32>,
        %swap3A_285 = vector.shape_cast %swap3A_284 : vector<1x16xf32> to vector<16xf32>
        %swap3A_286 = vector.shape_cast %get3A_281 : vector<16xf32> to vector<1x16xf32>
        tpu.vector_store %arg23[%swap3A_282, %swap3A_283], %swap3A_286 {strides = array<i32>} : memref<64x128xf32, #tpu.memory_space<vmem>>, vector<1x16xf32>,
        %mul3A_287 = arith.constant 2 : i32
        %mul3A_288 = arith.muli %mul3A_287, %scan3A_242 : i32
        %add3A_289 = arith.constant 0 : i32
        %add3A_290 = arith.addi %add3A_289, %mul3A_288 : i32
        %add3A_291 = arith.constant 1 : i32
        %add3A_292 = arith.addi %add3A_290, %add3A_291 : i32
        %add3A_293 = arith.constant 0 : i32
        %add3A_294 = arith.addi %add3A_293, %scan3A_242 : i32
        %get3A_295 = arith.index_cast %add3A_292 : i32 to index
        %get3A_296 = arith.constant 0 : index
        %get3A_297 = tpu.vector_load %arg21[%get3A_295, %get3A_296] {strides = array<i32>} : memref<100x64xf32, #tpu.memory_space<vmem>>, vector<1x16xf32>,
        %get3A_298 = vector.shape_cast %get3A_297 : vector<1x16xf32> to vector<16xf32>
        %swap3A_299 = arith.index_cast %add3A_294 : i32 to index
        %swap3A_300 = arith.constant 64 : index
        %swap3A_301 = tpu.vector_load %arg23[%swap3A_299, %swap3A_300] {strides = array<i32>} : memref<64x128xf32, #tpu.memory_space<vmem>>, vector<1x16xf32>,
        %swap3A_302 = vector.shape_cast %swap3A_301 : vector<1x16xf32> to vector<16xf32>
        %swap3A_303 = vector.shape_cast %get3A_298 : vector<16xf32> to vector<1x16xf32>
        tpu.vector_store %arg23[%swap3A_299, %swap3A_300], %swap3A_303 {strides = array<i32>} : memref<64x128xf32, #tpu.memory_space<vmem>>, vector<1x16xf32>,
        %get3A_304 = arith.index_cast %add3A_292 : i32 to index
        %get3A_305 = arith.constant 16 : index
        %get3A_306 = tpu.vector_load %arg21[%get3A_304, %get3A_305] {strides = array<i32>} : memref<100x64xf32, #tpu.memory_space<vmem>>, vector<1x16xf32>,
        %get3A_307 = vector.shape_cast %get3A_306 : vector<1x16xf32> to vector<16xf32>
        %swap3A_308 = arith.index_cast %add3A_294 : i32 to index
        %swap3A_309 = arith.constant 80 : index
        %swap3A_310 = tpu.vector_load %arg23[%swap3A_308, %swap3A_309] {strides = array<i32>} : memref<64x128xf32, #tpu.memory_space<vmem>>, vector<1x16xf32>,
        %swap3A_311 = vector.shape_cast %swap3A_310 : vector<1x16xf32> to vector<16xf32>
        %swap3A_312 = vector.shape_cast %get3A_307 : vector<16xf32> to vector<1x16xf32>
        tpu.vector_store %arg23[%swap3A_308, %swap3A_309], %swap3A_312 {strides = array<i32>} : memref<64x128xf32, #tpu.memory_space<vmem>>, vector<1x16xf32>,
        %get3A_313 = arith.index_cast %add3A_292 : i32 to index
        %get3A_314 = arith.constant 32 : index
        %get3A_315 = tpu.vector_load %arg21[%get3A_313, %get3A_314] {strides = array<i32>} : memref<100x64xf32, #tpu.memory_space<vmem>>, vector<1x16xf32>,
        %get3A_316 = vector.shape_cast %get3A_315 : vector<1x16xf32> to vector<16xf32>
        %swap3A_317 = arith.index_cast %add3A_294 : i32 to index
        %swap3A_318 = arith.constant 96 : index
        %swap3A_319 = tpu.vector_load %arg23[%swap3A_317, %swap3A_318] {strides = array<i32>} : memref<64x128xf32, #tpu.memory_space<vmem>>, vector<1x16xf32>,
        %swap3A_320 = vector.shape_cast %swap3A_319 : vector<1x16xf32> to vector<16xf32>
        %swap3A_321 = vector.shape_cast %get3A_316 : vector<16xf32> to vector<1x16xf32>
        tpu.vector_store %arg23[%swap3A_317, %swap3A_318], %swap3A_321 {strides = array<i32>} : memref<64x128xf32, #tpu.memory_space<vmem>>, vector<1x16xf32>,
        %get3A_322 = arith.index_cast %add3A_292 : i32 to index
        %get3A_323 = arith.constant 48 : index
        %get3A_324 = tpu.vector_load %arg21[%get3A_322, %get3A_323] {strides = array<i32>} : memref<100x64xf32, #tpu.memory_space<vmem>>, vector<1x16xf32>,
        %get3A_325 = vector.shape_cast %get3A_324 : vector<1x16xf32> to vector<16xf32>
        %swap3A_326 = arith.index_cast %add3A_294 : i32 to index
        %swap3A_327 = arith.constant 112 : index
        %swap3A_328 = tpu.vector_load %arg23[%swap3A_326, %swap3A_327] {strides = array<i32>} : memref<64x128xf32, #tpu.memory_space<vmem>>, vector<1x16xf32>,
        %swap3A_329 = vector.shape_cast %swap3A_328 : vector<1x16xf32> to vector<16xf32>
        %swap3A_330 = vector.shape_cast %get3A_325 : vector<16xf32> to vector<1x16xf32>
        tpu.vector_store %arg23[%swap3A_326, %swap3A_327], %swap3A_330 {strides = array<i32>} : memref<64x128xf32, #tpu.memory_space<vmem>>, vector<1x16xf32>,
        %mul3A_331 = arith.constant 2 : i32
        %mul3A_332 = arith.muli %mul3A_331, %scan3A_242 : i32
        %add3A_333 = arith.constant 50 : i32
        %add3A_334 = arith.addi %add3A_333, %mul3A_332 : i32
        %add3A_335 = arith.constant 0 : i32
        %add3A_336 = arith.addi %add3A_334, %add3A_335 : i32
        %add3A_337 = arith.constant 32 : i32
        %add3A_338 = arith.addi %add3A_337, %scan3A_242 : i32
        %get3A_339 = arith.index_cast %add3A_336 : i32 to index
        %get3A_340 = arith.constant 0 : index
        %get3A_341 = tpu.vector_load %arg21[%get3A_339, %get3A_340] {strides = array<i32>} : memref<100x64xf32, #tpu.memory_space<vmem>>, vector<1x16xf32>,
        %get3A_342 = vector.shape_cast %get3A_341 : vector<1x16xf32> to vector<16xf32>
        %swap3A_343 = arith.index_cast %add3A_338 : i32 to index
        %swap3A_344 = arith.constant 0 : index
        %swap3A_345 = tpu.vector_load %arg23[%swap3A_343, %swap3A_344] {strides = array<i32>} : memref<64x128xf32, #tpu.memory_space<vmem>>, vector<1x16xf32>,
        %swap3A_346 = vector.shape_cast %swap3A_345 : vector<1x16xf32> to vector<16xf32>
        %swap3A_347 = vector.shape_cast %get3A_342 : vector<16xf32> to vector<1x16xf32>
        tpu.vector_store %arg23[%swap3A_343, %swap3A_344], %swap3A_347 {strides = array<i32>} : memref<64x128xf32, #tpu.memory_space<vmem>>, vector<1x16xf32>,
        %get3A_348 = arith.index_cast %add3A_336 : i32 to index
        %get3A_349 = arith.constant 16 : index
        %get3A_350 = tpu.vector_load %arg21[%get3A_348, %get3A_349] {strides = array<i32>} : memref<100x64xf32, #tpu.memory_space<vmem>>, vector<1x16xf32>,
        %get3A_351 = vector.shape_cast %get3A_350 : vector<1x16xf32> to vector<16xf32>
        %swap3A_352 = arith.index_cast %add3A_338 : i32 to index
        %swap3A_353 = arith.constant 16 : index
        %swap3A_354 = tpu.vector_load %arg23[%swap3A_352, %swap3A_353] {strides = array<i32>} : memref<64x128xf32, #tpu.memory_space<vmem>>, vector<1x16xf32>,
        %swap3A_355 = vector.shape_cast %swap3A_354 : vector<1x16xf32> to vector<16xf32>
        %swap3A_356 = vector.shape_cast %get3A_351 : vector<16xf32> to vector<1x16xf32>
        tpu.vector_store %arg23[%swap3A_352, %swap3A_353], %swap3A_356 {strides = array<i32>} : memref<64x128xf32, #tpu.memory_space<vmem>>, vector<1x16xf32>,
        %get3A_357 = arith.index_cast %add3A_336 : i32 to index
        %get3A_358 = arith.constant 32 : index
        %get3A_359 = tpu.vector_load %arg21[%get3A_357, %get3A_358] {strides = array<i32>} : memref<100x64xf32, #tpu.memory_space<vmem>>, vector<1x16xf32>,
        %get3A_360 = vector.shape_cast %get3A_359 : vector<1x16xf32> to vector<16xf32>
        %swap3A_361 = arith.index_cast %add3A_338 : i32 to index
        %swap3A_362 = arith.constant 32 : index
        %swap3A_363 = tpu.vector_load %arg23[%swap3A_361, %swap3A_362] {strides = array<i32>} : memref<64x128xf32, #tpu.memory_space<vmem>>, vector<1x16xf32>,
        %swap3A_364 = vector.shape_cast %swap3A_363 : vector<1x16xf32> to vector<16xf32>
        %swap3A_365 = vector.shape_cast %get3A_360 : vector<16xf32> to vector<1x16xf32>
        tpu.vector_store %arg23[%swap3A_361, %swap3A_362], %swap3A_365 {strides = array<i32>} : memref<64x128xf32, #tpu.memory_space<vmem>>, vector<1x16xf32>,
        %get3A_366 = arith.index_cast %add3A_336 : i32 to index
        %get3A_367 = arith.constant 48 : index
        %get3A_368 = tpu.vector_load %arg21[%get3A_366, %get3A_367] {strides = array<i32>} : memref<100x64xf32, #tpu.memory_space<vmem>>, vector<1x16xf32>,
        %get3A_369 = vector.shape_cast %get3A_368 : vector<1x16xf32> to vector<16xf32>
        %swap3A_370 = arith.index_cast %add3A_338 : i32 to index
        %swap3A_371 = arith.constant 48 : index
        %swap3A_372 = tpu.vector_load %arg23[%swap3A_370, %swap3A_371] {strides = array<i32>} : memref<64x128xf32, #tpu.memory_space<vmem>>, vector<1x16xf32>,
        %swap3A_373 = vector.shape_cast %swap3A_372 : vector<1x16xf32> to vector<16xf32>
        %swap3A_374 = vector.shape_cast %get3A_369 : vector<16xf32> to vector<1x16xf32>
        tpu.vector_store %arg23[%swap3A_370, %swap3A_371], %swap3A_374 {strides = array<i32>} : memref<64x128xf32, #tpu.memory_space<vmem>>, vector<1x16xf32>,
        %mul3A_375 = arith.constant 2 : i32
        %mul3A_376 = arith.muli %mul3A_375, %scan3A_242 : i32
        %add3A_377 = arith.constant 50 : i32
        %add3A_378 = arith.addi %add3A_377, %mul3A_376 : i32
        %add3A_379 = arith.constant 1 : i32
        %add3A_380 = arith.addi %add3A_378, %add3A_379 : i32
        %add3A_381 = arith.constant 32 : i32
        %add3A_382 = arith.addi %add3A_381, %scan3A_242 : i32
        %get3A_383 = arith.index_cast %add3A_380 : i32 to index
        %get3A_384 = arith.constant 0 : index
        %get3A_385 = tpu.vector_load %arg21[%get3A_383, %get3A_384] {strides = array<i32>} : memref<100x64xf32, #tpu.memory_space<vmem>>, vector<1x16xf32>,
        %get3A_386 = vector.shape_cast %get3A_385 : vector<1x16xf32> to vector<16xf32>
        %swap3A_387 = arith.index_cast %add3A_382 : i32 to index
        %swap3A_388 = arith.constant 64 : index
        %swap3A_389 = tpu.vector_load %arg23[%swap3A_387, %swap3A_388] {strides = array<i32>} : memref<64x128xf32, #tpu.memory_space<vmem>>, vector<1x16xf32>,
        %swap3A_390 = vector.shape_cast %swap3A_389 : vector<1x16xf32> to vector<16xf32>
        %swap3A_391 = vector.shape_cast %get3A_386 : vector<16xf32> to vector<1x16xf32>
        tpu.vector_store %arg23[%swap3A_387, %swap3A_388], %swap3A_391 {strides = array<i32>} : memref<64x128xf32, #tpu.memory_space<vmem>>, vector<1x16xf32>,
        %get3A_392 = arith.index_cast %add3A_380 : i32 to index
        %get3A_393 = arith.constant 16 : index
        %get3A_394 = tpu.vector_load %arg21[%get3A_392, %get3A_393] {strides = array<i32>} : memref<100x64xf32, #tpu.memory_space<vmem>>, vector<1x16xf32>,
        %get3A_395 = vector.shape_cast %get3A_394 : vector<1x16xf32> to vector<16xf32>
        %swap3A_396 = arith.index_cast %add3A_382 : i32 to index
        %swap3A_397 = arith.constant 80 : index
        %swap3A_398 = tpu.vector_load %arg23[%swap3A_396, %swap3A_397] {strides = array<i32>} : memref<64x128xf32, #tpu.memory_space<vmem>>, vector<1x16xf32>,
        %swap3A_399 = vector.shape_cast %swap3A_398 : vector<1x16xf32> to vector<16xf32>
        %swap3A_400 = vector.shape_cast %get3A_395 : vector<16xf32> to vector<1x16xf32>
        tpu.vector_store %arg23[%swap3A_396, %swap3A_397], %swap3A_400 {strides = array<i32>} : memref<64x128xf32, #tpu.memory_space<vmem>>, vector<1x16xf32>,
        %get3A_401 = arith.index_cast %add3A_380 : i32 to index
        %get3A_402 = arith.constant 32 : index
        %get3A_403 = tpu.vector_load %arg21[%get3A_401, %get3A_402] {strides = array<i32>} : memref<100x64xf32, #tpu.memory_space<vmem>>, vector<1x16xf32>,
        %get3A_404 = vector.shape_cast %get3A_403 : vector<1x16xf32> to vector<16xf32>
        %swap3A_405 = arith.index_cast %add3A_382 : i32 to index
        %swap3A_406 = arith.constant 96 : index
        %swap3A_407 = tpu.vector_load %arg23[%swap3A_405, %swap3A_406] {strides = array<i32>} : memref<64x128xf32, #tpu.memory_space<vmem>>, vector<1x16xf32>,
        %swap3A_408 = vector.shape_cast %swap3A_407 : vector<1x16xf32> to vector<16xf32>
        %swap3A_409 = vector.shape_cast %get3A_404 : vector<16xf32> to vector<1x16xf32>
        tpu.vector_store %arg23[%swap3A_405, %swap3A_406], %swap3A_409 {strides = array<i32>} : memref<64x128xf32, #tpu.memory_space<vmem>>, vector<1x16xf32>,
        %get3A_410 = arith.index_cast %add3A_380 : i32 to index
        %get3A_411 = arith.constant 48 : index
        %get3A_412 = tpu.vector_load %arg21[%get3A_410, %get3A_411] {strides = array<i32>} : memref<100x64xf32, #tpu.memory_space<vmem>>, vector<1x16xf32>,
        %get3A_413 = vector.shape_cast %get3A_412 : vector<1x16xf32> to vector<16xf32>
        %swap3A_414 = arith.index_cast %add3A_382 : i32 to index
        %swap3A_415 = arith.constant 112 : index
        %swap3A_416 = tpu.vector_load %arg23[%swap3A_414, %swap3A_415] {strides = array<i32>} : memref<64x128xf32, #tpu.memory_space<vmem>>, vector<1x16xf32>,
        %swap3A_417 = vector.shape_cast %swap3A_416 : vector<1x16xf32> to vector<16xf32>
        %swap3A_418 = vector.shape_cast %get3A_413 : vector<16xf32> to vector<1x16xf32>
        tpu.vector_store %arg23[%swap3A_414, %swap3A_415], %swap3A_418 {strides = array<i32>} : memref<64x128xf32, #tpu.memory_space<vmem>>, vector<1x16xf32>,
      }
      %scan3A_198 = arith.constant 25 : i32
      %mul3A_199 = arith.constant 64 : i32
      %mul3A_200 = arith.muli %add3A, %mul3A_199 : i32
      %add3A_201 = arith.addi %mul3A_200, %add3A_181 : i32
      %mul3A_202 = arith.constant 64 : i32
      %mul3A_203 = arith.muli %add3A_201, %mul3A_202 : i32
      %dma_start3A_204 = arith.constant 0 : i32
      %dma_start3A_205 = tpu.memref_slice %arg12[%mul3A_203, %dma_start3A_204] : memref<131072x128xf32, #tpu.memory_space<hbm>> -> memref<64x128xf32, #tpu.memory_space<hbm>>
      %dma_start3A_206 = arith.constant 0 : i32
      %dma_start3A_207 = tpu.memref_slice %arg12[%mul3A_203, %dma_start3A_206] : memref<131072x128xf32, #tpu.memory_space<hbm>> -> memref<64x128xf32, #tpu.memory_space<hbm>>
      tpu.enqueue_dma source(%arg23 : memref<64x128xf32, #tpu.memory_space<vmem>>) target(%dma_start3A_207 : memref<64x128xf32, #tpu.memory_space<hbm>>) target_semaphore(%arg27 : memref<!tpu.dma_semaphore, #tpu.memory_space<semaphore_mem>>)
      %mul3A_208 = arith.constant 2 : i32
      %mul3A_209 = arith.muli %mul3A_208, %scan3A_177 : i32
      %add3A_210 = arith.constant 1 : i32
      %add3A_211 = arith.addi %mul3A_209, %add3A_210 : i32
      %add3A_212 = arith.constant 1 : i32
      %add3A_213 = arith.addi %add3A_211, %add3A_212 : i32
      %lt3A_214 = arith.constant 64 : i32
      %lt3A_215 = arith.cmpi slt, %add3A_213, %lt3A_214 : i32
      %convert_element_type3A_216 = arith.extui %lt3A_215 : i1 to i32
      %cond3A_217 = arith.constant 0 : i32
      %cond3A_218 = arith.cmpi ne, %convert_element_type3A_216, %cond3A_217 : i32
      scf.if %cond3A_218 {
        %add3A_242 = arith.constant 1 : i32
        %add3A_243 = arith.addi %add3A_211, %add3A_242 : i32
        %mul3A_244 = arith.constant 2 : i32
        %mul3A_245 = arith.muli %mul3A_244, %add3A_243 : i32
        %add3A_246 = arith.constant 0 : i32
        %add3A_247 = arith.addi %mul3A_245, %add3A_246 : i32
        %get3A_248 = arith.index_cast %add3A_247 : i32 to index
        %get3A_249 = arith.constant 0 : index
        %get3A_250 = tpu.vector_load %arg15[%get3A_248, %get3A_249] {strides = array<i32>} : memref<128x50xi32, #tpu.memory_space<vmem>>, vector<1x16xi32>,
        %get3A_251 = vector.shape_cast %get3A_250 : vector<1x16xi32> to vector<16xi32>
        %swap3A_252 = arith.constant 0 : index
        %swap3A_253 = tpu.vector_load %arg19[%swap3A_252] {strides = array<i32>} : memref<100xi32, #tpu.memory_space<vmem>>, vector<16xi32>,
        %swap3A_254 = vector.shape_cast %swap3A_253 : vector<16xi32> to vector<16xi32>
        %swap3A_255 = vector.shape_cast %get3A_251 : vector<16xi32> to vector<16xi32>
        tpu.vector_store %arg19[%swap3A_252], %swap3A_255 {strides = array<i32>} : memref<100xi32, #tpu.memory_space<vmem>>, vector<16xi32>,
        %get3A_256 = arith.index_cast %add3A_247 : i32 to index
        %get3A_257 = arith.constant 16 : index
        %get3A_258 = tpu.vector_load %arg15[%get3A_256, %get3A_257] {strides = array<i32>} : memref<128x50xi32, #tpu.memory_space<vmem>>, vector<1x16xi32>,
        %get3A_259 = vector.shape_cast %get3A_258 : vector<1x16xi32> to vector<16xi32>
        %swap3A_260 = arith.constant 16 : index
        %swap3A_261 = tpu.vector_load %arg19[%swap3A_260] {strides = array<i32>} : memref<100xi32, #tpu.memory_space<vmem>>, vector<16xi32>,
        %swap3A_262 = vector.shape_cast %swap3A_261 : vector<16xi32> to vector<16xi32>
        %swap3A_263 = vector.shape_cast %get3A_259 : vector<16xi32> to vector<16xi32>
        tpu.vector_store %arg19[%swap3A_260], %swap3A_263 {strides = array<i32>} : memref<100xi32, #tpu.memory_space<vmem>>, vector<16xi32>,
        %get3A_264 = arith.index_cast %add3A_247 : i32 to index
        %get3A_265 = arith.constant 32 : index
        %get3A_266 = tpu.vector_load %arg15[%get3A_264, %get3A_265] {strides = array<i32>} : memref<128x50xi32, #tpu.memory_space<vmem>>, vector<1x16xi32>,
        %get3A_267 = vector.shape_cast %get3A_266 : vector<1x16xi32> to vector<16xi32>
        %swap3A_268 = arith.constant 32 : index
        %swap3A_269 = tpu.vector_load %arg19[%swap3A_268] {strides = array<i32>} : memref<100xi32, #tpu.memory_space<vmem>>, vector<16xi32>,
        %swap3A_270 = vector.shape_cast %swap3A_269 : vector<16xi32> to vector<16xi32>
        %swap3A_271 = vector.shape_cast %get3A_267 : vector<16xi32> to vector<16xi32>
        tpu.vector_store %arg19[%swap3A_268], %swap3A_271 {strides = array<i32>} : memref<100xi32, #tpu.memory_space<vmem>>, vector<16xi32>,
        %get3A_272 = arith.index_cast %add3A_247 : i32 to index
        %get3A_273 = arith.constant 34 : index
        %get3A_274 = tpu.vector_load %arg15[%get3A_272, %get3A_273] {strides = array<i32>} : memref<128x50xi32, #tpu.memory_space<vmem>>, vector<1x16xi32>,
        %get3A_275 = vector.shape_cast %get3A_274 : vector<1x16xi32> to vector<16xi32>
        %swap3A_276 = arith.constant 34 : index
        %swap3A_277 = tpu.vector_load %arg19[%swap3A_276] {strides = array<i32>} : memref<100xi32, #tpu.memory_space<vmem>>, vector<16xi32>,
        %swap3A_278 = vector.shape_cast %swap3A_277 : vector<16xi32> to vector<16xi32>
        %swap3A_279 = vector.shape_cast %get3A_275 : vector<16xi32> to vector<16xi32>
        tpu.vector_store %arg19[%swap3A_276], %swap3A_279 {strides = array<i32>} : memref<100xi32, #tpu.memory_space<vmem>>, vector<16xi32>,
        %mul3A_280 = arith.constant 2 : i32
        %mul3A_281 = arith.muli %mul3A_280, %add3A_243 : i32
        %add3A_282 = arith.constant 1 : i32
        %add3A_283 = arith.addi %mul3A_281, %add3A_282 : i32
        %get3A_284 = arith.index_cast %add3A_283 : i32 to index
        %get3A_285 = arith.constant 0 : index
        %get3A_286 = tpu.vector_load %arg15[%get3A_284, %get3A_285] {strides = array<i32>} : memref<128x50xi32, #tpu.memory_space<vmem>>, vector<1x16xi32>,
        %get3A_287 = vector.shape_cast %get3A_286 : vector<1x16xi32> to vector<16xi32>
        %swap3A_288 = arith.constant 50 : index
        %swap3A_289 = tpu.vector_load %arg19[%swap3A_288] {strides = array<i32>} : memref<100xi32, #tpu.memory_space<vmem>>, vector<16xi32>,
        %swap3A_290 = vector.shape_cast %swap3A_289 : vector<16xi32> to vector<16xi32>
        %swap3A_291 = vector.shape_cast %get3A_287 : vector<16xi32> to vector<16xi32>
        tpu.vector_store %arg19[%swap3A_288], %swap3A_291 {strides = array<i32>} : memref<100xi32, #tpu.memory_space<vmem>>, vector<16xi32>,
        %get3A_292 = arith.index_cast %add3A_283 : i32 to index
        %get3A_293 = arith.constant 16 : index
        %get3A_294 = tpu.vector_load %arg15[%get3A_292, %get3A_293] {strides = array<i32>} : memref<128x50xi32, #tpu.memory_space<vmem>>, vector<1x16xi32>,
        %get3A_295 = vector.shape_cast %get3A_294 : vector<1x16xi32> to vector<16xi32>
        %swap3A_296 = arith.constant 66 : index
        %swap3A_297 = tpu.vector_load %arg19[%swap3A_296] {strides = array<i32>} : memref<100xi32, #tpu.memory_space<vmem>>, vector<16xi32>,
        %swap3A_298 = vector.shape_cast %swap3A_297 : vector<16xi32> to vector<16xi32>
        %swap3A_299 = vector.shape_cast %get3A_295 : vector<16xi32> to vector<16xi32>
        tpu.vector_store %arg19[%swap3A_296], %swap3A_299 {strides = array<i32>} : memref<100xi32, #tpu.memory_space<vmem>>, vector<16xi32>,
        %get3A_300 = arith.index_cast %add3A_283 : i32 to index
        %get3A_301 = arith.constant 32 : index
        %get3A_302 = tpu.vector_load %arg15[%get3A_300, %get3A_301] {strides = array<i32>} : memref<128x50xi32, #tpu.memory_space<vmem>>, vector<1x16xi32>,
        %get3A_303 = vector.shape_cast %get3A_302 : vector<1x16xi32> to vector<16xi32>
        %swap3A_304 = arith.constant 82 : index
        %swap3A_305 = tpu.vector_load %arg19[%swap3A_304] {strides = array<i32>} : memref<100xi32, #tpu.memory_space<vmem>>, vector<16xi32>,
        %swap3A_306 = vector.shape_cast %swap3A_305 : vector<16xi32> to vector<16xi32>
        %swap3A_307 = vector.shape_cast %get3A_303 : vector<16xi32> to vector<16xi32>
        tpu.vector_store %arg19[%swap3A_304], %swap3A_307 {strides = array<i32>} : memref<100xi32, #tpu.memory_space<vmem>>, vector<16xi32>,
        %get3A_308 = arith.index_cast %add3A_283 : i32 to index
        %get3A_309 = arith.constant 34 : index
        %get3A_310 = tpu.vector_load %arg15[%get3A_308, %get3A_309] {strides = array<i32>} : memref<128x50xi32, #tpu.memory_space<vmem>>, vector<1x16xi32>,
        %get3A_311 = vector.shape_cast %get3A_310 : vector<1x16xi32> to vector<16xi32>
        %swap3A_312 = arith.constant 84 : index
        %swap3A_313 = tpu.vector_load %arg19[%swap3A_312] {strides = array<i32>} : memref<100xi32, #tpu.memory_space<vmem>>, vector<16xi32>,
        %swap3A_314 = vector.shape_cast %swap3A_313 : vector<16xi32> to vector<16xi32>
        %swap3A_315 = vector.shape_cast %get3A_311 : vector<16xi32> to vector<16xi32>
        tpu.vector_store %arg19[%swap3A_312], %swap3A_315 {strides = array<i32>} : memref<100xi32, #tpu.memory_space<vmem>>, vector<16xi32>,
        %dma_start3A_316 = arith.constant 0 : i32
        %dma_start3A_317 = arith.constant 0 : i32
        %dma_start3A_318 = tpu.memref_slice %arg11[%dma_start3A_316, %dma_start3A_317] : memref<100000x64xf32, #tpu.memory_space<hbm>> -> memref<100000x64xf32, #tpu.memory_space<hbm>>
        tpu.enqueue_indirect_dma source(%dma_start3A_318 : memref<100000x64xf32, #tpu.memory_space<hbm>>) target(%arg21 : memref<100x64xf32, #tpu.memory_space<vmem>>) offsets(%arg19 : memref<100xi32, #tpu.memory_space<vmem>>) semaphore(%arg25 : memref<!tpu.dma_semaphore, #tpu.memory_space<semaphore_mem>>)
      } else {
      }
      %dma_wait3A_219 = arith.constant 0 : i32
      %dma_wait3A_220 = arith.constant 0 : i32
      %dma_wait3A_221 = tpu.memref_slice %arg11[%dma_wait3A_219, %dma_wait3A_220] : memref<100000x64xf32, #tpu.memory_space<hbm>> -> memref<100000x64xf32, #tpu.memory_space<hbm>>
      tpu.wait_indirect_dma semaphore(%arg26 : memref<!tpu.dma_semaphore, #tpu.memory_space<semaphore_mem>>) src(%dma_wait3A_221 : memref<100000x64xf32, #tpu.memory_space<hbm>>) dst(%arg22 : memref<100x64xf32, #tpu.memory_space<vmem>>)
      %ge3A_222 = arith.constant 2 : i32
      %ge3A_223 = arith.cmpi sge, %add3A_211, %ge3A_222 : i32
      %convert_element_type3A_224 = arith.extui %ge3A_223 : i1 to i32
      %cond3A_225 = arith.constant 0 : i32
      %cond3A_226 = arith.cmpi ne, %convert_element_type3A_224, %cond3A_225 : i32
      scf.if %cond3A_226 {
        %sub3A = arith.constant 2 : i32
        %sub3A_242 = arith.subi %add3A_211, %sub3A : i32
        %mul3A_243 = arith.constant 64 : i32
        %mul3A_244 = arith.muli %add3A, %mul3A_243 : i32
        %add3A_245 = arith.addi %mul3A_244, %sub3A_242 : i32
        %mul3A_246 = arith.constant 64 : i32
        %mul3A_247 = arith.muli %add3A_245, %mul3A_246 : i32
        %dma_wait3A_248 = arith.constant 0 : i32
        %dma_wait3A_249 = tpu.memref_slice %arg12[%mul3A_247, %dma_wait3A_248] : memref<131072x128xf32, #tpu.memory_space<hbm>> -> memref<64x128xf32, #tpu.memory_space<hbm>>
        %dma_wait3A_250 = arith.constant 0 : i32
        %dma_wait3A_251 = tpu.memref_slice %arg12[%mul3A_247, %dma_wait3A_250] : memref<131072x128xf32, #tpu.memory_space<hbm>> -> memref<64x128xf32, #tpu.memory_space<hbm>>
        tpu.wait_dma2 semaphore(%arg28 : memref<!tpu.dma_semaphore, #tpu.memory_space<semaphore_mem>>) src(%arg24 : memref<64x128xf32, #tpu.memory_space<vmem>>) dst(%dma_wait3A_251 : memref<64x128xf32, #tpu.memory_space<hbm>>)
      } else {
      }
      %scan3A_227 = arith.constant 0 : i32
      %scan3A_228 = arith.constant 0 : i32
      %scan3A_229 = arith.constant 25 : i32
      %scan3A_230 = arith.addi %scan3A_228, %scan3A_229 : i32
      %scan3A_231 = arith.constant 1 : i32
      scf.for %scan3A_242 = %scan3A_228 to %scan3A_230 step %scan3A_231  : i32 {
        %mul3A_243 = arith.constant 2 : i32
        %mul3A_244 = arith.muli %mul3A_243, %scan3A_242 : i32
        %add3A_245 = arith.constant 0 : i32
        %add3A_246 = arith.addi %add3A_245, %mul3A_244 : i32
        %add3A_247 = arith.constant 0 : i32
        %add3A_248 = arith.addi %add3A_246, %add3A_247 : i32
        %add3A_249 = arith.constant 0 : i32
        %add3A_250 = arith.addi %add3A_249, %scan3A_242 : i32
        %get3A_251 = arith.index_cast %add3A_248 : i32 to index
        %get3A_252 = arith.constant 0 : index
        %get3A_253 = tpu.vector_load %arg22[%get3A_251, %get3A_252] {strides = array<i32>} : memref<100x64xf32, #tpu.memory_space<vmem>>, vector<1x16xf32>,
        %get3A_254 = vector.shape_cast %get3A_253 : vector<1x16xf32> to vector<16xf32>
        %swap3A_255 = arith.index_cast %add3A_250 : i32 to index
        %swap3A_256 = arith.constant 0 : index
        %swap3A_257 = tpu.vector_load %arg24[%swap3A_255, %swap3A_256] {strides = array<i32>} : memref<64x128xf32, #tpu.memory_space<vmem>>, vector<1x16xf32>,
        %swap3A_258 = vector.shape_cast %swap3A_257 : vector<1x16xf32> to vector<16xf32>
        %swap3A_259 = vector.shape_cast %get3A_254 : vector<16xf32> to vector<1x16xf32>
        tpu.vector_store %arg24[%swap3A_255, %swap3A_256], %swap3A_259 {strides = array<i32>} : memref<64x128xf32, #tpu.memory_space<vmem>>, vector<1x16xf32>,
        %get3A_260 = arith.index_cast %add3A_248 : i32 to index
        %get3A_261 = arith.constant 16 : index
        %get3A_262 = tpu.vector_load %arg22[%get3A_260, %get3A_261] {strides = array<i32>} : memref<100x64xf32, #tpu.memory_space<vmem>>, vector<1x16xf32>,
        %get3A_263 = vector.shape_cast %get3A_262 : vector<1x16xf32> to vector<16xf32>
        %swap3A_264 = arith.index_cast %add3A_250 : i32 to index
        %swap3A_265 = arith.constant 16 : index
        %swap3A_266 = tpu.vector_load %arg24[%swap3A_264, %swap3A_265] {strides = array<i32>} : memref<64x128xf32, #tpu.memory_space<vmem>>, vector<1x16xf32>,
        %swap3A_267 = vector.shape_cast %swap3A_266 : vector<1x16xf32> to vector<16xf32>
        %swap3A_268 = vector.shape_cast %get3A_263 : vector<16xf32> to vector<1x16xf32>
        tpu.vector_store %arg24[%swap3A_264, %swap3A_265], %swap3A_268 {strides = array<i32>} : memref<64x128xf32, #tpu.memory_space<vmem>>, vector<1x16xf32>,
        %get3A_269 = arith.index_cast %add3A_248 : i32 to index
        %get3A_270 = arith.constant 32 : index
        %get3A_271 = tpu.vector_load %arg22[%get3A_269, %get3A_270] {strides = array<i32>} : memref<100x64xf32, #tpu.memory_space<vmem>>, vector<1x16xf32>,
        %get3A_272 = vector.shape_cast %get3A_271 : vector<1x16xf32> to vector<16xf32>
        %swap3A_273 = arith.index_cast %add3A_250 : i32 to index
        %swap3A_274 = arith.constant 32 : index
        %swap3A_275 = tpu.vector_load %arg24[%swap3A_273, %swap3A_274] {strides = array<i32>} : memref<64x128xf32, #tpu.memory_space<vmem>>, vector<1x16xf32>,
        %swap3A_276 = vector.shape_cast %swap3A_275 : vector<1x16xf32> to vector<16xf32>
        %swap3A_277 = vector.shape_cast %get3A_272 : vector<16xf32> to vector<1x16xf32>
        tpu.vector_store %arg24[%swap3A_273, %swap3A_274], %swap3A_277 {strides = array<i32>} : memref<64x128xf32, #tpu.memory_space<vmem>>, vector<1x16xf32>,
        %get3A_278 = arith.index_cast %add3A_248 : i32 to index
        %get3A_279 = arith.constant 48 : index
        %get3A_280 = tpu.vector_load %arg22[%get3A_278, %get3A_279] {strides = array<i32>} : memref<100x64xf32, #tpu.memory_space<vmem>>, vector<1x16xf32>,
        %get3A_281 = vector.shape_cast %get3A_280 : vector<1x16xf32> to vector<16xf32>
        %swap3A_282 = arith.index_cast %add3A_250 : i32 to index
        %swap3A_283 = arith.constant 48 : index
        %swap3A_284 = tpu.vector_load %arg24[%swap3A_282, %swap3A_283] {strides = array<i32>} : memref<64x128xf32, #tpu.memory_space<vmem>>, vector<1x16xf32>,
        %swap3A_285 = vector.shape_cast %swap3A_284 : vector<1x16xf32> to vector<16xf32>
        %swap3A_286 = vector.shape_cast %get3A_281 : vector<16xf32> to vector<1x16xf32>
        tpu.vector_store %arg24[%swap3A_282, %swap3A_283], %swap3A_286 {strides = array<i32>} : memref<64x128xf32, #tpu.memory_space<vmem>>, vector<1x16xf32>,
        %mul3A_287 = arith.constant 2 : i32
        %mul3A_288 = arith.muli %mul3A_287, %scan3A_242 : i32
        %add3A_289 = arith.constant 0 : i32
        %add3A_290 = arith.addi %add3A_289, %mul3A_288 : i32
        %add3A_291 = arith.constant 1 : i32
        %add3A_292 = arith.addi %add3A_290, %add3A_291 : i32
        %add3A_293 = arith.constant 0 : i32
        %add3A_294 = arith.addi %add3A_293, %scan3A_242 : i32
        %get3A_295 = arith.index_cast %add3A_292 : i32 to index
        %get3A_296 = arith.constant 0 : index
        %get3A_297 = tpu.vector_load %arg22[%get3A_295, %get3A_296] {strides = array<i32>} : memref<100x64xf32, #tpu.memory_space<vmem>>, vector<1x16xf32>,
        %get3A_298 = vector.shape_cast %get3A_297 : vector<1x16xf32> to vector<16xf32>
        %swap3A_299 = arith.index_cast %add3A_294 : i32 to index
        %swap3A_300 = arith.constant 64 : index
        %swap3A_301 = tpu.vector_load %arg24[%swap3A_299, %swap3A_300] {strides = array<i32>} : memref<64x128xf32, #tpu.memory_space<vmem>>, vector<1x16xf32>,
        %swap3A_302 = vector.shape_cast %swap3A_301 : vector<1x16xf32> to vector<16xf32>
        %swap3A_303 = vector.shape_cast %get3A_298 : vector<16xf32> to vector<1x16xf32>
        tpu.vector_store %arg24[%swap3A_299, %swap3A_300], %swap3A_303 {strides = array<i32>} : memref<64x128xf32, #tpu.memory_space<vmem>>, vector<1x16xf32>,
        %get3A_304 = arith.index_cast %add3A_292 : i32 to index
        %get3A_305 = arith.constant 16 : index
        %get3A_306 = tpu.vector_load %arg22[%get3A_304, %get3A_305] {strides = array<i32>} : memref<100x64xf32, #tpu.memory_space<vmem>>, vector<1x16xf32>,
        %get3A_307 = vector.shape_cast %get3A_306 : vector<1x16xf32> to vector<16xf32>
        %swap3A_308 = arith.index_cast %add3A_294 : i32 to index
        %swap3A_309 = arith.constant 80 : index
        %swap3A_310 = tpu.vector_load %arg24[%swap3A_308, %swap3A_309] {strides = array<i32>} : memref<64x128xf32, #tpu.memory_space<vmem>>, vector<1x16xf32>,
        %swap3A_311 = vector.shape_cast %swap3A_310 : vector<1x16xf32> to vector<16xf32>
        %swap3A_312 = vector.shape_cast %get3A_307 : vector<16xf32> to vector<1x16xf32>
        tpu.vector_store %arg24[%swap3A_308, %swap3A_309], %swap3A_312 {strides = array<i32>} : memref<64x128xf32, #tpu.memory_space<vmem>>, vector<1x16xf32>,
        %get3A_313 = arith.index_cast %add3A_292 : i32 to index
        %get3A_314 = arith.constant 32 : index
        %get3A_315 = tpu.vector_load %arg22[%get3A_313, %get3A_314] {strides = array<i32>} : memref<100x64xf32, #tpu.memory_space<vmem>>, vector<1x16xf32>,
        %get3A_316 = vector.shape_cast %get3A_315 : vector<1x16xf32> to vector<16xf32>
        %swap3A_317 = arith.index_cast %add3A_294 : i32 to index
        %swap3A_318 = arith.constant 96 : index
        %swap3A_319 = tpu.vector_load %arg24[%swap3A_317, %swap3A_318] {strides = array<i32>} : memref<64x128xf32, #tpu.memory_space<vmem>>, vector<1x16xf32>,
        %swap3A_320 = vector.shape_cast %swap3A_319 : vector<1x16xf32> to vector<16xf32>
        %swap3A_321 = vector.shape_cast %get3A_316 : vector<16xf32> to vector<1x16xf32>
        tpu.vector_store %arg24[%swap3A_317, %swap3A_318], %swap3A_321 {strides = array<i32>} : memref<64x128xf32, #tpu.memory_space<vmem>>, vector<1x16xf32>,
        %get3A_322 = arith.index_cast %add3A_292 : i32 to index
        %get3A_323 = arith.constant 48 : index
        %get3A_324 = tpu.vector_load %arg22[%get3A_322, %get3A_323] {strides = array<i32>} : memref<100x64xf32, #tpu.memory_space<vmem>>, vector<1x16xf32>,
        %get3A_325 = vector.shape_cast %get3A_324 : vector<1x16xf32> to vector<16xf32>
        %swap3A_326 = arith.index_cast %add3A_294 : i32 to index
        %swap3A_327 = arith.constant 112 : index
        %swap3A_328 = tpu.vector_load %arg24[%swap3A_326, %swap3A_327] {strides = array<i32>} : memref<64x128xf32, #tpu.memory_space<vmem>>, vector<1x16xf32>,
        %swap3A_329 = vector.shape_cast %swap3A_328 : vector<1x16xf32> to vector<16xf32>
        %swap3A_330 = vector.shape_cast %get3A_325 : vector<16xf32> to vector<1x16xf32>
        tpu.vector_store %arg24[%swap3A_326, %swap3A_327], %swap3A_330 {strides = array<i32>} : memref<64x128xf32, #tpu.memory_space<vmem>>, vector<1x16xf32>,
        %mul3A_331 = arith.constant 2 : i32
        %mul3A_332 = arith.muli %mul3A_331, %scan3A_242 : i32
        %add3A_333 = arith.constant 50 : i32
        %add3A_334 = arith.addi %add3A_333, %mul3A_332 : i32
        %add3A_335 = arith.constant 0 : i32
        %add3A_336 = arith.addi %add3A_334, %add3A_335 : i32
        %add3A_337 = arith.constant 32 : i32
        %add3A_338 = arith.addi %add3A_337, %scan3A_242 : i32
        %get3A_339 = arith.index_cast %add3A_336 : i32 to index
        %get3A_340 = arith.constant 0 : index
        %get3A_341 = tpu.vector_load %arg22[%get3A_339, %get3A_340] {strides = array<i32>} : memref<100x64xf32, #tpu.memory_space<vmem>>, vector<1x16xf32>,
        %get3A_342 = vector.shape_cast %get3A_341 : vector<1x16xf32> to vector<16xf32>
        %swap3A_343 = arith.index_cast %add3A_338 : i32 to index
        %swap3A_344 = arith.constant 0 : index
        %swap3A_345 = tpu.vector_load %arg24[%swap3A_343, %swap3A_344] {strides = array<i32>} : memref<64x128xf32, #tpu.memory_space<vmem>>, vector<1x16xf32>,
        %swap3A_346 = vector.shape_cast %swap3A_345 : vector<1x16xf32> to vector<16xf32>
        %swap3A_347 = vector.shape_cast %get3A_342 : vector<16xf32> to vector<1x16xf32>
        tpu.vector_store %arg24[%swap3A_343, %swap3A_344], %swap3A_347 {strides = array<i32>} : memref<64x128xf32, #tpu.memory_space<vmem>>, vector<1x16xf32>,
        %get3A_348 = arith.index_cast %add3A_336 : i32 to index
        %get3A_349 = arith.constant 16 : index
        %get3A_350 = tpu.vector_load %arg22[%get3A_348, %get3A_349] {strides = array<i32>} : memref<100x64xf32, #tpu.memory_space<vmem>>, vector<1x16xf32>,
        %get3A_351 = vector.shape_cast %get3A_350 : vector<1x16xf32> to vector<16xf32>
        %swap3A_352 = arith.index_cast %add3A_338 : i32 to index
        %swap3A_353 = arith.constant 16 : index
        %swap3A_354 = tpu.vector_load %arg24[%swap3A_352, %swap3A_353] {strides = array<i32>} : memref<64x128xf32, #tpu.memory_space<vmem>>, vector<1x16xf32>,
        %swap3A_355 = vector.shape_cast %swap3A_354 : vector<1x16xf32> to vector<16xf32>
        %swap3A_356 = vector.shape_cast %get3A_351 : vector<16xf32> to vector<1x16xf32>
        tpu.vector_store %arg24[%swap3A_352, %swap3A_353], %swap3A_356 {strides = array<i32>} : memref<64x128xf32, #tpu.memory_space<vmem>>, vector<1x16xf32>,
        %get3A_357 = arith.index_cast %add3A_336 : i32 to index
        %get3A_358 = arith.constant 32 : index
        %get3A_359 = tpu.vector_load %arg22[%get3A_357, %get3A_358] {strides = array<i32>} : memref<100x64xf32, #tpu.memory_space<vmem>>, vector<1x16xf32>,
        %get3A_360 = vector.shape_cast %get3A_359 : vector<1x16xf32> to vector<16xf32>
        %swap3A_361 = arith.index_cast %add3A_338 : i32 to index
        %swap3A_362 = arith.constant 32 : index
        %swap3A_363 = tpu.vector_load %arg24[%swap3A_361, %swap3A_362] {strides = array<i32>} : memref<64x128xf32, #tpu.memory_space<vmem>>, vector<1x16xf32>,
        %swap3A_364 = vector.shape_cast %swap3A_363 : vector<1x16xf32> to vector<16xf32>
        %swap3A_365 = vector.shape_cast %get3A_360 : vector<16xf32> to vector<1x16xf32>
        tpu.vector_store %arg24[%swap3A_361, %swap3A_362], %swap3A_365 {strides = array<i32>} : memref<64x128xf32, #tpu.memory_space<vmem>>, vector<1x16xf32>,
        %get3A_366 = arith.index_cast %add3A_336 : i32 to index
        %get3A_367 = arith.constant 48 : index
        %get3A_368 = tpu.vector_load %arg22[%get3A_366, %get3A_367] {strides = array<i32>} : memref<100x64xf32, #tpu.memory_space<vmem>>, vector<1x16xf32>,
        %get3A_369 = vector.shape_cast %get3A_368 : vector<1x16xf32> to vector<16xf32>
        %swap3A_370 = arith.index_cast %add3A_338 : i32 to index
        %swap3A_371 = arith.constant 48 : index
        %swap3A_372 = tpu.vector_load %arg24[%swap3A_370, %swap3A_371] {strides = array<i32>} : memref<64x128xf32, #tpu.memory_space<vmem>>, vector<1x16xf32>,
        %swap3A_373 = vector.shape_cast %swap3A_372 : vector<1x16xf32> to vector<16xf32>
        %swap3A_374 = vector.shape_cast %get3A_369 : vector<16xf32> to vector<1x16xf32>
        tpu.vector_store %arg24[%swap3A_370, %swap3A_371], %swap3A_374 {strides = array<i32>} : memref<64x128xf32, #tpu.memory_space<vmem>>, vector<1x16xf32>,
        %mul3A_375 = arith.constant 2 : i32
        %mul3A_376 = arith.muli %mul3A_375, %scan3A_242 : i32
        %add3A_377 = arith.constant 50 : i32
        %add3A_378 = arith.addi %add3A_377, %mul3A_376 : i32
        %add3A_379 = arith.constant 1 : i32
        %add3A_380 = arith.addi %add3A_378, %add3A_379 : i32
        %add3A_381 = arith.constant 32 : i32
        %add3A_382 = arith.addi %add3A_381, %scan3A_242 : i32
        %get3A_383 = arith.index_cast %add3A_380 : i32 to index
        %get3A_384 = arith.constant 0 : index
        %get3A_385 = tpu.vector_load %arg22[%get3A_383, %get3A_384] {strides = array<i32>} : memref<100x64xf32, #tpu.memory_space<vmem>>, vector<1x16xf32>,
        %get3A_386 = vector.shape_cast %get3A_385 : vector<1x16xf32> to vector<16xf32>
        %swap3A_387 = arith.index_cast %add3A_382 : i32 to index
        %swap3A_388 = arith.constant 64 : index
        %swap3A_389 = tpu.vector_load %arg24[%swap3A_387, %swap3A_388] {strides = array<i32>} : memref<64x128xf32, #tpu.memory_space<vmem>>, vector<1x16xf32>,
        %swap3A_390 = vector.shape_cast %swap3A_389 : vector<1x16xf32> to vector<16xf32>
        %swap3A_391 = vector.shape_cast %get3A_386 : vector<16xf32> to vector<1x16xf32>
        tpu.vector_store %arg24[%swap3A_387, %swap3A_388], %swap3A_391 {strides = array<i32>} : memref<64x128xf32, #tpu.memory_space<vmem>>, vector<1x16xf32>,
        %get3A_392 = arith.index_cast %add3A_380 : i32 to index
        %get3A_393 = arith.constant 16 : index
        %get3A_394 = tpu.vector_load %arg22[%get3A_392, %get3A_393] {strides = array<i32>} : memref<100x64xf32, #tpu.memory_space<vmem>>, vector<1x16xf32>,
        %get3A_395 = vector.shape_cast %get3A_394 : vector<1x16xf32> to vector<16xf32>
        %swap3A_396 = arith.index_cast %add3A_382 : i32 to index
        %swap3A_397 = arith.constant 80 : index
        %swap3A_398 = tpu.vector_load %arg24[%swap3A_396, %swap3A_397] {strides = array<i32>} : memref<64x128xf32, #tpu.memory_space<vmem>>, vector<1x16xf32>,
        %swap3A_399 = vector.shape_cast %swap3A_398 : vector<1x16xf32> to vector<16xf32>
        %swap3A_400 = vector.shape_cast %get3A_395 : vector<16xf32> to vector<1x16xf32>
        tpu.vector_store %arg24[%swap3A_396, %swap3A_397], %swap3A_400 {strides = array<i32>} : memref<64x128xf32, #tpu.memory_space<vmem>>, vector<1x16xf32>,
        %get3A_401 = arith.index_cast %add3A_380 : i32 to index
        %get3A_402 = arith.constant 32 : index
        %get3A_403 = tpu.vector_load %arg22[%get3A_401, %get3A_402] {strides = array<i32>} : memref<100x64xf32, #tpu.memory_space<vmem>>, vector<1x16xf32>,
        %get3A_404 = vector.shape_cast %get3A_403 : vector<1x16xf32> to vector<16xf32>
        %swap3A_405 = arith.index_cast %add3A_382 : i32 to index
        %swap3A_406 = arith.constant 96 : index
        %swap3A_407 = tpu.vector_load %arg24[%swap3A_405, %swap3A_406] {strides = array<i32>} : memref<64x128xf32, #tpu.memory_space<vmem>>, vector<1x16xf32>,
        %swap3A_408 = vector.shape_cast %swap3A_407 : vector<1x16xf32> to vector<16xf32>
        %swap3A_409 = vector.shape_cast %get3A_404 : vector<16xf32> to vector<1x16xf32>
        tpu.vector_store %arg24[%swap3A_405, %swap3A_406], %swap3A_409 {strides = array<i32>} : memref<64x128xf32, #tpu.memory_space<vmem>>, vector<1x16xf32>,
        %get3A_410 = arith.index_cast %add3A_380 : i32 to index
        %get3A_411 = arith.constant 48 : index
        %get3A_412 = tpu.vector_load %arg22[%get3A_410, %get3A_411] {strides = array<i32>} : memref<100x64xf32, #tpu.memory_space<vmem>>, vector<1x16xf32>,
        %get3A_413 = vector.shape_cast %get3A_412 : vector<1x16xf32> to vector<16xf32>
        %swap3A_414 = arith.index_cast %add3A_382 : i32 to index
        %swap3A_415 = arith.constant 112 : index
        %swap3A_416 = tpu.vector_load %arg24[%swap3A_414, %swap3A_415] {strides = array<i32>} : memref<64x128xf32, #tpu.memory_space<vmem>>, vector<1x16xf32>,
        %swap3A_417 = vector.shape_cast %swap3A_416 : vector<1x16xf32> to vector<16xf32>
        %swap3A_418 = vector.shape_cast %get3A_413 : vector<16xf32> to vector<1x16xf32>
        tpu.vector_store %arg24[%swap3A_414, %swap3A_415], %swap3A_418 {strides = array<i32>} : memref<64x128xf32, #tpu.memory_space<vmem>>, vector<1x16xf32>,
      }
      %scan3A_232 = arith.constant 25 : i32
      %mul3A_233 = arith.constant 64 : i32
      %mul3A_234 = arith.muli %add3A, %mul3A_233 : i32
      %add3A_235 = arith.addi %mul3A_234, %add3A_211 : i32
      %mul3A_236 = arith.constant 64 : i32
      %mul3A_237 = arith.muli %add3A_235, %mul3A_236 : i32
      %dma_start3A_238 = arith.constant 0 : i32
      %dma_start3A_239 = tpu.memref_slice %arg12[%mul3A_237, %dma_start3A_238] : memref<131072x128xf32, #tpu.memory_space<hbm>> -> memref<64x128xf32, #tpu.memory_space<hbm>>
      %dma_start3A_240 = arith.constant 0 : i32
      %dma_start3A_241 = tpu.memref_slice %arg12[%mul3A_237, %dma_start3A_240] : memref<131072x128xf32, #tpu.memory_space<hbm>> -> memref<64x128xf32, #tpu.memory_space<hbm>>
      tpu.enqueue_dma source(%arg24 : memref<64x128xf32, #tpu.memory_space<vmem>>) target(%dma_start3A_241 : memref<64x128xf32, #tpu.memory_space<hbm>>) target_semaphore(%arg28 : memref<!tpu.dma_semaphore, #tpu.memory_space<semaphore_mem>>)
    }
    %scan3A_92 = arith.constant 32 : i32
    %mul3A_93 = arith.constant 64 : i32
    %mul3A_94 = arith.muli %add3A, %mul3A_93 : i32
    %add3A_95 = arith.constant 62 : i32
    %add3A_96 = arith.addi %mul3A_94, %add3A_95 : i32
    %mul3A_97 = arith.constant 64 : i32
    %mul3A_98 = arith.muli %add3A_96, %mul3A_97 : i32
    %dma_wait3A = arith.constant 0 : i32
    %dma_wait3A_99 = tpu.memref_slice %arg12[%mul3A_98, %dma_wait3A] : memref<131072x128xf32, #tpu.memory_space<hbm>> -> memref<64x128xf32, #tpu.memory_space<hbm>>
    %dma_wait3A_100 = arith.constant 0 : i32
    %dma_wait3A_101 = tpu.memref_slice %arg12[%mul3A_98, %dma_wait3A_100] : memref<131072x128xf32, #tpu.memory_space<hbm>> -> memref<64x128xf32, #tpu.memory_space<hbm>>
    tpu.wait_dma2 semaphore(%arg27 : memref<!tpu.dma_semaphore, #tpu.memory_space<semaphore_mem>>) src(%arg23 : memref<64x128xf32, #tpu.memory_space<vmem>>) dst(%dma_wait3A_101 : memref<64x128xf32, #tpu.memory_space<hbm>>)
    %mul3A_102 = arith.constant 64 : i32
    %mul3A_103 = arith.muli %add3A, %mul3A_102 : i32
    %add3A_104 = arith.constant 63 : i32
    %add3A_105 = arith.addi %mul3A_103, %add3A_104 : i32
    %mul3A_106 = arith.constant 64 : i32
    %mul3A_107 = arith.muli %add3A_105, %mul3A_106 : i32
    %dma_wait3A_108 = arith.constant 0 : i32
    %dma_wait3A_109 = tpu.memref_slice %arg12[%mul3A_107, %dma_wait3A_108] : memref<131072x128xf32, #tpu.memory_space<hbm>> -> memref<64x128xf32, #tpu.memory_space<hbm>>
    %dma_wait3A_110 = arith.constant 0 : i32
    %dma_wait3A_111 = tpu.memref_slice %arg12[%mul3A_107, %dma_wait3A_110] : memref<131072x128xf32, #tpu.memory_space<hbm>> -> memref<64x128xf32, #tpu.memory_space<hbm>>
    tpu.wait_dma2 semaphore(%arg28 : memref<!tpu.dma_semaphore, #tpu.memory_space<semaphore_mem>>) src(%arg24 : memref<64x128xf32, #tpu.memory_space<vmem>>) dst(%dma_wait3A_111 : memref<64x128xf32, #tpu.memory_space<hbm>>)
    %run_scoped3A = arith.constant 0 : i32
    "tpu.region"() ({
      %run_scoped3A_177 = tpu.sem_alloc : memref<!tpu.dma_semaphore, #tpu.memory_space<semaphore_mem>>
      %dma_start3A_178 = tpu.memref_slice %arg3[%run_scoped3A, %mul3A_2] : memref<3x4096xi32, #tpu.memory_space<hbm>> -> memref<1x128xi32, #tpu.memory_space<hbm>>
      %dma_start3A_179 = tpu.memref_squeeze %dma_start3A_178 : memref<1x128xi32, #tpu.memory_space<hbm>> -> memref<128xi32, #tpu.memory_space<hbm>>
      %dma_start3A_180 = tpu.memref_slice %arg3[%run_scoped3A, %mul3A_2] : memref<3x4096xi32, #tpu.memory_space<hbm>> -> memref<1x128xi32, #tpu.memory_space<hbm>>
      %dma_start3A_181 = tpu.memref_squeeze %dma_start3A_180 : memref<1x128xi32, #tpu.memory_space<hbm>> -> memref<128xi32, #tpu.memory_space<hbm>>
      tpu.enqueue_dma source(%dma_start3A_181 : memref<128xi32, #tpu.memory_space<hbm>>) target(%arg16 : memref<128xi32, #tpu.memory_space<vmem>>) target_semaphore(%run_scoped3A_177 : memref<!tpu.dma_semaphore, #tpu.memory_space<semaphore_mem>>)
      %dma_wait3A_182 = tpu.memref_slice %arg3[%run_scoped3A, %mul3A_2] : memref<3x4096xi32, #tpu.memory_space<hbm>> -> memref<1x128xi32, #tpu.memory_space<hbm>>
      %dma_wait3A_183 = tpu.memref_squeeze %dma_wait3A_182 : memref<1x128xi32, #tpu.memory_space<hbm>> -> memref<128xi32, #tpu.memory_space<hbm>>
      %dma_wait3A_184 = tpu.memref_slice %arg3[%run_scoped3A, %mul3A_2] : memref<3x4096xi32, #tpu.memory_space<hbm>> -> memref<1x128xi32, #tpu.memory_space<hbm>>
      %dma_wait3A_185 = tpu.memref_squeeze %dma_wait3A_184 : memref<1x128xi32, #tpu.memory_space<hbm>> -> memref<128xi32, #tpu.memory_space<hbm>>
      tpu.wait_dma2 semaphore(%run_scoped3A_177 : memref<!tpu.dma_semaphore, #tpu.memory_space<semaphore_mem>>) src(%dma_wait3A_185 : memref<128xi32, #tpu.memory_space<hbm>>) dst(%arg16 : memref<128xi32, #tpu.memory_space<vmem>>)
      tpu.yield
    }) : () -> ()
    %dma_start3A_112 = arith.constant 0 : i32
    %dma_start3A_113 = arith.constant 0 : i32
    %dma_start3A_114 = tpu.memref_slice %arg5[%dma_start3A_112, %dma_start3A_113] : memref<100000x64xf32, #tpu.memory_space<hbm>> -> memref<100000x64xf32, #tpu.memory_space<hbm>>
    tpu.enqueue_indirect_dma source(%dma_start3A_114 : memref<100000x64xf32, #tpu.memory_space<hbm>>) target(%arg18 : memref<128x64xf32, #tpu.memory_space<vmem>>) offsets(%arg16 : memref<128xi32, #tpu.memory_space<vmem>>) semaphore(%arg29 : memref<!tpu.dma_semaphore, #tpu.memory_space<semaphore_mem>>)
    %dma_wait3A_115 = arith.constant 0 : i32
    %dma_wait3A_116 = arith.constant 0 : i32
    %dma_wait3A_117 = tpu.memref_slice %arg5[%dma_wait3A_115, %dma_wait3A_116] : memref<100000x64xf32, #tpu.memory_space<hbm>> -> memref<100000x64xf32, #tpu.memory_space<hbm>>
    tpu.wait_indirect_dma semaphore(%arg29 : memref<!tpu.dma_semaphore, #tpu.memory_space<semaphore_mem>>) src(%dma_wait3A_117 : memref<100000x64xf32, #tpu.memory_space<hbm>>) dst(%arg18 : memref<128x64xf32, #tpu.memory_space<vmem>>)
    %run_scoped3A_118 = arith.constant 1 : i32
    "tpu.region"() ({
      %run_scoped3A_177 = tpu.sem_alloc : memref<!tpu.dma_semaphore, #tpu.memory_space<semaphore_mem>>
      %dma_start3A_178 = tpu.memref_slice %arg3[%run_scoped3A_118, %mul3A_2] : memref<3x4096xi32, #tpu.memory_space<hbm>> -> memref<1x128xi32, #tpu.memory_space<hbm>>
      %dma_start3A_179 = tpu.memref_squeeze %dma_start3A_178 : memref<1x128xi32, #tpu.memory_space<hbm>> -> memref<128xi32, #tpu.memory_space<hbm>>
      %dma_start3A_180 = tpu.memref_slice %arg3[%run_scoped3A_118, %mul3A_2] : memref<3x4096xi32, #tpu.memory_space<hbm>> -> memref<1x128xi32, #tpu.memory_space<hbm>>
      %dma_start3A_181 = tpu.memref_squeeze %dma_start3A_180 : memref<1x128xi32, #tpu.memory_space<hbm>> -> memref<128xi32, #tpu.memory_space<hbm>>
      tpu.enqueue_dma source(%dma_start3A_181 : memref<128xi32, #tpu.memory_space<hbm>>) target(%arg16 : memref<128xi32, #tpu.memory_space<vmem>>) target_semaphore(%run_scoped3A_177 : memref<!tpu.dma_semaphore, #tpu.memory_space<semaphore_mem>>)
      %dma_wait3A_182 = tpu.memref_slice %arg3[%run_scoped3A_118, %mul3A_2] : memref<3x4096xi32, #tpu.memory_space<hbm>> -> memref<1x128xi32, #tpu.memory_space<hbm>>
      %dma_wait3A_183 = tpu.memref_squeeze %dma_wait3A_182 : memref<1x128xi32, #tpu.memory_space<hbm>> -> memref<128xi32, #tpu.memory_space<hbm>>
      %dma_wait3A_184 = tpu.memref_slice %arg3[%run_scoped3A_118, %mul3A_2] : memref<3x4096xi32, #tpu.memory_space<hbm>> -> memref<1x128xi32, #tpu.memory_space<hbm>>
      %dma_wait3A_185 = tpu.memref_squeeze %dma_wait3A_184 : memref<1x128xi32, #tpu.memory_space<hbm>> -> memref<128xi32, #tpu.memory_space<hbm>>
      tpu.wait_dma2 semaphore(%run_scoped3A_177 : memref<!tpu.dma_semaphore, #tpu.memory_space<semaphore_mem>>) src(%dma_wait3A_185 : memref<128xi32, #tpu.memory_space<hbm>>) dst(%arg16 : memref<128xi32, #tpu.memory_space<vmem>>)
      tpu.yield
    }) : () -> ()
    %dma_start3A_119 = arith.constant 0 : i32
    %dma_start3A_120 = arith.constant 0 : i32
    %dma_start3A_121 = tpu.memref_slice %arg6[%dma_start3A_119, %dma_start3A_120] : memref<100000x64xf32, #tpu.memory_space<hbm>> -> memref<100000x64xf32, #tpu.memory_space<hbm>>
    tpu.enqueue_indirect_dma source(%dma_start3A_121 : memref<100000x64xf32, #tpu.memory_space<hbm>>) target(%arg17 : memref<128x64xf32, #tpu.memory_space<vmem>>) offsets(%arg16 : memref<128xi32, #tpu.memory_space<vmem>>) semaphore(%arg29 : memref<!tpu.dma_semaphore, #tpu.memory_space<semaphore_mem>>)
    %dma_wait3A_122 = arith.constant 0 : i32
    %dma_wait3A_123 = arith.constant 0 : i32
    %dma_wait3A_124 = tpu.memref_slice %arg6[%dma_wait3A_122, %dma_wait3A_123] : memref<100000x64xf32, #tpu.memory_space<hbm>> -> memref<100000x64xf32, #tpu.memory_space<hbm>>
    tpu.wait_indirect_dma semaphore(%arg29 : memref<!tpu.dma_semaphore, #tpu.memory_space<semaphore_mem>>) src(%dma_wait3A_124 : memref<100000x64xf32, #tpu.memory_space<hbm>>) dst(%arg17 : memref<128x64xf32, #tpu.memory_space<vmem>>)
    %scan3A_125 = arith.constant 0 : i32
    %scan3A_126 = arith.constant 0 : i32
    %scan3A_127 = arith.constant 128 : i32
    %scan3A_128 = arith.addi %scan3A_126, %scan3A_127 : i32
    %scan3A_129 = arith.constant 1 : i32
    scf.for %scan3A_177 = %scan3A_126 to %scan3A_128 step %scan3A_129  : i32 {
      %get3A_178 = arith.index_cast %scan3A_177 : i32 to index
      %get3A_179 = arith.constant 0 : index
      %get3A_180 = tpu.vector_load %arg18[%get3A_178, %get3A_179] {strides = array<i32>} : memref<128x64xf32, #tpu.memory_space<vmem>>, vector<1x16xf32>,
      %get3A_181 = vector.shape_cast %get3A_180 : vector<1x16xf32> to vector<16xf32>
      %get3A_182 = arith.index_cast %scan3A_177 : i32 to index
      %get3A_183 = arith.constant 0 : index
      %get3A_184 = tpu.vector_load %arg17[%get3A_182, %get3A_183] {strides = array<i32>} : memref<128x64xf32, #tpu.memory_space<vmem>>, vector<1x16xf32>,
      %get3A_185 = vector.shape_cast %get3A_184 : vector<1x16xf32> to vector<16xf32>
      %add3A_186 = arith.addf %get3A_181, %get3A_185 : vector<16xf32>
      %swap3A_187 = arith.index_cast %scan3A_177 : i32 to index
      %swap3A_188 = arith.constant 0 : index
      %swap3A_189 = tpu.vector_load %arg18[%swap3A_187, %swap3A_188] {strides = array<i32>} : memref<128x64xf32, #tpu.memory_space<vmem>>, vector<1x16xf32>,
      %swap3A_190 = vector.shape_cast %swap3A_189 : vector<1x16xf32> to vector<16xf32>
      %swap3A_191 = vector.shape_cast %add3A_186 : vector<16xf32> to vector<1x16xf32>
      tpu.vector_store %arg18[%swap3A_187, %swap3A_188], %swap3A_191 {strides = array<i32>} : memref<128x64xf32, #tpu.memory_space<vmem>>, vector<1x16xf32>,
      %get3A_192 = arith.index_cast %scan3A_177 : i32 to index
      %get3A_193 = arith.constant 16 : index
      %get3A_194 = tpu.vector_load %arg18[%get3A_192, %get3A_193] {strides = array<i32>} : memref<128x64xf32, #tpu.memory_space<vmem>>, vector<1x16xf32>,
      %get3A_195 = vector.shape_cast %get3A_194 : vector<1x16xf32> to vector<16xf32>
      %get3A_196 = arith.index_cast %scan3A_177 : i32 to index
      %get3A_197 = arith.constant 16 : index
      %get3A_198 = tpu.vector_load %arg17[%get3A_196, %get3A_197] {strides = array<i32>} : memref<128x64xf32, #tpu.memory_space<vmem>>, vector<1x16xf32>,
      %get3A_199 = vector.shape_cast %get3A_198 : vector<1x16xf32> to vector<16xf32>
      %add3A_200 = arith.addf %get3A_195, %get3A_199 : vector<16xf32>
      %swap3A_201 = arith.index_cast %scan3A_177 : i32 to index
      %swap3A_202 = arith.constant 16 : index
      %swap3A_203 = tpu.vector_load %arg18[%swap3A_201, %swap3A_202] {strides = array<i32>} : memref<128x64xf32, #tpu.memory_space<vmem>>, vector<1x16xf32>,
      %swap3A_204 = vector.shape_cast %swap3A_203 : vector<1x16xf32> to vector<16xf32>
      %swap3A_205 = vector.shape_cast %add3A_200 : vector<16xf32> to vector<1x16xf32>
      tpu.vector_store %arg18[%swap3A_201, %swap3A_202], %swap3A_205 {strides = array<i32>} : memref<128x64xf32, #tpu.memory_space<vmem>>, vector<1x16xf32>,
      %get3A_206 = arith.index_cast %scan3A_177 : i32 to index
      %get3A_207 = arith.constant 32 : index
      %get3A_208 = tpu.vector_load %arg18[%get3A_206, %get3A_207] {strides = array<i32>} : memref<128x64xf32, #tpu.memory_space<vmem>>, vector<1x16xf32>,
      %get3A_209 = vector.shape_cast %get3A_208 : vector<1x16xf32> to vector<16xf32>
      %get3A_210 = arith.index_cast %scan3A_177 : i32 to index
      %get3A_211 = arith.constant 32 : index
      %get3A_212 = tpu.vector_load %arg17[%get3A_210, %get3A_211] {strides = array<i32>} : memref<128x64xf32, #tpu.memory_space<vmem>>, vector<1x16xf32>,
      %get3A_213 = vector.shape_cast %get3A_212 : vector<1x16xf32> to vector<16xf32>
      %add3A_214 = arith.addf %get3A_209, %get3A_213 : vector<16xf32>
      %swap3A_215 = arith.index_cast %scan3A_177 : i32 to index
      %swap3A_216 = arith.constant 32 : index
      %swap3A_217 = tpu.vector_load %arg18[%swap3A_215, %swap3A_216] {strides = array<i32>} : memref<128x64xf32, #tpu.memory_space<vmem>>, vector<1x16xf32>,
      %swap3A_218 = vector.shape_cast %swap3A_217 : vector<1x16xf32> to vector<16xf32>
      %swap3A_219 = vector.shape_cast %add3A_214 : vector<16xf32> to vector<1x16xf32>
      tpu.vector_store %arg18[%swap3A_215, %swap3A_216], %swap3A_219 {strides = array<i32>} : memref<128x64xf32, #tpu.memory_space<vmem>>, vector<1x16xf32>,
      %get3A_220 = arith.index_cast %scan3A_177 : i32 to index
      %get3A_221 = arith.constant 48 : index
      %get3A_222 = tpu.vector_load %arg18[%get3A_220, %get3A_221] {strides = array<i32>} : memref<128x64xf32, #tpu.memory_space<vmem>>, vector<1x16xf32>,
      %get3A_223 = vector.shape_cast %get3A_222 : vector<1x16xf32> to vector<16xf32>
      %get3A_224 = arith.index_cast %scan3A_177 : i32 to index
      %get3A_225 = arith.constant 48 : index
      %get3A_226 = tpu.vector_load %arg17[%get3A_224, %get3A_225] {strides = array<i32>} : memref<128x64xf32, #tpu.memory_space<vmem>>, vector<1x16xf32>,
      %get3A_227 = vector.shape_cast %get3A_226 : vector<1x16xf32> to vector<16xf32>
      %add3A_228 = arith.addf %get3A_223, %get3A_227 : vector<16xf32>
      %swap3A_229 = arith.index_cast %scan3A_177 : i32 to index
      %swap3A_230 = arith.constant 48 : index
      %swap3A_231 = tpu.vector_load %arg18[%swap3A_229, %swap3A_230] {strides = array<i32>} : memref<128x64xf32, #tpu.memory_space<vmem>>, vector<1x16xf32>,
      %swap3A_232 = vector.shape_cast %swap3A_231 : vector<1x16xf32> to vector<16xf32>
      %swap3A_233 = vector.shape_cast %add3A_228 : vector<16xf32> to vector<1x16xf32>
      tpu.vector_store %arg18[%swap3A_229, %swap3A_230], %swap3A_233 {strides = array<i32>} : memref<128x64xf32, #tpu.memory_space<vmem>>, vector<1x16xf32>,
    }
    %scan3A_130 = arith.constant 128 : i32
    %run_scoped3A_131 = arith.constant 2 : i32
    "tpu.region"() ({
      %run_scoped3A_177 = tpu.sem_alloc : memref<!tpu.dma_semaphore, #tpu.memory_space<semaphore_mem>>
      %dma_start3A_178 = tpu.memref_slice %arg3[%run_scoped3A_131, %mul3A_2] : memref<3x4096xi32, #tpu.memory_space<hbm>> -> memref<1x128xi32, #tpu.memory_space<hbm>>
      %dma_start3A_179 = tpu.memref_squeeze %dma_start3A_178 : memref<1x128xi32, #tpu.memory_space<hbm>> -> memref<128xi32, #tpu.memory_space<hbm>>
      %dma_start3A_180 = tpu.memref_slice %arg3[%run_scoped3A_131, %mul3A_2] : memref<3x4096xi32, #tpu.memory_space<hbm>> -> memref<1x128xi32, #tpu.memory_space<hbm>>
      %dma_start3A_181 = tpu.memref_squeeze %dma_start3A_180 : memref<1x128xi32, #tpu.memory_space<hbm>> -> memref<128xi32, #tpu.memory_space<hbm>>
      tpu.enqueue_dma source(%dma_start3A_181 : memref<128xi32, #tpu.memory_space<hbm>>) target(%arg16 : memref<128xi32, #tpu.memory_space<vmem>>) target_semaphore(%run_scoped3A_177 : memref<!tpu.dma_semaphore, #tpu.memory_space<semaphore_mem>>)
      %dma_wait3A_182 = tpu.memref_slice %arg3[%run_scoped3A_131, %mul3A_2] : memref<3x4096xi32, #tpu.memory_space<hbm>> -> memref<1x128xi32, #tpu.memory_space<hbm>>
      %dma_wait3A_183 = tpu.memref_squeeze %dma_wait3A_182 : memref<1x128xi32, #tpu.memory_space<hbm>> -> memref<128xi32, #tpu.memory_space<hbm>>
      %dma_wait3A_184 = tpu.memref_slice %arg3[%run_scoped3A_131, %mul3A_2] : memref<3x4096xi32, #tpu.memory_space<hbm>> -> memref<1x128xi32, #tpu.memory_space<hbm>>
      %dma_wait3A_185 = tpu.memref_squeeze %dma_wait3A_184 : memref<1x128xi32, #tpu.memory_space<hbm>> -> memref<128xi32, #tpu.memory_space<hbm>>
      tpu.wait_dma2 semaphore(%run_scoped3A_177 : memref<!tpu.dma_semaphore, #tpu.memory_space<semaphore_mem>>) src(%dma_wait3A_185 : memref<128xi32, #tpu.memory_space<hbm>>) dst(%arg16 : memref<128xi32, #tpu.memory_space<vmem>>)
      tpu.yield
    }) : () -> ()
    %dma_start3A_132 = arith.constant 0 : i32
    %dma_start3A_133 = arith.constant 0 : i32
    %dma_start3A_134 = tpu.memref_slice %arg7[%dma_start3A_132, %dma_start3A_133] : memref<100000x64xf32, #tpu.memory_space<hbm>> -> memref<100000x64xf32, #tpu.memory_space<hbm>>
    tpu.enqueue_indirect_dma source(%dma_start3A_134 : memref<100000x64xf32, #tpu.memory_space<hbm>>) target(%arg17 : memref<128x64xf32, #tpu.memory_space<vmem>>) offsets(%arg16 : memref<128xi32, #tpu.memory_space<vmem>>) semaphore(%arg29 : memref<!tpu.dma_semaphore, #tpu.memory_space<semaphore_mem>>)
    %dma_wait3A_135 = arith.constant 0 : i32
    %dma_wait3A_136 = arith.constant 0 : i32
    %dma_wait3A_137 = tpu.memref_slice %arg7[%dma_wait3A_135, %dma_wait3A_136] : memref<100000x64xf32, #tpu.memory_space<hbm>> -> memref<100000x64xf32, #tpu.memory_space<hbm>>
    tpu.wait_indirect_dma semaphore(%arg29 : memref<!tpu.dma_semaphore, #tpu.memory_space<semaphore_mem>>) src(%dma_wait3A_137 : memref<100000x64xf32, #tpu.memory_space<hbm>>) dst(%arg17 : memref<128x64xf32, #tpu.memory_space<vmem>>)
    %scan3A_138 = arith.constant 0 : i32
    %scan3A_139 = arith.constant 0 : i32
    %scan3A_140 = arith.constant 128 : i32
    %scan3A_141 = arith.addi %scan3A_139, %scan3A_140 : i32
    %scan3A_142 = arith.constant 1 : i32
    scf.for %scan3A_177 = %scan3A_139 to %scan3A_141 step %scan3A_142  : i32 {
      %get3A_178 = arith.index_cast %scan3A_177 : i32 to index
      %get3A_179 = arith.constant 0 : index
      %get3A_180 = tpu.vector_load %arg18[%get3A_178, %get3A_179] {strides = array<i32>} : memref<128x64xf32, #tpu.memory_space<vmem>>, vector<1x16xf32>,
      %get3A_181 = vector.shape_cast %get3A_180 : vector<1x16xf32> to vector<16xf32>
      %get3A_182 = arith.index_cast %scan3A_177 : i32 to index
      %get3A_183 = arith.constant 0 : index
      %get3A_184 = tpu.vector_load %arg17[%get3A_182, %get3A_183] {strides = array<i32>} : memref<128x64xf32, #tpu.memory_space<vmem>>, vector<1x16xf32>,
      %get3A_185 = vector.shape_cast %get3A_184 : vector<1x16xf32> to vector<16xf32>
      %add3A_186 = arith.addf %get3A_181, %get3A_185 : vector<16xf32>
      %swap3A_187 = arith.index_cast %scan3A_177 : i32 to index
      %swap3A_188 = arith.constant 0 : index
      %swap3A_189 = tpu.vector_load %arg18[%swap3A_187, %swap3A_188] {strides = array<i32>} : memref<128x64xf32, #tpu.memory_space<vmem>>, vector<1x16xf32>,
      %swap3A_190 = vector.shape_cast %swap3A_189 : vector<1x16xf32> to vector<16xf32>
      %swap3A_191 = vector.shape_cast %add3A_186 : vector<16xf32> to vector<1x16xf32>
      tpu.vector_store %arg18[%swap3A_187, %swap3A_188], %swap3A_191 {strides = array<i32>} : memref<128x64xf32, #tpu.memory_space<vmem>>, vector<1x16xf32>,
      %get3A_192 = arith.index_cast %scan3A_177 : i32 to index
      %get3A_193 = arith.constant 16 : index
      %get3A_194 = tpu.vector_load %arg18[%get3A_192, %get3A_193] {strides = array<i32>} : memref<128x64xf32, #tpu.memory_space<vmem>>, vector<1x16xf32>,
      %get3A_195 = vector.shape_cast %get3A_194 : vector<1x16xf32> to vector<16xf32>
      %get3A_196 = arith.index_cast %scan3A_177 : i32 to index
      %get3A_197 = arith.constant 16 : index
      %get3A_198 = tpu.vector_load %arg17[%get3A_196, %get3A_197] {strides = array<i32>} : memref<128x64xf32, #tpu.memory_space<vmem>>, vector<1x16xf32>,
      %get3A_199 = vector.shape_cast %get3A_198 : vector<1x16xf32> to vector<16xf32>
      %add3A_200 = arith.addf %get3A_195, %get3A_199 : vector<16xf32>
      %swap3A_201 = arith.index_cast %scan3A_177 : i32 to index
      %swap3A_202 = arith.constant 16 : index
      %swap3A_203 = tpu.vector_load %arg18[%swap3A_201, %swap3A_202] {strides = array<i32>} : memref<128x64xf32, #tpu.memory_space<vmem>>, vector<1x16xf32>,
      %swap3A_204 = vector.shape_cast %swap3A_203 : vector<1x16xf32> to vector<16xf32>
      %swap3A_205 = vector.shape_cast %add3A_200 : vector<16xf32> to vector<1x16xf32>
      tpu.vector_store %arg18[%swap3A_201, %swap3A_202], %swap3A_205 {strides = array<i32>} : memref<128x64xf32, #tpu.memory_space<vmem>>, vector<1x16xf32>,
      %get3A_206 = arith.index_cast %scan3A_177 : i32 to index
      %get3A_207 = arith.constant 32 : index
      %get3A_208 = tpu.vector_load %arg18[%get3A_206, %get3A_207] {strides = array<i32>} : memref<128x64xf32, #tpu.memory_space<vmem>>, vector<1x16xf32>,
      %get3A_209 = vector.shape_cast %get3A_208 : vector<1x16xf32> to vector<16xf32>
      %get3A_210 = arith.index_cast %scan3A_177 : i32 to index
      %get3A_211 = arith.constant 32 : index
      %get3A_212 = tpu.vector_load %arg17[%get3A_210, %get3A_211] {strides = array<i32>} : memref<128x64xf32, #tpu.memory_space<vmem>>, vector<1x16xf32>,
      %get3A_213 = vector.shape_cast %get3A_212 : vector<1x16xf32> to vector<16xf32>
      %add3A_214 = arith.addf %get3A_209, %get3A_213 : vector<16xf32>
      %swap3A_215 = arith.index_cast %scan3A_177 : i32 to index
      %swap3A_216 = arith.constant 32 : index
      %swap3A_217 = tpu.vector_load %arg18[%swap3A_215, %swap3A_216] {strides = array<i32>} : memref<128x64xf32, #tpu.memory_space<vmem>>, vector<1x16xf32>,
      %swap3A_218 = vector.shape_cast %swap3A_217 : vector<1x16xf32> to vector<16xf32>
      %swap3A_219 = vector.shape_cast %add3A_214 : vector<16xf32> to vector<1x16xf32>
      tpu.vector_store %arg18[%swap3A_215, %swap3A_216], %swap3A_219 {strides = array<i32>} : memref<128x64xf32, #tpu.memory_space<vmem>>, vector<1x16xf32>,
      %get3A_220 = arith.index_cast %scan3A_177 : i32 to index
      %get3A_221 = arith.constant 48 : index
      %get3A_222 = tpu.vector_load %arg18[%get3A_220, %get3A_221] {strides = array<i32>} : memref<128x64xf32, #tpu.memory_space<vmem>>, vector<1x16xf32>,
      %get3A_223 = vector.shape_cast %get3A_222 : vector<1x16xf32> to vector<16xf32>
      %get3A_224 = arith.index_cast %scan3A_177 : i32 to index
      %get3A_225 = arith.constant 48 : index
      %get3A_226 = tpu.vector_load %arg17[%get3A_224, %get3A_225] {strides = array<i32>} : memref<128x64xf32, #tpu.memory_space<vmem>>, vector<1x16xf32>,
      %get3A_227 = vector.shape_cast %get3A_226 : vector<1x16xf32> to vector<16xf32>
      %add3A_228 = arith.addf %get3A_223, %get3A_227 : vector<16xf32>
      %swap3A_229 = arith.index_cast %scan3A_177 : i32 to index
      %swap3A_230 = arith.constant 48 : index
      %swap3A_231 = tpu.vector_load %arg18[%swap3A_229, %swap3A_230] {strides = array<i32>} : memref<128x64xf32, #tpu.memory_space<vmem>>, vector<1x16xf32>,
      %swap3A_232 = vector.shape_cast %swap3A_231 : vector<1x16xf32> to vector<16xf32>
      %swap3A_233 = vector.shape_cast %add3A_228 : vector<16xf32> to vector<1x16xf32>
      tpu.vector_store %arg18[%swap3A_229, %swap3A_230], %swap3A_233 {strides = array<i32>} : memref<128x64xf32, #tpu.memory_space<vmem>>, vector<1x16xf32>,
    }
    %scan3A_143 = arith.constant 128 : i32
    "tpu.region"() ({
      %run_scoped3A_177 = tpu.sem_alloc : memref<!tpu.dma_semaphore, #tpu.memory_space<semaphore_mem>>
      %dma_start3A_178 = arith.constant 0 : i32
      %dma_start3A_179 = tpu.memref_slice %arg13[%mul3A_2, %dma_start3A_178] : memref<4096x64xf32, #tpu.memory_space<hbm>> -> memref<128x64xf32, #tpu.memory_space<hbm>>
      %dma_start3A_180 = arith.constant 0 : i32
      %dma_start3A_181 = tpu.memref_slice %arg13[%mul3A_2, %dma_start3A_180] : memref<4096x64xf32, #tpu.memory_space<hbm>> -> memref<128x64xf32, #tpu.memory_space<hbm>>
      tpu.enqueue_dma source(%arg18 : memref<128x64xf32, #tpu.memory_space<vmem>>) target(%dma_start3A_181 : memref<128x64xf32, #tpu.memory_space<hbm>>) target_semaphore(%run_scoped3A_177 : memref<!tpu.dma_semaphore, #tpu.memory_space<semaphore_mem>>)
      %dma_wait3A_182 = arith.constant 0 : i32
      %dma_wait3A_183 = tpu.memref_slice %arg13[%mul3A_2, %dma_wait3A_182] : memref<4096x64xf32, #tpu.memory_space<hbm>> -> memref<128x64xf32, #tpu.memory_space<hbm>>
      %dma_wait3A_184 = arith.constant 0 : i32
      %dma_wait3A_185 = tpu.memref_slice %arg13[%mul3A_2, %dma_wait3A_184] : memref<4096x64xf32, #tpu.memory_space<hbm>> -> memref<128x64xf32, #tpu.memory_space<hbm>>
      tpu.wait_dma2 semaphore(%run_scoped3A_177 : memref<!tpu.dma_semaphore, #tpu.memory_space<semaphore_mem>>) src(%arg18 : memref<128x64xf32, #tpu.memory_space<vmem>>) dst(%dma_wait3A_185 : memref<128x64xf32, #tpu.memory_space<hbm>>)
      tpu.yield
    }) : () -> ()
    %run_scoped3A_144 = arith.constant 0 : i32
    "tpu.region"() ({
      %run_scoped3A_177 = tpu.sem_alloc : memref<!tpu.dma_semaphore, #tpu.memory_space<semaphore_mem>>
      %dma_start3A_178 = tpu.memref_slice %arg4[%run_scoped3A_144, %mul3A_2] : memref<3x4096xi32, #tpu.memory_space<hbm>> -> memref<1x128xi32, #tpu.memory_space<hbm>>
      %dma_start3A_179 = tpu.memref_squeeze %dma_start3A_178 : memref<1x128xi32, #tpu.memory_space<hbm>> -> memref<128xi32, #tpu.memory_space<hbm>>
      %dma_start3A_180 = tpu.memref_slice %arg4[%run_scoped3A_144, %mul3A_2] : memref<3x4096xi32, #tpu.memory_space<hbm>> -> memref<1x128xi32, #tpu.memory_space<hbm>>
      %dma_start3A_181 = tpu.memref_squeeze %dma_start3A_180 : memref<1x128xi32, #tpu.memory_space<hbm>> -> memref<128xi32, #tpu.memory_space<hbm>>
      tpu.enqueue_dma source(%dma_start3A_181 : memref<128xi32, #tpu.memory_space<hbm>>) target(%arg16 : memref<128xi32, #tpu.memory_space<vmem>>) target_semaphore(%run_scoped3A_177 : memref<!tpu.dma_semaphore, #tpu.memory_space<semaphore_mem>>)
      %dma_wait3A_182 = tpu.memref_slice %arg4[%run_scoped3A_144, %mul3A_2] : memref<3x4096xi32, #tpu.memory_space<hbm>> -> memref<1x128xi32, #tpu.memory_space<hbm>>
      %dma_wait3A_183 = tpu.memref_squeeze %dma_wait3A_182 : memref<1x128xi32, #tpu.memory_space<hbm>> -> memref<128xi32, #tpu.memory_space<hbm>>
      %dma_wait3A_184 = tpu.memref_slice %arg4[%run_scoped3A_144, %mul3A_2] : memref<3x4096xi32, #tpu.memory_space<hbm>> -> memref<1x128xi32, #tpu.memory_space<hbm>>
      %dma_wait3A_185 = tpu.memref_squeeze %dma_wait3A_184 : memref<1x128xi32, #tpu.memory_space<hbm>> -> memref<128xi32, #tpu.memory_space<hbm>>
      tpu.wait_dma2 semaphore(%run_scoped3A_177 : memref<!tpu.dma_semaphore, #tpu.memory_space<semaphore_mem>>) src(%dma_wait3A_185 : memref<128xi32, #tpu.memory_space<hbm>>) dst(%arg16 : memref<128xi32, #tpu.memory_space<vmem>>)
      tpu.yield
    }) : () -> ()
    %dma_start3A_145 = arith.constant 0 : i32
    %dma_start3A_146 = arith.constant 0 : i32
    %dma_start3A_147 = tpu.memref_slice %arg8[%dma_start3A_145, %dma_start3A_146] : memref<100000x64xf32, #tpu.memory_space<hbm>> -> memref<100000x64xf32, #tpu.memory_space<hbm>>
    tpu.enqueue_indirect_dma source(%dma_start3A_147 : memref<100000x64xf32, #tpu.memory_space<hbm>>) target(%arg18 : memref<128x64xf32, #tpu.memory_space<vmem>>) offsets(%arg16 : memref<128xi32, #tpu.memory_space<vmem>>) semaphore(%arg29 : memref<!tpu.dma_semaphore, #tpu.memory_space<semaphore_mem>>)
    %dma_wait3A_148 = arith.constant 0 : i32
    %dma_wait3A_149 = arith.constant 0 : i32
    %dma_wait3A_150 = tpu.memref_slice %arg8[%dma_wait3A_148, %dma_wait3A_149] : memref<100000x64xf32, #tpu.memory_space<hbm>> -> memref<100000x64xf32, #tpu.memory_space<hbm>>
    tpu.wait_indirect_dma semaphore(%arg29 : memref<!tpu.dma_semaphore, #tpu.memory_space<semaphore_mem>>) src(%dma_wait3A_150 : memref<100000x64xf32, #tpu.memory_space<hbm>>) dst(%arg18 : memref<128x64xf32, #tpu.memory_space<vmem>>)
    %run_scoped3A_151 = arith.constant 1 : i32
    "tpu.region"() ({
      %run_scoped3A_177 = tpu.sem_alloc : memref<!tpu.dma_semaphore, #tpu.memory_space<semaphore_mem>>
      %dma_start3A_178 = tpu.memref_slice %arg4[%run_scoped3A_151, %mul3A_2] : memref<3x4096xi32, #tpu.memory_space<hbm>> -> memref<1x128xi32, #tpu.memory_space<hbm>>
      %dma_start3A_179 = tpu.memref_squeeze %dma_start3A_178 : memref<1x128xi32, #tpu.memory_space<hbm>> -> memref<128xi32, #tpu.memory_space<hbm>>
      %dma_start3A_180 = tpu.memref_slice %arg4[%run_scoped3A_151, %mul3A_2] : memref<3x4096xi32, #tpu.memory_space<hbm>> -> memref<1x128xi32, #tpu.memory_space<hbm>>
      %dma_start3A_181 = tpu.memref_squeeze %dma_start3A_180 : memref<1x128xi32, #tpu.memory_space<hbm>> -> memref<128xi32, #tpu.memory_space<hbm>>
      tpu.enqueue_dma source(%dma_start3A_181 : memref<128xi32, #tpu.memory_space<hbm>>) target(%arg16 : memref<128xi32, #tpu.memory_space<vmem>>) target_semaphore(%run_scoped3A_177 : memref<!tpu.dma_semaphore, #tpu.memory_space<semaphore_mem>>)
      %dma_wait3A_182 = tpu.memref_slice %arg4[%run_scoped3A_151, %mul3A_2] : memref<3x4096xi32, #tpu.memory_space<hbm>> -> memref<1x128xi32, #tpu.memory_space<hbm>>
      %dma_wait3A_183 = tpu.memref_squeeze %dma_wait3A_182 : memref<1x128xi32, #tpu.memory_space<hbm>> -> memref<128xi32, #tpu.memory_space<hbm>>
      %dma_wait3A_184 = tpu.memref_slice %arg4[%run_scoped3A_151, %mul3A_2] : memref<3x4096xi32, #tpu.memory_space<hbm>> -> memref<1x128xi32, #tpu.memory_space<hbm>>
      %dma_wait3A_185 = tpu.memref_squeeze %dma_wait3A_184 : memref<1x128xi32, #tpu.memory_space<hbm>> -> memref<128xi32, #tpu.memory_space<hbm>>
      tpu.wait_dma2 semaphore(%run_scoped3A_177 : memref<!tpu.dma_semaphore, #tpu.memory_space<semaphore_mem>>) src(%dma_wait3A_185 : memref<128xi32, #tpu.memory_space<hbm>>) dst(%arg16 : memref<128xi32, #tpu.memory_space<vmem>>)
      tpu.yield
    }) : () -> ()
    %dma_start3A_152 = arith.constant 0 : i32
    %dma_start3A_153 = arith.constant 0 : i32
    %dma_start3A_154 = tpu.memref_slice %arg9[%dma_start3A_152, %dma_start3A_153] : memref<100000x64xf32, #tpu.memory_space<hbm>> -> memref<100000x64xf32, #tpu.memory_space<hbm>>
    tpu.enqueue_indirect_dma source(%dma_start3A_154 : memref<100000x64xf32, #tpu.memory_space<hbm>>) target(%arg17 : memref<128x64xf32, #tpu.memory_space<vmem>>) offsets(%arg16 : memref<128xi32, #tpu.memory_space<vmem>>) semaphore(%arg29 : memref<!tpu.dma_semaphore, #tpu.memory_space<semaphore_mem>>)
    %dma_wait3A_155 = arith.constant 0 : i32
    %dma_wait3A_156 = arith.constant 0 : i32
    %dma_wait3A_157 = tpu.memref_slice %arg9[%dma_wait3A_155, %dma_wait3A_156] : memref<100000x64xf32, #tpu.memory_space<hbm>> -> memref<100000x64xf32, #tpu.memory_space<hbm>>
    tpu.wait_indirect_dma semaphore(%arg29 : memref<!tpu.dma_semaphore, #tpu.memory_space<semaphore_mem>>) src(%dma_wait3A_157 : memref<100000x64xf32, #tpu.memory_space<hbm>>) dst(%arg17 : memref<128x64xf32, #tpu.memory_space<vmem>>)
    %scan3A_158 = arith.constant 0 : i32
    %scan3A_159 = arith.constant 0 : i32
    %scan3A_160 = arith.constant 128 : i32
    %scan3A_161 = arith.addi %scan3A_159, %scan3A_160 : i32
    %scan3A_162 = arith.constant 1 : i32
    scf.for %scan3A_177 = %scan3A_159 to %scan3A_161 step %scan3A_162  : i32 {
      %get3A_178 = arith.index_cast %scan3A_177 : i32 to index
      %get3A_179 = arith.constant 0 : index
      %get3A_180 = tpu.vector_load %arg18[%get3A_178, %get3A_179] {strides = array<i32>} : memref<128x64xf32, #tpu.memory_space<vmem>>, vector<1x16xf32>,
      %get3A_181 = vector.shape_cast %get3A_180 : vector<1x16xf32> to vector<16xf32>
      %get3A_182 = arith.index_cast %scan3A_177 : i32 to index
      %get3A_183 = arith.constant 0 : index
      %get3A_184 = tpu.vector_load %arg17[%get3A_182, %get3A_183] {strides = array<i32>} : memref<128x64xf32, #tpu.memory_space<vmem>>, vector<1x16xf32>,
      %get3A_185 = vector.shape_cast %get3A_184 : vector<1x16xf32> to vector<16xf32>
      %add3A_186 = arith.addf %get3A_181, %get3A_185 : vector<16xf32>
      %swap3A_187 = arith.index_cast %scan3A_177 : i32 to index
      %swap3A_188 = arith.constant 0 : index
      %swap3A_189 = tpu.vector_load %arg18[%swap3A_187, %swap3A_188] {strides = array<i32>} : memref<128x64xf32, #tpu.memory_space<vmem>>, vector<1x16xf32>,
      %swap3A_190 = vector.shape_cast %swap3A_189 : vector<1x16xf32> to vector<16xf32>
      %swap3A_191 = vector.shape_cast %add3A_186 : vector<16xf32> to vector<1x16xf32>
      tpu.vector_store %arg18[%swap3A_187, %swap3A_188], %swap3A_191 {strides = array<i32>} : memref<128x64xf32, #tpu.memory_space<vmem>>, vector<1x16xf32>,
      %get3A_192 = arith.index_cast %scan3A_177 : i32 to index
      %get3A_193 = arith.constant 16 : index
      %get3A_194 = tpu.vector_load %arg18[%get3A_192, %get3A_193] {strides = array<i32>} : memref<128x64xf32, #tpu.memory_space<vmem>>, vector<1x16xf32>,
      %get3A_195 = vector.shape_cast %get3A_194 : vector<1x16xf32> to vector<16xf32>
      %get3A_196 = arith.index_cast %scan3A_177 : i32 to index
      %get3A_197 = arith.constant 16 : index
      %get3A_198 = tpu.vector_load %arg17[%get3A_196, %get3A_197] {strides = array<i32>} : memref<128x64xf32, #tpu.memory_space<vmem>>, vector<1x16xf32>,
      %get3A_199 = vector.shape_cast %get3A_198 : vector<1x16xf32> to vector<16xf32>
      %add3A_200 = arith.addf %get3A_195, %get3A_199 : vector<16xf32>
      %swap3A_201 = arith.index_cast %scan3A_177 : i32 to index
      %swap3A_202 = arith.constant 16 : index
      %swap3A_203 = tpu.vector_load %arg18[%swap3A_201, %swap3A_202] {strides = array<i32>} : memref<128x64xf32, #tpu.memory_space<vmem>>, vector<1x16xf32>,
      %swap3A_204 = vector.shape_cast %swap3A_203 : vector<1x16xf32> to vector<16xf32>
      %swap3A_205 = vector.shape_cast %add3A_200 : vector<16xf32> to vector<1x16xf32>
      tpu.vector_store %arg18[%swap3A_201, %swap3A_202], %swap3A_205 {strides = array<i32>} : memref<128x64xf32, #tpu.memory_space<vmem>>, vector<1x16xf32>,
      %get3A_206 = arith.index_cast %scan3A_177 : i32 to index
      %get3A_207 = arith.constant 32 : index
      %get3A_208 = tpu.vector_load %arg18[%get3A_206, %get3A_207] {strides = array<i32>} : memref<128x64xf32, #tpu.memory_space<vmem>>, vector<1x16xf32>,
      %get3A_209 = vector.shape_cast %get3A_208 : vector<1x16xf32> to vector<16xf32>
      %get3A_210 = arith.index_cast %scan3A_177 : i32 to index
      %get3A_211 = arith.constant 32 : index
      %get3A_212 = tpu.vector_load %arg17[%get3A_210, %get3A_211] {strides = array<i32>} : memref<128x64xf32, #tpu.memory_space<vmem>>, vector<1x16xf32>,
      %get3A_213 = vector.shape_cast %get3A_212 : vector<1x16xf32> to vector<16xf32>
      %add3A_214 = arith.addf %get3A_209, %get3A_213 : vector<16xf32>
      %swap3A_215 = arith.index_cast %scan3A_177 : i32 to index
      %swap3A_216 = arith.constant 32 : index
      %swap3A_217 = tpu.vector_load %arg18[%swap3A_215, %swap3A_216] {strides = array<i32>} : memref<128x64xf32, #tpu.memory_space<vmem>>, vector<1x16xf32>,
      %swap3A_218 = vector.shape_cast %swap3A_217 : vector<1x16xf32> to vector<16xf32>
      %swap3A_219 = vector.shape_cast %add3A_214 : vector<16xf32> to vector<1x16xf32>
      tpu.vector_store %arg18[%swap3A_215, %swap3A_216], %swap3A_219 {strides = array<i32>} : memref<128x64xf32, #tpu.memory_space<vmem>>, vector<1x16xf32>,
      %get3A_220 = arith.index_cast %scan3A_177 : i32 to index
      %get3A_221 = arith.constant 48 : index
      %get3A_222 = tpu.vector_load %arg18[%get3A_220, %get3A_221] {strides = array<i32>} : memref<128x64xf32, #tpu.memory_space<vmem>>, vector<1x16xf32>,
      %get3A_223 = vector.shape_cast %get3A_222 : vector<1x16xf32> to vector<16xf32>
      %get3A_224 = arith.index_cast %scan3A_177 : i32 to index
      %get3A_225 = arith.constant 48 : index
      %get3A_226 = tpu.vector_load %arg17[%get3A_224, %get3A_225] {strides = array<i32>} : memref<128x64xf32, #tpu.memory_space<vmem>>, vector<1x16xf32>,
      %get3A_227 = vector.shape_cast %get3A_226 : vector<1x16xf32> to vector<16xf32>
      %add3A_228 = arith.addf %get3A_223, %get3A_227 : vector<16xf32>
      %swap3A_229 = arith.index_cast %scan3A_177 : i32 to index
      %swap3A_230 = arith.constant 48 : index
      %swap3A_231 = tpu.vector_load %arg18[%swap3A_229, %swap3A_230] {strides = array<i32>} : memref<128x64xf32, #tpu.memory_space<vmem>>, vector<1x16xf32>,
      %swap3A_232 = vector.shape_cast %swap3A_231 : vector<1x16xf32> to vector<16xf32>
      %swap3A_233 = vector.shape_cast %add3A_228 : vector<16xf32> to vector<1x16xf32>
      tpu.vector_store %arg18[%swap3A_229, %swap3A_230], %swap3A_233 {strides = array<i32>} : memref<128x64xf32, #tpu.memory_space<vmem>>, vector<1x16xf32>,
    }
    %scan3A_163 = arith.constant 128 : i32
    %run_scoped3A_164 = arith.constant 2 : i32
    "tpu.region"() ({
      %run_scoped3A_177 = tpu.sem_alloc : memref<!tpu.dma_semaphore, #tpu.memory_space<semaphore_mem>>
      %dma_start3A_178 = tpu.memref_slice %arg4[%run_scoped3A_164, %mul3A_2] : memref<3x4096xi32, #tpu.memory_space<hbm>> -> memref<1x128xi32, #tpu.memory_space<hbm>>
      %dma_start3A_179 = tpu.memref_squeeze %dma_start3A_178 : memref<1x128xi32, #tpu.memory_space<hbm>> -> memref<128xi32, #tpu.memory_space<hbm>>
      %dma_start3A_180 = tpu.memref_slice %arg4[%run_scoped3A_164, %mul3A_2] : memref<3x4096xi32, #tpu.memory_space<hbm>> -> memref<1x128xi32, #tpu.memory_space<hbm>>
      %dma_start3A_181 = tpu.memref_squeeze %dma_start3A_180 : memref<1x128xi32, #tpu.memory_space<hbm>> -> memref<128xi32, #tpu.memory_space<hbm>>
      tpu.enqueue_dma source(%dma_start3A_181 : memref<128xi32, #tpu.memory_space<hbm>>) target(%arg16 : memref<128xi32, #tpu.memory_space<vmem>>) target_semaphore(%run_scoped3A_177 : memref<!tpu.dma_semaphore, #tpu.memory_space<semaphore_mem>>)
      %dma_wait3A_182 = tpu.memref_slice %arg4[%run_scoped3A_164, %mul3A_2] : memref<3x4096xi32, #tpu.memory_space<hbm>> -> memref<1x128xi32, #tpu.memory_space<hbm>>
      %dma_wait3A_183 = tpu.memref_squeeze %dma_wait3A_182 : memref<1x128xi32, #tpu.memory_space<hbm>> -> memref<128xi32, #tpu.memory_space<hbm>>
      %dma_wait3A_184 = tpu.memref_slice %arg4[%run_scoped3A_164, %mul3A_2] : memref<3x4096xi32, #tpu.memory_space<hbm>> -> memref<1x128xi32, #tpu.memory_space<hbm>>
      %dma_wait3A_185 = tpu.memref_squeeze %dma_wait3A_184 : memref<1x128xi32, #tpu.memory_space<hbm>> -> memref<128xi32, #tpu.memory_space<hbm>>
      tpu.wait_dma2 semaphore(%run_scoped3A_177 : memref<!tpu.dma_semaphore, #tpu.memory_space<semaphore_mem>>) src(%dma_wait3A_185 : memref<128xi32, #tpu.memory_space<hbm>>) dst(%arg16 : memref<128xi32, #tpu.memory_space<vmem>>)
      tpu.yield
    }) : () -> ()
    %dma_start3A_165 = arith.constant 0 : i32
    %dma_start3A_166 = arith.constant 0 : i32
    %dma_start3A_167 = tpu.memref_slice %arg10[%dma_start3A_165, %dma_start3A_166] : memref<100000x64xf32, #tpu.memory_space<hbm>> -> memref<100000x64xf32, #tpu.memory_space<hbm>>
    tpu.enqueue_indirect_dma source(%dma_start3A_167 : memref<100000x64xf32, #tpu.memory_space<hbm>>) target(%arg17 : memref<128x64xf32, #tpu.memory_space<vmem>>) offsets(%arg16 : memref<128xi32, #tpu.memory_space<vmem>>) semaphore(%arg29 : memref<!tpu.dma_semaphore, #tpu.memory_space<semaphore_mem>>)
    %dma_wait3A_168 = arith.constant 0 : i32
    %dma_wait3A_169 = arith.constant 0 : i32
    %dma_wait3A_170 = tpu.memref_slice %arg10[%dma_wait3A_168, %dma_wait3A_169] : memref<100000x64xf32, #tpu.memory_space<hbm>> -> memref<100000x64xf32, #tpu.memory_space<hbm>>
    tpu.wait_indirect_dma semaphore(%arg29 : memref<!tpu.dma_semaphore, #tpu.memory_space<semaphore_mem>>) src(%dma_wait3A_170 : memref<100000x64xf32, #tpu.memory_space<hbm>>) dst(%arg17 : memref<128x64xf32, #tpu.memory_space<vmem>>)
    %scan3A_171 = arith.constant 0 : i32
    %scan3A_172 = arith.constant 0 : i32
    %scan3A_173 = arith.constant 128 : i32
    %scan3A_174 = arith.addi %scan3A_172, %scan3A_173 : i32
    %scan3A_175 = arith.constant 1 : i32
    scf.for %scan3A_177 = %scan3A_172 to %scan3A_174 step %scan3A_175  : i32 {
      %get3A_178 = arith.index_cast %scan3A_177 : i32 to index
      %get3A_179 = arith.constant 0 : index
      %get3A_180 = tpu.vector_load %arg18[%get3A_178, %get3A_179] {strides = array<i32>} : memref<128x64xf32, #tpu.memory_space<vmem>>, vector<1x16xf32>,
      %get3A_181 = vector.shape_cast %get3A_180 : vector<1x16xf32> to vector<16xf32>
      %get3A_182 = arith.index_cast %scan3A_177 : i32 to index
      %get3A_183 = arith.constant 0 : index
      %get3A_184 = tpu.vector_load %arg17[%get3A_182, %get3A_183] {strides = array<i32>} : memref<128x64xf32, #tpu.memory_space<vmem>>, vector<1x16xf32>,
      %get3A_185 = vector.shape_cast %get3A_184 : vector<1x16xf32> to vector<16xf32>
      %add3A_186 = arith.addf %get3A_181, %get3A_185 : vector<16xf32>
      %swap3A_187 = arith.index_cast %scan3A_177 : i32 to index
      %swap3A_188 = arith.constant 0 : index
      %swap3A_189 = tpu.vector_load %arg18[%swap3A_187, %swap3A_188] {strides = array<i32>} : memref<128x64xf32, #tpu.memory_space<vmem>>, vector<1x16xf32>,
      %swap3A_190 = vector.shape_cast %swap3A_189 : vector<1x16xf32> to vector<16xf32>
      %swap3A_191 = vector.shape_cast %add3A_186 : vector<16xf32> to vector<1x16xf32>
      tpu.vector_store %arg18[%swap3A_187, %swap3A_188], %swap3A_191 {strides = array<i32>} : memref<128x64xf32, #tpu.memory_space<vmem>>, vector<1x16xf32>,
      %get3A_192 = arith.index_cast %scan3A_177 : i32 to index
      %get3A_193 = arith.constant 16 : index
      %get3A_194 = tpu.vector_load %arg18[%get3A_192, %get3A_193] {strides = array<i32>} : memref<128x64xf32, #tpu.memory_space<vmem>>, vector<1x16xf32>,
      %get3A_195 = vector.shape_cast %get3A_194 : vector<1x16xf32> to vector<16xf32>
      %get3A_196 = arith.index_cast %scan3A_177 : i32 to index
      %get3A_197 = arith.constant 16 : index
      %get3A_198 = tpu.vector_load %arg17[%get3A_196, %get3A_197] {strides = array<i32>} : memref<128x64xf32, #tpu.memory_space<vmem>>, vector<1x16xf32>,
      %get3A_199 = vector.shape_cast %get3A_198 : vector<1x16xf32> to vector<16xf32>
      %add3A_200 = arith.addf %get3A_195, %get3A_199 : vector<16xf32>
      %swap3A_201 = arith.index_cast %scan3A_177 : i32 to index
      %swap3A_202 = arith.constant 16 : index
      %swap3A_203 = tpu.vector_load %arg18[%swap3A_201, %swap3A_202] {strides = array<i32>} : memref<128x64xf32, #tpu.memory_space<vmem>>, vector<1x16xf32>,
      %swap3A_204 = vector.shape_cast %swap3A_203 : vector<1x16xf32> to vector<16xf32>
      %swap3A_205 = vector.shape_cast %add3A_200 : vector<16xf32> to vector<1x16xf32>
      tpu.vector_store %arg18[%swap3A_201, %swap3A_202], %swap3A_205 {strides = array<i32>} : memref<128x64xf32, #tpu.memory_space<vmem>>, vector<1x16xf32>,
      %get3A_206 = arith.index_cast %scan3A_177 : i32 to index
      %get3A_207 = arith.constant 32 : index
      %get3A_208 = tpu.vector_load %arg18[%get3A_206, %get3A_207] {strides = array<i32>} : memref<128x64xf32, #tpu.memory_space<vmem>>, vector<1x16xf32>,
      %get3A_209 = vector.shape_cast %get3A_208 : vector<1x16xf32> to vector<16xf32>
      %get3A_210 = arith.index_cast %scan3A_177 : i32 to index
      %get3A_211 = arith.constant 32 : index
      %get3A_212 = tpu.vector_load %arg17[%get3A_210, %get3A_211] {strides = array<i32>} : memref<128x64xf32, #tpu.memory_space<vmem>>, vector<1x16xf32>,
      %get3A_213 = vector.shape_cast %get3A_212 : vector<1x16xf32> to vector<16xf32>
      %add3A_214 = arith.addf %get3A_209, %get3A_213 : vector<16xf32>
      %swap3A_215 = arith.index_cast %scan3A_177 : i32 to index
      %swap3A_216 = arith.constant 32 : index
      %swap3A_217 = tpu.vector_load %arg18[%swap3A_215, %swap3A_216] {strides = array<i32>} : memref<128x64xf32, #tpu.memory_space<vmem>>, vector<1x16xf32>,
      %swap3A_218 = vector.shape_cast %swap3A_217 : vector<1x16xf32> to vector<16xf32>
      %swap3A_219 = vector.shape_cast %add3A_214 : vector<16xf32> to vector<1x16xf32>
      tpu.vector_store %arg18[%swap3A_215, %swap3A_216], %swap3A_219 {strides = array<i32>} : memref<128x64xf32, #tpu.memory_space<vmem>>, vector<1x16xf32>,
      %get3A_220 = arith.index_cast %scan3A_177 : i32 to index
      %get3A_221 = arith.constant 48 : index
      %get3A_222 = tpu.vector_load %arg18[%get3A_220, %get3A_221] {strides = array<i32>} : memref<128x64xf32, #tpu.memory_space<vmem>>, vector<1x16xf32>,
      %get3A_223 = vector.shape_cast %get3A_222 : vector<1x16xf32> to vector<16xf32>
      %get3A_224 = arith.index_cast %scan3A_177 : i32 to index
      %get3A_225 = arith.constant 48 : index
      %get3A_226 = tpu.vector_load %arg17[%get3A_224, %get3A_225] {strides = array<i32>} : memref<128x64xf32, #tpu.memory_space<vmem>>, vector<1x16xf32>,
      %get3A_227 = vector.shape_cast %get3A_226 : vector<1x16xf32> to vector<16xf32>
      %add3A_228 = arith.addf %get3A_223, %get3A_227 : vector<16xf32>
      %swap3A_229 = arith.index_cast %scan3A_177 : i32 to index
      %swap3A_230 = arith.constant 48 : index
      %swap3A_231 = tpu.vector_load %arg18[%swap3A_229, %swap3A_230] {strides = array<i32>} : memref<128x64xf32, #tpu.memory_space<vmem>>, vector<1x16xf32>,
      %swap3A_232 = vector.shape_cast %swap3A_231 : vector<1x16xf32> to vector<16xf32>
      %swap3A_233 = vector.shape_cast %add3A_228 : vector<16xf32> to vector<1x16xf32>
      tpu.vector_store %arg18[%swap3A_229, %swap3A_230], %swap3A_233 {strides = array<i32>} : memref<128x64xf32, #tpu.memory_space<vmem>>, vector<1x16xf32>,
    }
    %scan3A_176 = arith.constant 128 : i32
    "tpu.region"() ({
      %run_scoped3A_177 = tpu.sem_alloc : memref<!tpu.dma_semaphore, #tpu.memory_space<semaphore_mem>>
      %dma_start3A_178 = arith.constant 0 : i32
      %dma_start3A_179 = tpu.memref_slice %arg14[%mul3A_2, %dma_start3A_178] : memref<4096x64xf32, #tpu.memory_space<hbm>> -> memref<128x64xf32, #tpu.memory_space<hbm>>
      %dma_start3A_180 = arith.constant 0 : i32
      %dma_start3A_181 = tpu.memref_slice %arg14[%mul3A_2, %dma_start3A_180] : memref<4096x64xf32, #tpu.memory_space<hbm>> -> memref<128x64xf32, #tpu.memory_space<hbm>>
      tpu.enqueue_dma source(%arg18 : memref<128x64xf32, #tpu.memory_space<vmem>>) target(%dma_start3A_181 : memref<128x64xf32, #tpu.memory_space<hbm>>) target_semaphore(%run_scoped3A_177 : memref<!tpu.dma_semaphore, #tpu.memory_space<semaphore_mem>>)
      %dma_wait3A_182 = arith.constant 0 : i32
      %dma_wait3A_183 = tpu.memref_slice %arg14[%mul3A_2, %dma_wait3A_182] : memref<4096x64xf32, #tpu.memory_space<hbm>> -> memref<128x64xf32, #tpu.memory_space<hbm>>
      %dma_wait3A_184 = arith.constant 0 : i32
      %dma_wait3A_185 = tpu.memref_slice %arg14[%mul3A_2, %dma_wait3A_184] : memref<4096x64xf32, #tpu.memory_space<hbm>> -> memref<128x64xf32, #tpu.memory_space<hbm>>
      tpu.wait_dma2 semaphore(%run_scoped3A_177 : memref<!tpu.dma_semaphore, #tpu.memory_space<semaphore_mem>>) src(%arg18 : memref<128x64xf32, #tpu.memory_space<vmem>>) dst(%dma_wait3A_185 : memref<128x64xf32, #tpu.memory_space<hbm>>)
      tpu.yield
    }) : () -> ()
    return
  }
}

module attributes {stable_mosaic.version = 14 : i64} {
  func.func @_tc_body(%arg0: i32, %arg1: memref<512x16xf32, #tpu.memory_space<vmem>>, %arg2: memref<512x16xf32, #tpu.memory_space<vmem>>, %arg3: memref<512x64xf32, #tpu.memory_space<vmem>>, %arg4: memref<512x64xf32, #tpu.memory_space<vmem>>, %arg5: memref<16384x128xf32, #tpu.memory_space<vmem>>, %arg6: memref<16x64xf32, #tpu.memory_space<vmem>>, %arg7: memref<1x64xf32, #tpu.memory_space<vmem>>, %arg8: memref<16x64xf32, #tpu.memory_space<vmem>>, %arg9: memref<1x64xf32, #tpu.memory_space<vmem>>, %arg10: memref<1x64xf32, #tpu.memory_space<vmem>>, %arg11: memref<192x512xf32, #tpu.memory_space<vmem>>, %arg12: memref<1x512xf32, #tpu.memory_space<vmem>>, %arg13: memref<512x256xf32, #tpu.memory_space<vmem>>, %arg14: memref<1x256xf32, #tpu.memory_space<vmem>>, %arg15: memref<256x1xf32, #tpu.memory_space<vmem>>, %arg16: memref<1x1xf32, #tpu.memory_space<vmem>>, %arg17: memref<512x1xf32, #tpu.memory_space<vmem>>) attributes {dimension_semantics = [#tpu.dimension_semantics<arbitrary>], iteration_bounds = array<i64: 8>, scalar_prefetch = 0 : i64, scratch_operands = 0 : i64, tpu.core_type = #tpu.core_type<tc>, window_params = [{transform_indices = @transform_0, window_bounds = array<i64: 512, 16>}, {transform_indices = @transform_1, window_bounds = array<i64: 512, 16>}, {transform_indices = @transform_2, window_bounds = array<i64: 512, 64>}, {transform_indices = @transform_3, window_bounds = array<i64: 512, 64>}, {transform_indices = @transform_4, window_bounds = array<i64: 16384, 128>}, {pipeline_mode = #tpu.pipeline_mode<synchronous>, transform_indices = @transform_5, window_bounds = array<i64: 16, 64>}, {pipeline_mode = #tpu.pipeline_mode<synchronous>, transform_indices = @transform_6, window_bounds = array<i64: 1, 64>}, {pipeline_mode = #tpu.pipeline_mode<synchronous>, transform_indices = @transform_7, window_bounds = array<i64: 16, 64>}, {pipeline_mode = #tpu.pipeline_mode<synchronous>, transform_indices = @transform_8, window_bounds = array<i64: 1, 64>}, {pipeline_mode = #tpu.pipeline_mode<synchronous>, transform_indices = @transform_9, window_bounds = array<i64: 1, 64>}, {pipeline_mode = #tpu.pipeline_mode<synchronous>, transform_indices = @transform_10, window_bounds = array<i64: 192, 512>}, {pipeline_mode = #tpu.pipeline_mode<synchronous>, transform_indices = @transform_11, window_bounds = array<i64: 1, 512>}, {pipeline_mode = #tpu.pipeline_mode<synchronous>, transform_indices = @transform_12, window_bounds = array<i64: 512, 256>}, {pipeline_mode = #tpu.pipeline_mode<synchronous>, transform_indices = @transform_13, window_bounds = array<i64: 1, 256>}, {pipeline_mode = #tpu.pipeline_mode<synchronous>, transform_indices = @transform_14, window_bounds = array<i64: 256, 1>}, {pipeline_mode = #tpu.pipeline_mode<synchronous>, transform_indices = @transform_15, window_bounds = array<i64: 1, 1>}, {transform_indices = @transform_16, window_bounds = array<i64: 512, 1>}]} {
    %get3A = arith.constant 0 : index
    %get3A_0 = arith.constant 0 : index
    %get3A_1 = vector.load %arg1[%get3A, %get3A_0] : memref<512x16xf32, #tpu.memory_space<vmem>>, vector<512x16xf32>
    %get3A_2 = arith.constant 0 : index
    %get3A_3 = arith.constant 0 : index
    %get3A_4 = vector.load %arg6[%get3A_2, %get3A_3] : memref<16x64xf32, #tpu.memory_space<vmem>>, vector<16x64xf32>
    %dot_general3A = arith.constant dense<0.000000e+00> : vector<512x64xf32>
    %dot_general3A_5 = tpu.matmul %get3A_1, %get3A_4, %dot_general3A {dimension_numbers = #tpu.dot_dimension_numbers<[1], [0], [0], [1], [0, 0, 1, 1], [], []>, transpose_lhs_hint = false} : vector<512x16xf32>, vector<16x64xf32>, vector<512x64xf32> -> vector<512x64xf32>
    %get3A_6 = arith.constant 0 : index
    %get3A_7 = arith.constant 0 : index
    %get3A_8 = vector.load %arg7[%get3A_6, %get3A_7] : memref<1x64xf32, #tpu.memory_space<vmem>>, vector<1x64xf32>
    %add3A = vector.broadcast %get3A_8 : vector<1x64xf32> to vector<512x64xf32>
    %add3A_9 = arith.addf %dot_general3A_5, %add3A : vector<512x64xf32>
    %get3A_10 = arith.constant 0 : index
    %get3A_11 = arith.constant 0 : index
    %get3A_12 = vector.load %arg3[%get3A_10, %get3A_11] : memref<512x64xf32, #tpu.memory_space<vmem>>, vector<512x64xf32>
    %add3A_13 = arith.addf %add3A_9, %get3A_12 : vector<512x64xf32>
    %get3A_14 = arith.constant 0 : index
    %get3A_15 = arith.constant 0 : index
    %get3A_16 = vector.load %arg2[%get3A_14, %get3A_15] : memref<512x16xf32, #tpu.memory_space<vmem>>, vector<512x16xf32>
    %get3A_17 = arith.constant 0 : index
    %get3A_18 = arith.constant 0 : index
    %get3A_19 = vector.load %arg8[%get3A_17, %get3A_18] : memref<16x64xf32, #tpu.memory_space<vmem>>, vector<16x64xf32>
    %dot_general3A_20 = arith.constant dense<0.000000e+00> : vector<512x64xf32>
    %dot_general3A_21 = tpu.matmul %get3A_16, %get3A_19, %dot_general3A_20 {dimension_numbers = #tpu.dot_dimension_numbers<[1], [0], [0], [1], [0, 0, 1, 1], [], []>, transpose_lhs_hint = false} : vector<512x16xf32>, vector<16x64xf32>, vector<512x64xf32> -> vector<512x64xf32>
    %get3A_22 = arith.constant 0 : index
    %get3A_23 = arith.constant 0 : index
    %get3A_24 = vector.load %arg9[%get3A_22, %get3A_23] : memref<1x64xf32, #tpu.memory_space<vmem>>, vector<1x64xf32>
    %add3A_25 = vector.broadcast %get3A_24 : vector<1x64xf32> to vector<512x64xf32>
    %add3A_26 = arith.addf %dot_general3A_21, %add3A_25 : vector<512x64xf32>
    %get3A_27 = arith.constant 0 : index
    %get3A_28 = arith.constant 0 : index
    %get3A_29 = vector.load %arg4[%get3A_27, %get3A_28] : memref<512x64xf32, #tpu.memory_space<vmem>>, vector<512x64xf32>
    %add3A_30 = arith.addf %add3A_26, %get3A_29 : vector<512x64xf32>
    %get3A_31 = arith.constant 0 : index
    %get3A_32 = arith.constant 0 : index
    %get3A_33 = vector.load %arg5[%get3A_31, %get3A_32] : memref<16384x128xf32, #tpu.memory_space<vmem>>, vector<16384x128xf32>
    %reshape3A = vector.shape_cast %get3A_33 : vector<16384x128xf32> to vector<512x32x128xf32>
    %get3A_34 = arith.constant 0 : index
    %get3A_35 = arith.constant 0 : index
    %get3A_36 = vector.load %arg10[%get3A_34, %get3A_35] : memref<1x64xf32, #tpu.memory_space<vmem>>, vector<1x64xf32>
    %mul3A = vector.broadcast %get3A_36 : vector<1x64xf32> to vector<512x64xf32>
    %mul3A_37 = arith.mulf %add3A_30, %mul3A : vector<512x64xf32>
    %concatenate3A = tpu.concatenate %mul3A_37, %mul3A_37 in 1 : vector<512x64xf32>, vector<512x64xf32> -> vector<512x128xf32>
    %broadcast_in_dim3A = vector.shape_cast %concatenate3A : vector<512x128xf32> to vector<512x1x128xf32>
    %mul3A_38 = vector.broadcast %broadcast_in_dim3A : vector<512x1x128xf32> to vector<512x32x128xf32>
    %mul3A_39 = arith.mulf %reshape3A, %mul3A_38 : vector<512x32x128xf32>
    %iota3A = tpu.iota {dimensions = array<i32: 2>} : vector<512x32x128xi32>
    %reduce_sum3A = arith.constant dense<0.000000e+00> : vector<512x32xf32>
    %reduce_sum3A_40 = vector.multi_reduction <add>, %mul3A_39, %reduce_sum3A [2] : vector<512x32x128xf32> to vector<512x32xf32>
    %lt3A = arith.constant 64 : i32
    %lt3A_41 = vector.broadcast %lt3A : i32 to vector<512x32x128xi32>
    %lt3A_42 = arith.cmpi slt, %iota3A, %lt3A_41 : vector<512x32x128xi32>
    %jit3A = arith.constant 0.000000e+00 : f32
    %broadcast_in_dim3A_43 = vector.broadcast %jit3A : f32 to vector<512x32x128xf32>
    %select_n3A = arith.select %lt3A_42, %mul3A_39, %broadcast_in_dim3A_43 : vector<512x32x128xi1>, vector<512x32x128xf32>
    %reduce_sum3A_44 = arith.constant dense<0.000000e+00> : vector<512x32xf32>
    %reduce_sum3A_45 = vector.multi_reduction <add>, %select_n3A, %reduce_sum3A_44 [2] : vector<512x32x128xf32> to vector<512x32xf32>
    %sub3A = arith.subf %reduce_sum3A_40, %reduce_sum3A_45 : vector<512x32xf32>
    %tanh3A = math.tanh %reduce_sum3A_45 : vector<512x32xf32>
    %tanh3A_46 = math.tanh %sub3A : vector<512x32xf32>
    %iota3A_47 = tpu.iota {dimensions = array<i32: 1>} : vector<512x32xi32>
    %lt3A_48 = arith.constant 25 : i32
    %lt3A_49 = vector.broadcast %lt3A_48 : i32 to vector<512x32xi32>
    %lt3A_50 = arith.cmpi slt, %iota3A_47, %lt3A_49 : vector<512x32xi32>
    %exp3A = math.exp %tanh3A : vector<512x32xf32>
    %jit3A_51 = arith.constant 0.000000e+00 : f32
    %broadcast_in_dim3A_52 = vector.broadcast %jit3A_51 : f32 to vector<512x32xf32>
    %select_n3A_53 = arith.select %lt3A_50, %exp3A, %broadcast_in_dim3A_52 : vector<512x32xi1>, vector<512x32xf32>
    %lt3A_54 = arith.constant 25 : i32
    %lt3A_55 = vector.broadcast %lt3A_54 : i32 to vector<512x32xi32>
    %lt3A_56 = arith.cmpi slt, %iota3A_47, %lt3A_55 : vector<512x32xi32>
    %exp3A_57 = math.exp %tanh3A_46 : vector<512x32xf32>
    %jit3A_58 = arith.constant 0.000000e+00 : f32
    %broadcast_in_dim3A_59 = vector.broadcast %jit3A_58 : f32 to vector<512x32xf32>
    %select_n3A_60 = arith.select %lt3A_56, %exp3A_57, %broadcast_in_dim3A_59 : vector<512x32xi1>, vector<512x32xf32>
    %add3A_61 = arith.addf %select_n3A_53, %select_n3A_60 : vector<512x32xf32>
    %reduce_sum3A_62 = arith.constant dense<0.000000e+00> : vector<512xf32>
    %reduce_sum3A_63 = vector.multi_reduction <add>, %add3A_61, %reduce_sum3A_62 [1] : vector<512x32xf32> to vector<512xf32>
    %broadcast_in_dim3A_64 = vector.shape_cast %reduce_sum3A_63 : vector<512xf32> to vector<512x1xf32>
    %div3A = vector.broadcast %broadcast_in_dim3A_64 : vector<512x1xf32> to vector<512x32xf32>
    %div3A_65 = arith.divf %select_n3A_53, %div3A : vector<512x32xf32>
    %div3A_66 = vector.broadcast %broadcast_in_dim3A_64 : vector<512x1xf32> to vector<512x32xf32>
    %div3A_67 = arith.divf %select_n3A_60, %div3A_66 : vector<512x32xf32>
    %broadcast_in_dim3A_68 = vector.shape_cast %div3A_65 : vector<512x32xf32> to vector<512x32x1xf32>
    %broadcast_in_dim3A_69 = vector.shape_cast %broadcast_in_dim3A_68 : vector<512x32x1xf32> to vector<512x32x1xf32>
    %broadcast_in_dim3A_70 = vector.broadcast %broadcast_in_dim3A_69 : vector<512x32x1xf32> to vector<512x32x64xf32>
    %broadcast_in_dim3A_71 = vector.shape_cast %div3A_67 : vector<512x32xf32> to vector<512x32x1xf32>
    %broadcast_in_dim3A_72 = vector.shape_cast %broadcast_in_dim3A_71 : vector<512x32x1xf32> to vector<512x32x1xf32>
    %broadcast_in_dim3A_73 = vector.broadcast %broadcast_in_dim3A_72 : vector<512x32x1xf32> to vector<512x32x64xf32>
    %concatenate3A_74 = tpu.concatenate %broadcast_in_dim3A_70, %broadcast_in_dim3A_73 in 2 : vector<512x32x64xf32>, vector<512x32x64xf32> -> vector<512x32x128xf32>
    %mul3A_75 = arith.mulf %concatenate3A_74, %reshape3A : vector<512x32x128xf32>
    %reduce_sum3A_76 = arith.constant dense<0.000000e+00> : vector<512x128xf32>
    %reduce_sum3A_77 = vector.multi_reduction <add>, %mul3A_75, %reduce_sum3A_76 [1] : vector<512x32x128xf32> to vector<512x128xf32>
    %slice3A = vector.extract_strided_slice %reduce_sum3A_77 {offsets = [0, 0], sizes = [512, 64], strides = [1, 1]} : vector<512x128xf32> to vector<512x64xf32>
    %slice3A_78 = vector.extract_strided_slice %reduce_sum3A_77 {offsets = [0, 64], sizes = [512, 64], strides = [1, 1]} : vector<512x128xf32> to vector<512x64xf32>
    %add3A_79 = arith.addf %slice3A, %slice3A_78 : vector<512x64xf32>
    %concatenate3A_80 = tpu.concatenate %add3A_13, %add3A_30, %add3A_79 in 1 : vector<512x64xf32>, vector<512x64xf32>, vector<512x64xf32> -> vector<512x192xf32>
    %get3A_81 = arith.constant 0 : index
    %get3A_82 = arith.constant 0 : index
    %get3A_83 = vector.load %arg11[%get3A_81, %get3A_82] : memref<192x512xf32, #tpu.memory_space<vmem>>, vector<192x512xf32>
    %dot_general3A_84 = arith.constant dense<0.000000e+00> : vector<512x512xf32>
    %dot_general3A_85 = tpu.matmul %concatenate3A_80, %get3A_83, %dot_general3A_84 {dimension_numbers = #tpu.dot_dimension_numbers<[1], [0], [0], [1], [0, 0, 1, 1], [], []>, transpose_lhs_hint = false} : vector<512x192xf32>, vector<192x512xf32>, vector<512x512xf32> -> vector<512x512xf32>
    %get3A_86 = arith.constant 0 : index
    %get3A_87 = arith.constant 0 : index
    %get3A_88 = vector.load %arg12[%get3A_86, %get3A_87] : memref<1x512xf32, #tpu.memory_space<vmem>>, vector<1x512xf32>
    %add3A_89 = vector.broadcast %get3A_88 : vector<1x512xf32> to vector<512x512xf32>
    %add3A_90 = arith.addf %dot_general3A_85, %add3A_89 : vector<512x512xf32>
    %max3A = arith.constant 0.000000e+00 : f32
    %max3A_91 = vector.broadcast %max3A : f32 to vector<512x512xf32>
    %max3A_92 = arith.maximumf %add3A_90, %max3A_91 : vector<512x512xf32>
    %get3A_93 = arith.constant 0 : index
    %get3A_94 = arith.constant 0 : index
    %get3A_95 = vector.load %arg13[%get3A_93, %get3A_94] : memref<512x256xf32, #tpu.memory_space<vmem>>, vector<512x256xf32>
    %dot_general3A_96 = arith.constant dense<0.000000e+00> : vector<512x256xf32>
    %dot_general3A_97 = tpu.matmul %max3A_92, %get3A_95, %dot_general3A_96 {dimension_numbers = #tpu.dot_dimension_numbers<[1], [0], [0], [1], [0, 0, 1, 1], [], []>, transpose_lhs_hint = false} : vector<512x512xf32>, vector<512x256xf32>, vector<512x256xf32> -> vector<512x256xf32>
    %get3A_98 = arith.constant 0 : index
    %get3A_99 = arith.constant 0 : index
    %get3A_100 = vector.load %arg14[%get3A_98, %get3A_99] : memref<1x256xf32, #tpu.memory_space<vmem>>, vector<1x256xf32>
    %add3A_101 = vector.broadcast %get3A_100 : vector<1x256xf32> to vector<512x256xf32>
    %add3A_102 = arith.addf %dot_general3A_97, %add3A_101 : vector<512x256xf32>
    %max3A_103 = arith.constant 0.000000e+00 : f32
    %max3A_104 = vector.broadcast %max3A_103 : f32 to vector<512x256xf32>
    %max3A_105 = arith.maximumf %add3A_102, %max3A_104 : vector<512x256xf32>
    %get3A_106 = arith.constant 0 : index
    %get3A_107 = arith.constant 0 : index
    %get3A_108 = vector.load %arg15[%get3A_106, %get3A_107] : memref<256x1xf32, #tpu.memory_space<vmem>>, vector<256x1xf32>
    %dot_general3A_109 = arith.constant dense<0.000000e+00> : vector<512x1xf32>
    %dot_general3A_110 = tpu.matmul %max3A_105, %get3A_108, %dot_general3A_109 {dimension_numbers = #tpu.dot_dimension_numbers<[1], [0], [0], [1], [0, 0, 1, 1], [], []>, transpose_lhs_hint = false} : vector<512x256xf32>, vector<256x1xf32>, vector<512x1xf32> -> vector<512x1xf32>
    %get3A_111 = arith.constant 0 : index
    %get3A_112 = arith.constant 0 : index
    %get3A_113 = vector.load %arg16[%get3A_111, %get3A_112] : memref<1x1xf32, #tpu.memory_space<vmem>>, vector<1x1xf32>
    %add3A_114 = vector.broadcast %get3A_113 : vector<1x1xf32> to vector<512x1xf32>
    %add3A_115 = arith.addf %dot_general3A_110, %add3A_114 : vector<512x1xf32>
    %logistic3A = arith.negf %add3A_115 : vector<512x1xf32>
    %logistic3A_116 = math.exp %logistic3A : vector<512x1xf32>
    %logistic3A_117 = arith.constant 1.000000e+00 : f32
    %logistic3A_118 = vector.broadcast %logistic3A_117 : f32 to vector<512x1xf32>
    %logistic3A_119 = arith.addf %logistic3A_118, %logistic3A_116 : vector<512x1xf32>
    %logistic3A_120 = arith.divf %logistic3A_118, %logistic3A_119 : vector<512x1xf32>
    %swap3A = arith.constant 0 : index
    %swap3A_121 = arith.constant 0 : index
    %swap3A_122 = vector.load %arg17[%swap3A, %swap3A_121] : memref<512x1xf32, #tpu.memory_space<vmem>>, vector<512x1xf32>
    tpu.vector_store %arg17[%swap3A, %swap3A_121], %logistic3A_120 {strides = array<i32>} : memref<512x1xf32, #tpu.memory_space<vmem>>, vector<512x1xf32>,
    return
  }
  func.func @transform_0(%arg0: i32) -> (i32, i32) {
    %c0_i32 = arith.constant 0 : i32
    %c0_i32_0 = arith.constant 0 : i32
    return %arg0, %c0_i32 : i32, i32
  }
  func.func @transform_1(%arg0: i32) -> (i32, i32) {
    %c0_i32 = arith.constant 0 : i32
    %c0_i32_0 = arith.constant 0 : i32
    return %arg0, %c0_i32 : i32, i32
  }
  func.func @transform_2(%arg0: i32) -> (i32, i32) {
    %c0_i32 = arith.constant 0 : i32
    %c0_i32_0 = arith.constant 0 : i32
    return %arg0, %c0_i32 : i32, i32
  }
  func.func @transform_3(%arg0: i32) -> (i32, i32) {
    %c0_i32 = arith.constant 0 : i32
    %c0_i32_0 = arith.constant 0 : i32
    return %arg0, %c0_i32 : i32, i32
  }
  func.func @transform_4(%arg0: i32) -> (i32, i32) {
    %c0_i32 = arith.constant 0 : i32
    %c0_i32_0 = arith.constant 0 : i32
    return %arg0, %c0_i32 : i32, i32
  }
  func.func @transform_5(%arg0: i32) -> (i32, i32) {
    %c0_i32 = arith.constant 0 : i32
    %c0_i32_0 = arith.constant 0 : i32
    %c0_i32_1 = arith.constant 0 : i32
    return %c0_i32, %c0_i32_0 : i32, i32
  }
  func.func @transform_6(%arg0: i32) -> (i32, i32) {
    %c0_i32 = arith.constant 0 : i32
    %c0_i32_0 = arith.constant 0 : i32
    %c0_i32_1 = arith.constant 0 : i32
    return %c0_i32, %c0_i32_0 : i32, i32
  }
  func.func @transform_7(%arg0: i32) -> (i32, i32) {
    %c0_i32 = arith.constant 0 : i32
    %c0_i32_0 = arith.constant 0 : i32
    %c0_i32_1 = arith.constant 0 : i32
    return %c0_i32, %c0_i32_0 : i32, i32
  }
  func.func @transform_8(%arg0: i32) -> (i32, i32) {
    %c0_i32 = arith.constant 0 : i32
    %c0_i32_0 = arith.constant 0 : i32
    %c0_i32_1 = arith.constant 0 : i32
    return %c0_i32, %c0_i32_0 : i32, i32
  }
  func.func @transform_9(%arg0: i32) -> (i32, i32) {
    %c0_i32 = arith.constant 0 : i32
    %c0_i32_0 = arith.constant 0 : i32
    %c0_i32_1 = arith.constant 0 : i32
    return %c0_i32, %c0_i32_0 : i32, i32
  }
  func.func @transform_10(%arg0: i32) -> (i32, i32) {
    %c0_i32 = arith.constant 0 : i32
    %c0_i32_0 = arith.constant 0 : i32
    %c0_i32_1 = arith.constant 0 : i32
    return %c0_i32, %c0_i32_0 : i32, i32
  }
  func.func @transform_11(%arg0: i32) -> (i32, i32) {
    %c0_i32 = arith.constant 0 : i32
    %c0_i32_0 = arith.constant 0 : i32
    %c0_i32_1 = arith.constant 0 : i32
    return %c0_i32, %c0_i32_0 : i32, i32
  }
  func.func @transform_12(%arg0: i32) -> (i32, i32) {
    %c0_i32 = arith.constant 0 : i32
    %c0_i32_0 = arith.constant 0 : i32
    %c0_i32_1 = arith.constant 0 : i32
    return %c0_i32, %c0_i32_0 : i32, i32
  }
  func.func @transform_13(%arg0: i32) -> (i32, i32) {
    %c0_i32 = arith.constant 0 : i32
    %c0_i32_0 = arith.constant 0 : i32
    %c0_i32_1 = arith.constant 0 : i32
    return %c0_i32, %c0_i32_0 : i32, i32
  }
  func.func @transform_14(%arg0: i32) -> (i32, i32) {
    %c0_i32 = arith.constant 0 : i32
    %c0_i32_0 = arith.constant 0 : i32
    %c0_i32_1 = arith.constant 0 : i32
    return %c0_i32, %c0_i32_0 : i32, i32
  }
  func.func @transform_15(%arg0: i32) -> (i32, i32) {
    %c0_i32 = arith.constant 0 : i32
    %c0_i32_0 = arith.constant 0 : i32
    %c0_i32_1 = arith.constant 0 : i32
    return %c0_i32, %c0_i32_0 : i32, i32
  }
  func.func @transform_16(%arg0: i32) -> (i32, i32) {
    %c0_i32 = arith.constant 0 : i32
    %c0_i32_0 = arith.constant 0 : i32
    return %arg0, %c0_i32 : i32, i32
  }
}

</mosaic_0001>

<sc_bundles>
// kernel: kernel.4.cloned.1.call-start
scs
__scs_entry_jumppad:
0x0: {  	(pc) =	sbr.rel $0x88, $3  }
0x1: {  	(tag) =	ssettag $0x0;
	lr =	simm.s32 $0x1  }
0x2: {  	[smem:$0x3F8A] =	sst lr;
	_ =	strace $0xD0000000  }
0x3: {  	_ = 	snop  }
0x4: {  	_ = 	snop  }
0x5: {  	_ = 	snop  }
0x6: {  	_ = 	snop  }
0x7: {  	_ = 	snop  }
__scs_overlays_trampoline_lowered:
0x8: {  	[smem:$0x3F99] =	sst s0  }
0x9: {  	[smem:$0x3F9A] =	sst s1  }
0xa: {  	[smem:$0x3F9B] =	sst s2  }
0xb: {  	[smem:$0x3F9C] =	sst s3  }
0xc: {  	[smem:$0x3F9D] =	sst s4  }
0xd: {  	[smem:$0x3F9E] =	sst s5  }
0xe: {  	[smem:$0x3F9F] =	sst s6  }
0xf: {  	[smem:$0x3FA0] =	sst s7  }
0x10: {  	[smem:$0x3FA1] =	sst s8  }
0x11: {  	[smem:$0x3FA2] =	sst s9;
	s0 =	simm.s32 @!p0 $0x0  }
0x12: {  	s1 =	sld [smem:$0x3F88];
	s0 =	simm.s32 @p0 $0x1  }
0x13: {  	[smem:$0x3FA3] =	sst s0;
	s0 =	simm.s32 @!p1 $0x0  }
0x14: {  	s2 =	sld [smem:$0x3F87];
	s0 =	simm.s32 @p1 $0x1  }
0x15: {  	[smem:$0x3FA4] =	sst s0;
	s0 =	simm.s32 @!p2 $0x0  }
0x16: {  	s3 =	sld [smem:$0x3FDB];
	s0 =	simm.s32 @p2 $0x1  }
0x17: {  	s4 =	simm.s32 $0x1BF5;
	[smem:$0x3FA6] =	sst s0  }
0x18: {  	s0 =	sld [smem:$0x3F89];
	_ =	swait.ge [sflag:s4], $0x0  }
0x19: {  	s7 =	sld [smem:$0x3F8A]  }
0x1a: {  	s8 =	sadd.s32 $0xFFFFE003, lr  }
0x1b: {  	s9 =	sadd.s32 $0xFFFFFEF7, lr;
	s5 =	simm.s32 $0xFFFFFFFF;
	p2 =	slt.u32 s8, $0xFFFFF086  }
0x1c: {  	p1 =	slt.u32 s9, $0xF7A;
	s5 =	simm.s32 @!p2 $0x0  }
0x1d: {  	s5 =	simm.s32 @p1 $0x1;
	p0 =	seq.s32 s7, s2  }
0x1e: {  	s7 =	smul.u32 @!p0 $0xF7A, s2;
	p2 =	seq.s32 @!p0 s5, $0x0  }
0x1f: {  	s9 =	smul.u32 $0xF7A, s1;
	s8 =	simm.s32 @!p0 $0x1BF5;
	p2 =	por !p2, p0  }
0x20: {  	[sflag:s8] =	ssyncset.s32 @!p0 $0xFFFFF086;
	s6 =	sadd.s32 @!p0 s3, s7;
	s7 =	simm.s32 @!p0 $0x108  }
0x21: {  	s3 =	sadd.s32 s3, s9;
	s6 =	sadd.s32 @!p0 $0x88, s6;
	s7 =	simm.s32 @p2 $0x1082  }
0x22: {  	[simem:s7], [sflag:s8] =	dma.local @!p0 [hbm:s6], $0xF7A  }
0x23: {  	s9 =	sor.u32 $0xD0000000, s2;
	s6 =	simm.s32 $0x108;
	_ =	swait.ge @!p0 [sflag:s8], $0x0  }
0x24: {  	s3 =	sadd.s32 $0x88, s3;
	s6 =	simm.s32 @!p1 $0x1082;
	[sflag:s4] =	ssyncset.s32 $0xFFFFF086  }
0x25: {  	[simem:s6], [sflag:s4] =	dma.local [hbm:s3], $0xF7A  }
0x26: {  	[smem:$0x3F8A] =	sst s1;
	(tag) =	ssettag s2;
	_ =	strace s9  }
0x27: {  	s1 =	sld [smem:$0x3F9A]  }
0x28: {  	s2 =	sld [smem:$0x3F9B]  }
0x29: {  	s4 =	sld [smem:$0x3F9D]  }
0x2a: {  	p0 =	seq.s32 s5, $0x0;
	s5 =	sld [smem:$0x3F9E]  }
0x2b: {  	s6 =	sld [smem:$0x3F9F]  }
0x2c: {  	s7 =	sld [smem:$0x3FA0]  }
0x2d: {  	s3 =	simm.s32 $0x108;
	s8 =	sld [smem:$0x3FA1]  }
0x2e: {  	s3 =	simm.s32 @!p0 $0x1082;
	s9 =	sld [smem:$0x3FA2]  }
0x2f: {  	lr =	sadd.s32 s0, s3;
	s0 =	sld [smem:$0x3F99]  }
0x30: {  	s3 =	sld [smem:$0x3F9C]  }
0x31: {  	[smem:$0x3FA5] =	sst s10  }
0x32: {  	s10 =	sld [smem:$0x3FA3];
	_ =	sdelay $0x3  }
0x33: {  	p0 =	seq.s32 s10, $0x1;
	s10 =	sld [smem:$0x3FA5];
	_ =	sdelay $0x3  }
0x34: {  	[smem:$0x3FA5] =	sst s10  }
0x35: {  	s10 =	sld [smem:$0x3FA4];
	_ =	sdelay $0x3  }
0x36: {  	p1 =	seq.s32 s10, $0x1;
	s10 =	sld [smem:$0x3FA5];
	_ =	sdelay $0x3  }
0x37: {  	[smem:$0x3FA5] =	sst s10  }
0x38: {  	s10 =	sld [smem:$0x3FA6]  }
0x39: {  	_ = 	snop;
	(pc) =	sbr.ind lr, $3  }
0x3a: {  	_ = 	snop  }
0x3b: {  	_ = 	snop  }
0x3c: {  	p2 =	seq.s32 s10, $0x1;
	s10 =	sld [smem:$0x3FA5]  }
0x3d: {  	_ =	shalt  }
0x3e: {  	_ =	shalt  }
0x3f: {  	_ =	shalt  }
0x40: {  	_ =	shalt  }
0x41: {  	_ =	shalt  }
0x42: {  	_ =	shalt  }
0x43: {  	_ =	shalt  }
0x44: {  	_ =	shalt  }
0x45: {  	_ =	shalt  }
0x46: {  	_ =	shalt  }
0x47: {  	_ =	shalt  }
0x48: {  	_ =	shalt  }
0x49: {  	_ =	shalt  }
0x4a: {  	_ =	shalt  }
0x4b: {  	_ =	shalt  }
0x4c: {  	_ =	shalt  }
0x4d: {  	_ =	shalt  }
0x4e: {  	_ =	shalt  }
0x4f: {  	_ =	shalt  }
0x50: {  	_ =	shalt  }
0x51: {  	_ =	shalt  }
0x52: {  	_ =	shalt  }
0x53: {  	_ =	shalt  }
0x54: {  	_ =	shalt  }
0x55: {  	_ =	shalt  }
0x56: {  	_ =	shalt  }
0x57: {  	_ =	shalt  }
0x58: {  	_ =	shalt  }
0x59: {  	_ =	shalt  }
0x5a: {  	_ =	shalt  }
0x5b: {  	_ =	shalt  }
0x5c: {  	_ =	shalt  }
0x5d: {  	_ =	shalt  }
0x5e: {  	_ =	shalt  }
0x5f: {  	_ =	shalt  }
0x60: {  	_ =	shalt  }
0x61: {  	_ =	shalt  }
0x62: {  	_ =	shalt  }
0x63: {  	_ =	shalt  }
0x64: {  	_ =	shalt  }
0x65: {  	_ =	shalt  }
0x66: {  	_ =	shalt  }
0x67: {  	_ =	shalt  }
0x68: {  	_ =	shalt  }
0x69: {  	_ =	shalt  }
0x6a: {  	_ =	shalt  }
0x6b: {  	_ =	shalt  }
0x6c: {  	_ =	shalt  }
0x6d: {  	_ =	shalt  }
0x6e: {  	_ =	shalt  }
0x6f: {  	_ =	shalt  }
0x70: {  	_ =	shalt  }
0x71: {  	_ =	shalt  }
0x72: {  	_ =	shalt  }
0x73: {  	_ =	shalt  }
0x74: {  	_ =	shalt  }
0x75: {  	_ =	shalt  }
0x76: {  	_ =	shalt  }
0x77: {  	_ =	shalt  }
0x78: {  	_ =	shalt  }
0x79: {  	_ =	shalt  }
0x7a: {  	_ =	shalt  }
0x7b: {  	_ =	shalt  }
0x7c: {  	_ =	shalt  }
0x7d: {  	_ =	shalt  }
0x7e: {  	_ =	shalt  }
0x7f: {  	_ =	shalt  }
0x80: {  	_ =	shalt  }
0x81: {  	_ =	shalt  }
0x82: {  	_ =	shalt  }
0x83: {  	_ =	shalt  }
0x84: {  	_ =	shalt  }
0x85: {  	_ =	shalt  }
0x86: {  	_ =	shalt  }
0x87: {  	_ =	shalt  }
.Lfunc_end0:
.L_simem_size_0:
called_computation_lowered:
.L_overlay_start_0:
0x88: {  	s2 =	sld [smem:$0x3FD9]  }
0x89: {  	s3 =	sld [smem:$0x3FFE];
	_ =	sdelay $0x1  }
0x8a: {  	s1 =	srdreg.scid  }
0x8b: {  	s0 =	sand.u32 $0x1, s1  }
0x8c: {  	s16 =	sshll.u32 s0, $0xA;
	s2 =	sadd.s32 s3, s2  }
0x8d: {  	s2 =	sadd.s32 s2, s16  }
0x8e: {  	[smem:$0x3FB1] =	sst s2  }
0x8f: {  	_ = 	snop  }
0x90: {  	(tm) =	ssettm $0x1  }
0x91: {  	s17 =	sld [smem:$0x3FFB];
	_ =	sdelay $0x3  }
0x92: {  	_ =	strace s17  }
0x93: {  	s2 =	sld [smem:$0x3FFC];
	_ =	sdelay $0x3  }
0x94: {  	_ =	strace s2  }
0x95: {  	s2 =	sld [smem:$0x3FFD];
	_ =	sdelay $0x3  }
0x96: {  	_ =	strace s2  }
0x97: {  	_ =	strace $0x8FFFFFFF  }
0x98: {  	s18 =	sld [smem:$0x3FDB];
	_ =	sdelay $0x1  }
0x99: {  	s19 =	simm.s32 $_scs_section_size  }
0x9a: {  	s4 =	simm.s32 $_size__tile_overlayer_lowered;
	s5 =	simm.s32 $_tile_overlayer_lowered  }
0x9b: {  	s22 =	simm.s32 $0x1BFF;
	s21 =	sshll.u32 s5, $0x1;
	s2 =	sadd.s32 s19, s18  }
0x9c: {  	s6 =	simm.s32 $0x0;
	s20 =	sshll.u32 s4, $0x1;
	s4 =	sadd.s32 s21, s2  }
0x9d: {  	[timem:s6], [sflag:s22] =	dma.local [hbm:s4], s20  }
0x9e: {  	_ =	swait.ge [sflag:s22], s20  }
0x9f: {  	s3 =	ssub.s32 $0x0, s20;
	[sflag:s22] =	ssyncset.done $0x0  }
0xa0: {  	[sflag:s22] =	ssyncadd.s32 s3;
	_ =	sdelay $0x1  }
0xa1: {  	s23 =	simm.s32 $0x1B8B  }
0xa2: {  	_ =	swait.ge [sflag:s23], $0x1  }
0xa3: {  	[sflag:s23] =	ssyncset.done $0x0  }
0xa4: {  	s25 =	simm.s32 $0x1B8E;
	s24 =	sld [smem:$0x3FFE];
	[sflag:s23] =	ssyncadd.s32 $0xFFFFFFFF  }
0xa5: {  	s26 =	simm.s32 $execute0_lowered;
	[smem:$0x3FD2] =	sst s25  }
0xa6: {  	s4 =	sshll.u32 s26, $0x1;
	_ =	strace $0x80000046;
	[dreg:$0x1] =	wrdreg $0xFFFFFFFF  }
0xa7: {  	s28 =	simm.s32 $_size_execute0_lowered;
	s2 =	sadd.s32 s2, s4;
	[dreg:$0x0] =	wrdreg $0x0  }
0xa8: {  	s4 =	sshll.u32 s28, $0x1;
	[dreg:$0x2] =	wrdreg s2  }
0xa9: {  	[dreg:$0x3] =	wrdreg s4  }
0xaa: {  	[dreg:$0x4] =	wrdreg $0xC0  }
0xab: {  	_ =	task [dreg:s6], $0x5FFFF  }
0xac: {  	[dreg:$0x1] =	wrdreg $0xFFFFFFFF  }
0xad: {  	[dreg:$0x0] =	wrdreg $0x60  }
0xae: {  	[dreg:$0x2] =	wrdreg s24  }
0xaf: {  	[dreg:$0x3] =	wrdreg $0x9  }
0xb0: {  	_ =	task.clear_ibuf [dreg:s6], $0x4FFFF;
	_ =	strace $0x90000046  }
0xb1: {  	s29 =	simm.s32 $0x9;
	_ =	strace $0x80000048  }
0xb2: {  	_ =	swait.ge [sflag:s29], $0x1  }
0xb3: {  	[sflag:s29] =	ssyncadd.s32 $0xFFFFFFFF  }
0xb4: {  	_ =	strace $0x90000048  }
0xb5: {  	_ =	sfence  }
0xb6: {  	s30 =	sld [smem:$0x0];
	_ =	sdelay $0x2  }
0xb7: {  	s31 =	sshll.u32 s1, $0xD;
	s1 =	sshrl.u32 s1, $0x2  }
0xb8: {  	s3 =	sand.u32 $0x4000, s31;
	s1 =	sadd.s32 s1, s30  }
0xb9: {  	s0 =	sor.u32 s3, s0;
	s1 =	sshll.u32 s1, $0x11  }
0xba: {  	s0 =	sor.u32 s1, s0  }
0xbb: {  	s0 =	sadd.s32 $0x8F2B, s0  }
0xbc: {  	[sflag:s0] =	ssyncadd.remote.s32 $0x1  }
0xbd: {  	_ =	sfence.sel $0xFFFF  }
0xbe: {  	[dreg:$0x0] =	wrdreg $0xFFFFFFFF;
	(pc) =	sbr.abs _section_cstart, $3  }
0xbf: {  	[dreg:$0x1] =	wrdreg $0xFFFFFFFF  }
0xc0: {  	_ =	task.clear_ibuf [dreg:s6], $0x2FFFF;
	_ =	strace $0x9FFFFFFF  }
0xc1: {  	(tm) =	ssettm $0x7FFFFFFF  }
tec
execute0_lowered:
.L_overlay_start_1:
0x0: {  	(tag) =	ssettag $0x1  }
0x1: {  	s0 =	rddreg [dreg:$0x0];
	s2 =	simm.s32 $0x0  }
0x2: {  	s1 =	srdreg.scid;
	s3 =	stileid.u32;
	s28 =	simm.s32 $0x7650  }
0x3: {  	s29 =	simm.s32 $0x1;
	s30 =	simm.s32 $0x8F50;
	s31 =	simm.s32 $0x2  }
0x4: {  	s11 =	simm.s32 $0x0;
	[smem:$0x7FF] =	sst s2;
	s1 =	sand.u32 $0x1, s1  }
0x5: {  	s3 =	sshll.u32 s3, $0x1;
	s5 =	sadd.s32 $0xEC00, s0;
	s7 =	sadd.s32 $0x622400, s0  }
0x6: {  	s14 =	sadd.s32 $0x55EE00, s0;
	_ =	strace $0x80000047;
	[dreg:$0x2] =	wrdreg s7  }
0x7: {  	s6 =	sadd.s32 $0xE600, s0;
	s15 =	sadd.s32 $0x49B800, s0;
	[dreg:$0x3] =	wrdreg s14  }
0x8: {  	s16 =	sadd.s32 $0x3D8200, s0;
	s17 =	sadd.s32 $0x314C00, s0;
	[dreg:$0x4] =	wrdreg s15  }
0x9: {  	s18 =	sadd.s32 $0x251600, s0;
	s9 =	sadd.s32 $0x18E000, s0;
	[dreg:$0x5] =	wrdreg s16  }
0xa: {  	s10 =	sadd.s32 $0x6E5A00, s0;
	s3 =	sor.u32 s1, s3;
	[dreg:$0x6] =	wrdreg s17  }
0xb: {  	[dreg:$0x7] =	wrdreg s18;
	s1 =	ssub.s32 $0x2, s1;
	s7 =	simm.s32 $0x5  }
0xc: {  	s4 =	smul.u32 $0x380, s3;
	s19 =	sshll.u32 s3, $0xA;
	s20 =	sshrl.u32 s1, $0x1  }
0xd: {  	s21 =	sshll.u32 s3, $0x4;
	s12 =	sshll.u32 s3, $0x6;
	s1 =	ssub.s32 s1, s20  }
0xe: {  	s22 =	sor.u32 $0x200, s21;
	s23 =	sor.u32 $0x400, s21;
	s8 =	sadd.s32 s5, s21  }
0xf: {  	s26 =	sadd.s32 s6, s21;
	s4 =	sadd.s32 s4, s0;
	s0 =	sadd.s32 s19, s0  }
0x10: {  	[dreg:$0x9] =	wrdreg s8;
	s24 =	sadd.s32 s5, s22;
	s5 =	sadd.s32 s5, s23  }
0x11: {  	[dreg:$0xd] =	wrdreg s26;
	s3 =	sadd.s32 s6, s22;
	s19 =	sadd.s32 s6, s23  }
0x12: {  	s21 =	smax.u32 s1, $0x1;
	s22 =	simm.s32 $0x6;
	s23 =	simm.s32 $0x64  }
0x13: {  	s26 =	simm.s32 $0x5CE8;
	s1 =	simm.s32 $0xAF50;
	[dreg:$0xa] =	wrdreg s24  }
0x14: {  	s6 =	simm.s32 $0x3C80;
	s8 =	simm.s32 $0x1C80;
	[dreg:$0xb] =	wrdreg s5  }
0x15: {  	s4 =	sadd.s32 $0x7600, s4;
	s25 =	sadd.s32 $0x17200, s0;
	[dreg:$0xe] =	wrdreg s3  }
0x16: {  	s20 =	sadd.s32 $0xF200, s0;
	s24 =	simm.s32 $0x5C80;
	s0 =	simm.s32 $0x4  }
0x17: {  	s3 =	simm.s32 $0x3;
	s5 =	simm.s32 $0x80;
	[dreg:$0x8] =	wrdreg s4  }
0x18: {  	v0 =	vimm.f32 $0.0e+00;
	[dreg:$0xc] =	wrdreg s25;
	s25 =	simm.s32 $0x5D50;
	s4 =	simm.s32 $0x1C00  }
.LBB2_1:
0x19: {  	s13 =	rddreg [dreg:$0x8]  }
0x1a: {  	[tilespmem:s2], [sflag:$0x6] =	stream.linear.gather [hbm4b:s13+s2], $0x1C00, $0x38;
	[tilespmem:$0xCF50] =	vst v63  }
0x1b: {  	_ =	swait.ge [sflag:s22], $0x1C00  }
0x1c: {  	[sflag:s22] =	ssyncset.done $0x0  }
0x1d: {  	[sflag:s22] =	ssyncadd.s32 $0xFFFFE400  }
0x1e: {  	[tilespmem:$0x9BD0] =	vst v0  }
0x1f: {  	[tilespmem:$0x9BE0] =	vst v0  }
0x20: {  	[tilespmem:$0x9BF0] =	vst v0  }
0x21: {  	[tilespmem:$0x9C00] =	vst v0  }
0x22: {  	[tilespmem:$0x9C10] =	vst v0  }
0x23: {  	[tilespmem:$0x9C20] =	vst v0  }
0x24: {  	[tilespmem:$0x9C30] =	vst v0  }
0x25: {  	[tilespmem:$0x9C40] =	vst v0  }
0x26: {  	[tilespmem:$0xABD0] =	vst v0  }
0x27: {  	[tilespmem:$0xABE0] =	vst v0  }
0x28: {  	[tilespmem:$0xABF0] =	vst v0  }
0x29: {  	[tilespmem:$0xAC00] =	vst v0  }
0x2a: {  	[tilespmem:$0xAC10] =	vst v0  }
0x2b: {  	[tilespmem:$0xAC20] =	vst v0  }
0x2c: {  	[tilespmem:$0xAC30] =	vst v0  }
0x2d: {  	[tilespmem:$0xAC40] =	vst v0  }
0x2e: {  	[tilespmem:$0x9C50] =	vst v0  }
0x2f: {  	[tilespmem:$0x9C60] =	vst v0  }
0x30: {  	[tilespmem:$0x9C70] =	vst v0  }
0x31: {  	[tilespmem:$0x9C80] =	vst v0  }
0x32: {  	[tilespmem:$0x9C90] =	vst v0  }
0x33: {  	[tilespmem:$0x9CA0] =	vst v0  }
0x34: {  	[tilespmem:$0x9CB0] =	vst v0  }
0x35: {  	[tilespmem:$0x9CC0] =	vst v0  }
0x36: {  	[tilespmem:$0xAC50] =	vst v0  }
0x37: {  	[tilespmem:$0xAC60] =	vst v0  }
0x38: {  	[tilespmem:$0xAC70] =	vst v0  }
0x39: {  	[tilespmem:$0xAC80] =	vst v0  }
0x3a: {  	[tilespmem:$0xAC90] =	vst v0  }
0x3b: {  	[tilespmem:$0xACA0] =	vst v0  }
0x3c: {  	[tilespmem:$0xACB0] =	vst v0  }
0x3d: {  	[tilespmem:$0xACC0] =	vst v0  }
0x3e: {  	[tilespmem:$0x9CD0] =	vst v0  }
0x3f: {  	[tilespmem:$0x9CE0] =	vst v0  }
0x40: {  	[tilespmem:$0x9CF0] =	vst v0  }
0x41: {  	[tilespmem:$0x9D00] =	vst v0  }
0x42: {  	[tilespmem:$0x9D10] =	vst v0  }
0x43: {  	[tilespmem:$0x9D20] =	vst v0  }
0x44: {  	[tilespmem:$0x9D30] =	vst v0  }
0x45: {  	[tilespmem:$0x9D40] =	vst v0  }
0x46: {  	[tilespmem:$0xACD0] =	vst v0  }
0x47: {  	[tilespmem:$0xACE0] =	vst v0  }
0x48: {  	[tilespmem:$0xACF0] =	vst v0  }
0x49: {  	[tilespmem:$0xAD00] =	vst v0  }
0x4a: {  	[tilespmem:$0xAD10] =	vst v0  }
0x4b: {  	[tilespmem:$0xAD20] =	vst v0  }
0x4c: {  	[tilespmem:$0xAD30] =	vst v0  }
0x4d: {  	[tilespmem:$0xAD40] =	vst v0  }
0x4e: {  	[tilespmem:$0x9D50] =	vst v0  }
0x4f: {  	[tilespmem:$0x9D60] =	vst v0  }
0x50: {  	[tilespmem:$0x9D70] =	vst v0  }
0x51: {  	[tilespmem:$0x9D80] =	vst v0  }
0x52: {  	[tilespmem:$0x9D90] =	vst v0  }
0x53: {  	[tilespmem:$0x9DA0] =	vst v0  }
0x54: {  	[tilespmem:$0x9DB0] =	vst v0  }
0x55: {  	[tilespmem:$0x9DC0] =	vst v0  }
0x56: {  	[tilespmem:$0xAD50] =	vst v0  }
0x57: {  	[tilespmem:$0xAD60] =	vst v0  }
0x58: {  	[tilespmem:$0xAD70] =	vst v0  }
0x59: {  	[tilespmem:$0xAD80] =	vst v0  }
0x5a: {  	[tilespmem:$0xAD90] =	vst v0  }
0x5b: {  	[tilespmem:$0xADA0] =	vst v0  }
0x5c: {  	[tilespmem:$0xADB0] =	vst v0  }
0x5d: {  	[tilespmem:$0xADC0] =	vst v0  }
0x5e: {  	[tilespmem:$0x9DD0] =	vst v0  }
0x5f: {  	[tilespmem:$0x9DE0] =	vst v0  }
0x60: {  	[tilespmem:$0x9DF0] =	vst v0  }
0x61: {  	[tilespmem:$0x9E00] =	vst v0  }
0x62: {  	[tilespmem:$0x9E10] =	vst v0  }
0x63: {  	[tilespmem:$0x9E20] =	vst v0  }
0x64: {  	[tilespmem:$0x9E30] =	vst v0  }
0x65: {  	[tilespmem:$0x9E40] =	vst v0  }
0x66: {  	[tilespmem:$0xADD0] =	vst v0  }
0x67: {  	[tilespmem:$0xADE0] =	vst v0  }
0x68: {  	[tilespmem:$0xADF0] =	vst v0  }
0x69: {  	[tilespmem:$0xAE00] =	vst v0  }
0x6a: {  	[tilespmem:$0xAE10] =	vst v0  }
0x6b: {  	[tilespmem:$0xAE20] =	vst v0  }
0x6c: {  	[tilespmem:$0xAE30] =	vst v0  }
0x6d: {  	[tilespmem:$0xAE40] =	vst v0  }
0x6e: {  	[tilespmem:$0x9E50] =	vst v0  }
0x6f: {  	[tilespmem:$0x9E60] =	vst v0  }
0x70: {  	[tilespmem:$0x9E70] =	vst v0  }
0x71: {  	[tilespmem:$0x9E80] =	vst v0  }
0x72: {  	[tilespmem:$0x9E90] =	vst v0  }
0x73: {  	[tilespmem:$0x9EA0] =	vst v0  }
0x74: {  	[tilespmem:$0x9EB0] =	vst v0  }
0x75: {  	[tilespmem:$0x9EC0] =	vst v0  }
0x76: {  	[tilespmem:$0xAE50] =	vst v0  }
0x77: {  	[tilespmem:$0xAE60] =	vst v0  }
0x78: {  	[tilespmem:$0xAE70] =	vst v0  }
0x79: {  	[tilespmem:$0xAE80] =	vst v0  }
0x7a: {  	[tilespmem:$0xAE90] =	vst v0  }
0x7b: {  	[tilespmem:$0xAEA0] =	vst v0  }
0x7c: {  	[tilespmem:$0xAEB0] =	vst v0  }
0x7d: {  	[tilespmem:$0xAEC0] =	vst v0  }
0x7e: {  	[tilespmem:$0x9ED0] =	vst v0  }
0x7f: {  	[tilespmem:$0x9EE0] =	vst v0  }
0x80: {  	[tilespmem:$0x9EF0] =	vst v0  }
0x81: {  	[tilespmem:$0x9F00] =	vst v0  }
0x82: {  	[tilespmem:$0x9F10] =	vst v0  }
0x83: {  	[tilespmem:$0x9F20] =	vst v0  }
0x84: {  	[tilespmem:$0x9F30] =	vst v0  }
0x85: {  	[tilespmem:$0x9F40] =	vst v0  }
0x86: {  	[tilespmem:$0xAED0] =	vst v0  }
0x87: {  	[tilespmem:$0xAEE0] =	vst v0  }
0x88: {  	[tilespmem:$0xAEF0] =	vst v0  }
0x89: {  	[tilespmem:$0xAF00] =	vst v0  }
0x8a: {  	[tilespmem:$0xAF10] =	vst v0  }
0x8b: {  	[tilespmem:$0xAF20] =	vst v0  }
0x8c: {  	[tilespmem:$0xAF30] =	vst v0  }
0x8d: {  	[tilespmem:$0xAF40] =	vst v0  }
0x8e: {  	[tilespmem:$0xBBD0] =	vst v0  }
0x8f: {  	[tilespmem:$0xBBE0] =	vst v0  }
0x90: {  	[tilespmem:$0xBBF0] =	vst v0  }
0x91: {  	[tilespmem:$0xBC00] =	vst v0  }
0x92: {  	[tilespmem:$0xBC10] =	vst v0  }
0x93: {  	[tilespmem:$0xBC20] =	vst v0  }
0x94: {  	[tilespmem:$0xBC30] =	vst v0  }
0x95: {  	[tilespmem:$0xBC40] =	vst v0  }
0x96: {  	[tilespmem:$0xCBD0] =	vst v0  }
0x97: {  	[tilespmem:$0xCBE0] =	vst v0  }
0x98: {  	[tilespmem:$0xCBF0] =	vst v0  }
0x99: {  	[tilespmem:$0xCC00] =	vst v0  }
0x9a: {  	[tilespmem:$0xCC10] =	vst v0  }
0x9b: {  	[tilespmem:$0xCC20] =	vst v0  }
0x9c: {  	[tilespmem:$0xCC30] =	vst v0  }
0x9d: {  	[tilespmem:$0xCC40] =	vst v0  }
0x9e: {  	[tilespmem:$0xBC50] =	vst v0  }
0x9f: {  	[tilespmem:$0xBC60] =	vst v0  }
0xa0: {  	[tilespmem:$0xBC70] =	vst v0  }
0xa1: {  	[tilespmem:$0xBC80] =	vst v0  }
0xa2: {  	[tilespmem:$0xBC90] =	vst v0  }
0xa3: {  	[tilespmem:$0xBCA0] =	vst v0  }
0xa4: {  	[tilespmem:$0xBCB0] =	vst v0  }
0xa5: {  	[tilespmem:$0xBCC0] =	vst v0  }
0xa6: {  	[tilespmem:$0xCC50] =	vst v0  }
0xa7: {  	[tilespmem:$0xCC60] =	vst v0  }
0xa8: {  	[tilespmem:$0xCC70] =	vst v0  }
0xa9: {  	[tilespmem:$0xCC80] =	vst v0  }
0xaa: {  	[tilespmem:$0xCC90] =	vst v0  }
0xab: {  	[tilespmem:$0xCCA0] =	vst v0  }
0xac: {  	[tilespmem:$0xCCB0] =	vst v0  }
0xad: {  	[tilespmem:$0xCCC0] =	vst v0  }
0xae: {  	[tilespmem:$0xBCD0] =	vst v0  }
0xaf: {  	[tilespmem:$0xBCE0] =	vst v0  }
0xb0: {  	[tilespmem:$0xBCF0] =	vst v0  }
0xb1: {  	[tilespmem:$0xBD00] =	vst v0  }
0xb2: {  	[tilespmem:$0xBD10] =	vst v0  }
0xb3: {  	[tilespmem:$0xBD20] =	vst v0  }
0xb4: {  	[tilespmem:$0xBD30] =	vst v0  }
0xb5: {  	[tilespmem:$0xBD40] =	vst v0  }
0xb6: {  	[tilespmem:$0xCCD0] =	vst v0  }
0xb7: {  	[tilespmem:$0xCCE0] =	vst v0  }
0xb8: {  	[tilespmem:$0xCCF0] =	vst v0  }
0xb9: {  	[tilespmem:$0xCD00] =	vst v0  }
0xba: {  	[tilespmem:$0xCD10] =	vst v0  }
0xbb: {  	[tilespmem:$0xCD20] =	vst v0  }
0xbc: {  	[tilespmem:$0xCD30] =	vst v0  }
0xbd: {  	[tilespmem:$0xCD40] =	vst v0  }
0xbe: {  	[tilespmem:$0xBD50] =	vst v0  }
0xbf: {  	[tilespmem:$0xBD60] =	vst v0  }
0xc0: {  	[tilespmem:$0xBD70] =	vst v0  }
0xc1: {  	[tilespmem:$0xBD80] =	vst v0  }
0xc2: {  	[tilespmem:$0xBD90] =	vst v0  }
0xc3: {  	[tilespmem:$0xBDA0] =	vst v0  }
0xc4: {  	[tilespmem:$0xBDB0] =	vst v0  }
0xc5: {  	[tilespmem:$0xBDC0] =	vst v0  }
0xc6: {  	[tilespmem:$0xCD50] =	vst v0  }
0xc7: {  	[tilespmem:$0xCD60] =	vst v0  }
0xc8: {  	[tilespmem:$0xCD70] =	vst v0  }
0xc9: {  	[tilespmem:$0xCD80] =	vst v0  }
0xca: {  	[tilespmem:$0xCD90] =	vst v0  }
0xcb: {  	[tilespmem:$0xCDA0] =	vst v0  }
0xcc: {  	[tilespmem:$0xCDB0] =	vst v0  }
0xcd: {  	[tilespmem:$0xCDC0] =	vst v0  }
0xce: {  	[tilespmem:$0xBDD0] =	vst v0  }
0xcf: {  	[tilespmem:$0xBDE0] =	vst v0  }
0xd0: {  	[tilespmem:$0xBDF0] =	vst v0  }
0xd1: {  	[tilespmem:$0xBE00] =	vst v0  }
0xd2: {  	[tilespmem:$0xBE10] =	vst v0  }
0xd3: {  	[tilespmem:$0xBE20] =	vst v0  }
0xd4: {  	[tilespmem:$0xBE30] =	vst v0  }
0xd5: {  	[tilespmem:$0xBE40] =	vst v0  }
0xd6: {  	[tilespmem:$0xCDD0] =	vst v0  }
0xd7: {  	[tilespmem:$0xCDE0] =	vst v0  }
0xd8: {  	[tilespmem:$0xCDF0] =	vst v0  }
0xd9: {  	[tilespmem:$0xCE00] =	vst v0  }
0xda: {  	[tilespmem:$0xCE10] =	vst v0  }
0xdb: {  	[tilespmem:$0xCE20] =	vst v0  }
0xdc: {  	[tilespmem:$0xCE30] =	vst v0  }
0xdd: {  	[tilespmem:$0xCE40] =	vst v0;
	v1 =	vld [tilespmem:$0x0]  }
0xde: {  	[tilespmem:$0xBE50] =	vst v0  }
0xdf: {  	[tilespmem:$0xBE60] =	vst v0  }
0xe0: {  	[tilespmem:$0xBE70] =	vst v0  }
0xe1: {  	[tilespmem:$0xBE80] =	vst v0  }
0xe2: {  	[tilespmem:$0x5C80] =	vst v1;
	v1 =	vld [tilespmem:$0x10]  }
0xe3: {  	[tilespmem:$0xBE90] =	vst v0  }
0xe4: {  	[tilespmem:$0xBEA0] =	vst v0  }
0xe5: {  	[tilespmem:$0xBEB0] =	vst v0  }
0xe6: {  	[tilespmem:$0xBEC0] =	vst v0  }
0xe7: {  	[tilespmem:$0x5C90] =	vst v1;
	v1 =	vld [tilespmem:$0x20]  }
0xe8: {  	[tilespmem:$0xCE50] =	vst v0  }
0xe9: {  	[tilespmem:$0xCE60] =	vst v0  }
0xea: {  	[tilespmem:$0xCE70] =	vst v0  }
0xeb: {  	[tilespmem:$0xCE80] =	vst v0  }
0xec: {  	[tilespmem:$0x5CA0] =	vst v1;
	v1 =	vld [tilespmem:$0x22]  }
0xed: {  	[tilespmem:$0xCE90] =	vst v0  }
0xee: {  	[tilespmem:$0xCEA0] =	vst v0  }
0xef: {  	[tilespmem:$0xCEB0] =	vst v0  }
0xf0: {  	[tilespmem:$0xCEC0] =	vst v0  }
0xf1: {  	[tilespmem:$0x5CA2] =	vst v1;
	v1 =	vld [tilespmem:$0x38]  }
0xf2: {  	[tilespmem:$0xBED0] =	vst v0  }
0xf3: {  	[tilespmem:$0xBEE0] =	vst v0  }
0xf4: {  	[tilespmem:$0xBEF0] =	vst v0  }
0xf5: {  	[tilespmem:$0xBF00] =	vst v0  }
0xf6: {  	[tilespmem:$0x5CB2] =	vst v1;
	v1 =	vld [tilespmem:$0x48]  }
0xf7: {  	[tilespmem:$0xBF10] =	vst v0  }
0xf8: {  	[tilespmem:$0xBF20] =	vst v0  }
0xf9: {  	[tilespmem:$0xBF30] =	vst v0  }
0xfa: {  	[tilespmem:$0xBF40] =	vst v0  }
0xfb: {  	[tilespmem:$0x5CC2] =	vst v1;
	v1 =	vld [tilespmem:$0x58]  }
0xfc: {  	[tilespmem:$0xCED0] =	vst v0  }
0xfd: {  	[tilespmem:$0xCEE0] =	vst v0  }
0xfe: {  	[tilespmem:$0xCEF0] =	vst v0  }
0xff: {  	[tilespmem:$0xCF00] =	vst v0  }
0x100: {  	[tilespmem:$0x5CD2] =	vst v1;
	v1 =	vld [tilespmem:$0x5A]  }
0x101: {  	[tilespmem:$0xCF10] =	vst v0  }
0x102: {  	[tilespmem:$0xCF20] =	vst v0  }
0x103: {  	[tilespmem:$0xCF30] =	vst v0  }
0x104: {  	[tilespmem:$0xCF40] =	vst v0  }
0x105: {  	s13 =	simm.s32 $0x0;
	[tilespmem:$0x5CD4] =	vst v1  }
0x106: {  	[tilespmem:s25], [sflag:$0x1] =	stream.indirect.gather [hbm4b:s9+s23], $0x40, s24, s23, $0xb8;
	[tilespmem:$0xCF50] =	vst v63  }
.LBB2_2:
0x107: {  	s14 =	sshllo.u32 s13, $0x1  }
0x108: {  	s15 =	smul.u32 $0x1C0, s14;
	_ =	sdelay $0x1  }
0x109: {  	s15 =	sshra.s32 s15, $0x2  }
0x10a: {  	v1 =	vld [tilespmem:s15+$0x0];
	_ =	sdelay $0x4  }
0x10b: {  	[tilespmem:$0x5CE8] =	vst v1  }
0x10c: {  	v1 =	vld [tilespmem:s15+$0x10];
	_ =	sdelay $0x4  }
0x10d: {  	[tilespmem:$0x5CF8] =	vst v1  }
0x10e: {  	v1 =	vld [tilespmem:s15+$0x20];
	_ =	sdelay $0x4  }
0x10f: {  	[tilespmem:$0x5D08] =	vst v1  }
0x110: {  	v1 =	vld [tilespmem:s15+$0x22];
	_ =	sdelay $0x4  }
0x111: {  	[tilespmem:$0x5D0A] =	vst v1  }
0x112: {  	v1 =	vld [tilespmem:s15+$0x38];
	_ =	sdelay $0x4  }
0x113: {  	[tilespmem:$0x5D1A] =	vst v1  }
0x114: {  	v1 =	vld [tilespmem:s15+$0x48];
	_ =	sdelay $0x4  }
0x115: {  	[tilespmem:$0x5D2A] =	vst v1  }
0x116: {  	v1 =	vld [tilespmem:s15+$0x58];
	_ =	sdelay $0x4  }
0x117: {  	[tilespmem:$0x5D3A] =	vst v1  }
0x118: {  	v1 =	vld [tilespmem:s15+$0x5A];
	_ =	sdelay $0x4  }
0x119: {  	[tilespmem:$0x5D3C] =	vst v1  }
0x11a: {  	[tilespmem:s28], [sflag:$0x2] =	stream.indirect.gather [hbm4b:s9+s23], $0x40, s26, s23, $0xb8;
	[tilespmem:$0xCF50] =	vst v63  }
0x11b: {  	_ =	swait.ge [sflag:s29], $0x1900  }
0x11c: {  	p0 =	seq.s32 s13, $0x0;
	[sflag:s29] =	ssyncset.done $0x0  }
0x11d: {  	s15 =	simm.s32 @!p0 $0x3;
	[sflag:s29] =	ssyncadd.s32 $0xFFFFE700  }
0x11e: {  	_ =	swait.ge @!p0 [sflag:s15], $0x2000  }
0x11f: {  	[sflag:s15] =	ssyncset.done @!p0 $0x0  }
0x120: {  	[sflag:s15] =	ssyncadd.s32 @!p0 $0xFFFFE000;
	s15 =	simm.s32 $0x0  }
0x121: {  	v1 =	vld [tilespmem:s15+$0x6A40]  }
0x122: {  	v2 =	vld [tilespmem:s15+$0x5D50]  }
0x123: {  	v3 =	vld [tilespmem:s15+$0x5D60]  }
0x124: {  	v4 =	vld [tilespmem:s15+$0x5D70]  }
0x125: {  	v5 =	vld [tilespmem:s15+$0x5D80]  }
0x126: {  	v6 =	vld [tilespmem:s15+$0x5D90];
	[tilespmem:s15+$0x9FC0] =	vst v1  }
0x127: {  	[tilespmem:s15+$0x8F50] =	vst v2;
	v1 =	vld [tilespmem:s15+$0x5DA0]  }
0x128: {  	[tilespmem:s15+$0x8F60] =	vst v3;
	v2 =	vld [tilespmem:s15+$0x5DB0]  }
0x129: {  	[tilespmem:s15+$0x8F70] =	vst v4;
	v3 =	vld [tilespmem:s15+$0x5DC0]  }
0x12a: {  	[tilespmem:s15+$0x8F80] =	vst v5;
	v4 =	vld [tilespmem:s15+$0x69D0]  }
0x12b: {  	[tilespmem:s15+$0x8F90] =	vst v6;
	v5 =	vld [tilespmem:s15+$0x69E0]  }
0x12c: {  	[tilespmem:s15+$0x8FA0] =	vst v1;
	v1 =	vld [tilespmem:s15+$0x69F0]  }
0x12d: {  	[tilespmem:s15+$0x8FB0] =	vst v2;
	v2 =	vld [tilespmem:s15+$0x6A00]  }
0x12e: {  	[tilespmem:s15+$0x8FC0] =	vst v3;
	v3 =	vld [tilespmem:s15+$0x6A10]  }
0x12f: {  	[tilespmem:s15+$0x9F50] =	vst v4;
	v4 =	vld [tilespmem:s15+$0x6A20]  }
0x130: {  	s16 =	sshll.u32 s13, $0x1;
	s17 =	simm.s32 $0x80;
	s18 =	simm.s32 $0x400;
	[tilespmem:s15+$0x9F60] =	vst v5;
	v5 =	vld [tilespmem:s15+$0x6A30]  }
.LBB2_3:
0x131: {  	p1 =	sne.s32 s18, $0x3000;
	v6 =	vld [tilespmem:s17+$0x6A40];
	[tilespmem:s15+$0x9F70] =	vst v1  }
0x132: {  	v1 =	vld [tilespmem:s17+$0x5D50];
	[tilespmem:s15+$0x9F80] =	vst v2  }
0x133: {  	v2 =	vld [tilespmem:s17+$0x5D60];
	[tilespmem:s15+$0x9F90] =	vst v3  }
0x134: {  	v3 =	vld [tilespmem:s17+$0x5D70];
	[tilespmem:s15+$0x9FA0] =	vst v4  }
0x135: {  	v4 =	vld [tilespmem:s17+$0x5D80];
	[tilespmem:s15+$0x9FB0] =	vst v5;
	s15 =	smov.u32 s17  }
0x136: {  	v5 =	vld [tilespmem:s15+$0x5D90];
	[tilespmem:s15+$0x9FC0] =	vst v6  }
0x137: {  	[tilespmem:s15+$0x8F50] =	vst v1;
	v1 =	vld [tilespmem:s15+$0x5DA0]  }
0x138: {  	[tilespmem:s15+$0x8F60] =	vst v2;
	v2 =	vld [tilespmem:s15+$0x5DB0]  }
0x139: {  	[tilespmem:s15+$0x8F70] =	vst v3;
	v3 =	vld [tilespmem:s15+$0x5DC0]  }
0x13a: {  	[tilespmem:s15+$0x8F80] =	vst v4;
	v4 =	vld [tilespmem:s15+$0x69D0]  }
0x13b: {  	[tilespmem:s15+$0x8F90] =	vst v5;
	v5 =	vld [tilespmem:s15+$0x69E0]  }
.Ltmp0:
0x13c: {  	[tilespmem:s15+$0x8FA0] =	vst v1;
	v1 =	vld [tilespmem:s15+$0x69F0];
	(pc) =	sbr.rel @p1 .LBB2_3-.Ltmp0, $4  }
0x13d: {  	[tilespmem:s15+$0x8FB0] =	vst v2;
	v2 =	vld [tilespmem:s15+$0x6A00]  }
0x13e: {  	[tilespmem:s15+$0x8FC0] =	vst v3;
	v3 =	vld [tilespmem:s15+$0x6A10]  }
0x13f: {  	[tilespmem:s15+$0x9F50] =	vst v4;
	v4 =	vld [tilespmem:s15+$0x6A20]  }
0x140: {  	s17 =	sshra.s32 s18, $0x2;
	s18 =	sadd.s32 $0x200, s18;
	[tilespmem:s15+$0x9F60] =	vst v5;
	v5 =	vld [tilespmem:s15+$0x6A30]  }
0x141: {  	v6 =	vld [tilespmem:s17+$0x6A40];
	[tilespmem:s15+$0x9F70] =	vst v1  }
0x142: {  	v1 =	vld [tilespmem:s17+$0x5D50];
	[tilespmem:s15+$0x9F80] =	vst v2  }
0x143: {  	v2 =	vld [tilespmem:s17+$0x5D60];
	[tilespmem:s15+$0x9F90] =	vst v3  }
0x144: {  	v3 =	vld [tilespmem:s17+$0x5D70];
	[tilespmem:s15+$0x9FA0] =	vst v4  }
0x145: {  	v4 =	vld [tilespmem:s17+$0x5D80];
	[tilespmem:s15+$0x9FB0] =	vst v5  }
0x146: {  	v5 =	vld [tilespmem:s17+$0x5D90];
	[tilespmem:s17+$0x9FC0] =	vst v6  }
0x147: {  	v60 =	vld [tilespmem:s17+$0x69D0];
	[tilespmem:s17+$0x8F50] =	vst v1  }
0x148: {  	v61 =	vld [tilespmem:s17+$0x69E0];
	[tilespmem:s17+$0x8F60] =	vst v2  }
0x149: {  	v1 =	vld [tilespmem:s17+$0x5DA0];
	[tilespmem:s17+$0x8F70] =	vst v3  }
0x14a: {  	v2 =	vld [tilespmem:s17+$0x5DB0];
	[tilespmem:s17+$0x8F80] =	vst v4  }
0x14b: {  	v3 =	vld [tilespmem:s17+$0x5DC0];
	[tilespmem:s17+$0x8F90] =	vst v5  }
0x14c: {  	v62 =	vld [tilespmem:s17+$0x6A20];
	[tilespmem:s17+$0x9F50] =	vst v60  }
0x14d: {  	v63 =	vld [tilespmem:s17+$0x6A30];
	[tilespmem:s17+$0x9F60] =	vst v61  }
0x14e: {  	[tilespmem:s17+$0x8FA0] =	vst v1;
	v1 =	vld [tilespmem:s17+$0x69F0]  }
0x14f: {  	[tilespmem:s17+$0x8FB0] =	vst v2;
	v2 =	vld [tilespmem:s17+$0x6A00]  }
0x150: {  	[tilespmem:s17+$0x8FC0] =	vst v3;
	v3 =	vld [tilespmem:s17+$0x6A10]  }
0x151: {  	p1 =	sne.s32 s13, $0x1F;
	[tilespmem:s17+$0x9FA0] =	vst v62  }
.Ltmp1:
0x152: {  	[tilespmem:s17+$0x9FB0] =	vst v63;
	(pc) =	sbr.rel @p1 .LBB2_6-.Ltmp1, $4  }
0x153: {  	s18 =	sadd.s32 s12, s16;
	[tilespmem:s17+$0x9F70] =	vst v1  }
0x154: {  	s15 =	sshll.u32 s18, $0xA;
	[tilespmem:s17+$0x9F80] =	vst v2  }
0x155: {  	s15 =	sadd.s32 s10, s15;
	[tilespmem:s17+$0x9F90] =	vst v3  }
0x156: {  	[hbm4b:s15+s2] =	stream.linear.scatter [tilespmem:s30], [sflag:$0x3], $0x2000, $0x38;
	[tilespmem:$0xCF50] =	vst v63  }
.Ltmp2:
0x157: {  	(pc) =	sbr.rel .LBB2_7-.Ltmp2, $4  }
0x158: {  	_ = 	snop  }
0x159: {  	_ =	swait.ge [sflag:s31], $0x1900  }
0x15a: {  	[sflag:s31] =	ssyncset.done $0x0  }
0x15b: {  	[sflag:s31] =	ssyncadd.s32 $0xFFFFE700  }
.LBB2_6:
0x15c: {  	s15 =	smul.u32 $0x380, s13;
	_ =	sdelay $0x1  }
0x15d: {  	s15 =	sshra.s32 s15, $0x2  }
0x15e: {  	v1 =	vld [tilespmem:s15+$0xE0];
	_ =	sdelay $0x4  }
0x15f: {  	[tilespmem:$0x5C80] =	vst v1  }
0x160: {  	v1 =	vld [tilespmem:s15+$0xF0];
	_ =	sdelay $0x4  }
0x161: {  	[tilespmem:$0x5C90] =	vst v1  }
0x162: {  	v1 =	vld [tilespmem:s15+$0x100];
	_ =	sdelay $0x4  }
0x163: {  	[tilespmem:$0x5CA0] =	vst v1  }
0x164: {  	v1 =	vld [tilespmem:s15+$0x102];
	_ =	sdelay $0x4  }
0x165: {  	[tilespmem:$0x5CA2] =	vst v1  }
0x166: {  	v1 =	vld [tilespmem:s15+$0x118];
	_ =	sdelay $0x4  }
0x167: {  	[tilespmem:$0x5CB2] =	vst v1  }
0x168: {  	v1 =	vld [tilespmem:s15+$0x128];
	_ =	sdelay $0x4  }
0x169: {  	[tilespmem:$0x5CC2] =	vst v1  }
0x16a: {  	v1 =	vld [tilespmem:s15+$0x138];
	_ =	sdelay $0x4  }
0x16b: {  	[tilespmem:$0x5CD2] =	vst v1  }
0x16c: {  	v1 =	vld [tilespmem:s15+$0x13A];
	_ =	sdelay $0x4  }
.Ltmp3:
0x16d: {  	[tilespmem:$0x5CD4] =	vst v1;
	(pc) =	sbr.rel @p0 .LBB2_8-.Ltmp3, $4  }
0x16e: {  	[tilespmem:s25], [sflag:$0x1] =	stream.indirect.gather [hbm4b:s9+s23], $0x40, s24, s23, $0xb8;
	[tilespmem:$0xCF50] =	vst v63  }
0x16f: {  	_ =	swait.ge [sflag:s31], $0x1900  }
0x170: {  	[sflag:s31] =	ssyncset.done $0x0  }
0x171: {  	[sflag:s31] =	ssyncadd.s32 $0xFFFFE700  }
.LBB2_7:
0x172: {  	_ =	swait.ge [sflag:s0], $0x2000  }
0x173: {  	[sflag:s0] =	ssyncset.done $0x0  }
0x174: {  	[sflag:s0] =	ssyncadd.s32 $0xFFFFE000  }
.LBB2_8:
0x175: {  	s15 =	simm.s32 $0x0  }
0x176: {  	v1 =	vld [tilespmem:s15+$0x8340]  }
0x177: {  	v2 =	vld [tilespmem:s15+$0x7650]  }
0x178: {  	v3 =	vld [tilespmem:s15+$0x7660]  }
0x179: {  	v4 =	vld [tilespmem:s15+$0x7670]  }
0x17a: {  	v5 =	vld [tilespmem:s15+$0x7680]  }
0x17b: {  	v6 =	vld [tilespmem:s15+$0x7690];
	[tilespmem:s15+$0xBFC0] =	vst v1  }
0x17c: {  	[tilespmem:s15+$0xAF50] =	vst v2;
	v1 =	vld [tilespmem:s15+$0x76A0]  }
0x17d: {  	[tilespmem:s15+$0xAF60] =	vst v3;
	v2 =	vld [tilespmem:s15+$0x76B0]  }
0x17e: {  	[tilespmem:s15+$0xAF70] =	vst v4;
	v3 =	vld [tilespmem:s15+$0x76C0]  }
0x17f: {  	[tilespmem:s15+$0xAF80] =	vst v5;
	v4 =	vld [tilespmem:s15+$0x82D0]  }
0x180: {  	[tilespmem:s15+$0xAF90] =	vst v6;
	v5 =	vld [tilespmem:s15+$0x82E0]  }
0x181: {  	[tilespmem:s15+$0xAFA0] =	vst v1;
	v1 =	vld [tilespmem:s15+$0x82F0]  }
0x182: {  	[tilespmem:s15+$0xAFB0] =	vst v2;
	v2 =	vld [tilespmem:s15+$0x8300]  }
0x183: {  	[tilespmem:s15+$0xAFC0] =	vst v3;
	v3 =	vld [tilespmem:s15+$0x8310]  }
0x184: {  	[tilespmem:s15+$0xBF50] =	vst v4;
	v4 =	vld [tilespmem:s15+$0x8320]  }
0x185: {  	s16 =	simm.s32 $0x80;
	s17 =	simm.s32 $0x400;
	[tilespmem:s15+$0xBF60] =	vst v5;
	v5 =	vld [tilespmem:s15+$0x8330]  }
.LBB2_9:
0x186: {  	p0 =	sne.s32 s17, $0x3000;
	v6 =	vld [tilespmem:s16+$0x8340];
	[tilespmem:s15+$0xBF70] =	vst v1  }
0x187: {  	v1 =	vld [tilespmem:s16+$0x7650];
	[tilespmem:s15+$0xBF80] =	vst v2  }
0x188: {  	v2 =	vld [tilespmem:s16+$0x7660];
	[tilespmem:s15+$0xBF90] =	vst v3  }
0x189: {  	v3 =	vld [tilespmem:s16+$0x7670];
	[tilespmem:s15+$0xBFA0] =	vst v4  }
0x18a: {  	v4 =	vld [tilespmem:s16+$0x7680];
	[tilespmem:s15+$0xBFB0] =	vst v5;
	s15 =	smov.u32 s16  }
0x18b: {  	v5 =	vld [tilespmem:s15+$0x7690];
	[tilespmem:s15+$0xBFC0] =	vst v6  }
0x18c: {  	[tilespmem:s15+$0xAF50] =	vst v1;
	v1 =	vld [tilespmem:s15+$0x76A0]  }
0x18d: {  	[tilespmem:s15+$0xAF60] =	vst v2;
	v2 =	vld [tilespmem:s15+$0x76B0]  }
0x18e: {  	[tilespmem:s15+$0xAF70] =	vst v3;
	v3 =	vld [tilespmem:s15+$0x76C0]  }
0x18f: {  	[tilespmem:s15+$0xAF80] =	vst v4;
	v4 =	vld [tilespmem:s15+$0x82D0]  }
0x190: {  	[tilespmem:s15+$0xAF90] =	vst v5;
	v5 =	vld [tilespmem:s15+$0x82E0]  }
.Ltmp4:
0x191: {  	[tilespmem:s15+$0xAFA0] =	vst v1;
	v1 =	vld [tilespmem:s15+$0x82F0];
	(pc) =	sbr.rel @p0 .LBB2_9-.Ltmp4, $4  }
0x192: {  	[tilespmem:s15+$0xAFB0] =	vst v2;
	v2 =	vld [tilespmem:s15+$0x8300]  }
0x193: {  	[tilespmem:s15+$0xAFC0] =	vst v3;
	v3 =	vld [tilespmem:s15+$0x8310]  }
0x194: {  	[tilespmem:s15+$0xBF50] =	vst v4;
	v4 =	vld [tilespmem:s15+$0x8320]  }
0x195: {  	s16 =	sshra.s32 s17, $0x2;
	s17 =	sadd.s32 $0x200, s17;
	[tilespmem:s15+$0xBF60] =	vst v5;
	v5 =	vld [tilespmem:s15+$0x8330]  }
0x196: {  	v6 =	vld [tilespmem:s16+$0x8340];
	[tilespmem:s15+$0xBF70] =	vst v1  }
0x197: {  	v1 =	vld [tilespmem:s16+$0x7650];
	[tilespmem:s15+$0xBF80] =	vst v2  }
0x198: {  	v2 =	vld [tilespmem:s16+$0x7660];
	[tilespmem:s15+$0xBF90] =	vst v3  }
0x199: {  	v3 =	vld [tilespmem:s16+$0x7670];
	[tilespmem:s15+$0xBFA0] =	vst v4  }
0x19a: {  	v4 =	vld [tilespmem:s16+$0x7680];
	[tilespmem:s15+$0xBFB0] =	vst v5  }
0x19b: {  	v5 =	vld [tilespmem:s16+$0x7690];
	[tilespmem:s16+$0xBFC0] =	vst v6  }
0x19c: {  	v60 =	vld [tilespmem:s16+$0x82D0];
	[tilespmem:s16+$0xAF50] =	vst v1  }
0x19d: {  	v61 =	vld [tilespmem:s16+$0x82E0];
	[tilespmem:s16+$0xAF60] =	vst v2  }
0x19e: {  	v1 =	vld [tilespmem:s16+$0x76A0];
	[tilespmem:s16+$0xAF70] =	vst v3  }
0x19f: {  	v2 =	vld [tilespmem:s16+$0x76B0];
	[tilespmem:s16+$0xAF80] =	vst v4  }
0x1a0: {  	v3 =	vld [tilespmem:s16+$0x76C0];
	[tilespmem:s16+$0xAF90] =	vst v5  }
0x1a1: {  	v62 =	vld [tilespmem:s16+$0x8320];
	[tilespmem:s16+$0xBF50] =	vst v60  }
0x1a2: {  	v63 =	vld [tilespmem:s16+$0x8330];
	[tilespmem:s16+$0xBF60] =	vst v61  }
0x1a3: {  	[tilespmem:s16+$0xAFA0] =	vst v1;
	v1 =	vld [tilespmem:s16+$0x82F0]  }
0x1a4: {  	[tilespmem:s16+$0xAFB0] =	vst v2;
	v2 =	vld [tilespmem:s16+$0x8300]  }
0x1a5: {  	s13 =	sadd.s32 $0x1, s13;
	[tilespmem:s16+$0xAFC0] =	vst v3;
	v3 =	vld [tilespmem:s16+$0x8310]  }
0x1a6: {  	p0 =	sne.s32 s13, $0x20;
	[tilespmem:s16+$0xBFA0] =	vst v62  }
.Ltmp5:
0x1a7: {  	s14 =	sadd.s32 s12, s14;
	[tilespmem:s16+$0xBFB0] =	vst v63;
	(pc) =	sbr.rel @p0 .LBB2_2-.Ltmp5, $4  }
0x1a8: {  	s14 =	sshll.u32 s14, $0xA;
	[tilespmem:s16+$0xBF70] =	vst v1  }
0x1a9: {  	s14 =	sand.u32 $0x1FFFFC00, s14;
	[tilespmem:s16+$0xBF80] =	vst v2  }
0x1aa: {  	s14 =	sadd.s32 s10, s14;
	[tilespmem:s16+$0xBF90] =	vst v3  }
0x1ab: {  	[hbm4b:s14+s2] =	stream.linear.scatter [tilespmem:s1], [sflag:$0x4], $0x2000, $0x38;
	[tilespmem:$0xCF50] =	vst v63  }
0x1ac: {  	_ =	swait.ge [sflag:s3], $0x2000  }
0x1ad: {  	[sflag:s3] =	ssyncset.done $0x0  }
0x1ae: {  	[sflag:s3] =	ssyncadd.s32 $0xFFFFE000  }
0x1af: {  	_ =	swait.ge [sflag:s0], $0x2000  }
0x1b0: {  	[sflag:s0] =	ssyncset.done $0x0  }
0x1b1: {  	s13 =	simm.s32 $0x0;
	s14 =	rddreg [dreg:$0x9];
	[sflag:s0] =	ssyncadd.s32 $0xFFFFE000  }
0x1b2: {  	[tilespmem:s4], [sflag:$0x6] =	stream.linear.gather [hbm4b:s14+s13], $0x80, $0x38;
	[tilespmem:$0xCF50] =	vst v63  }
0x1b3: {  	_ =	swait.ge [sflag:s22], $0x80  }
0x1b4: {  	[sflag:s22] =	ssyncset.done $0x0  }
0x1b5: {  	s16 =	rddreg [dreg:$0x2];
	[sflag:s22] =	ssyncadd.s32 $0xFFFFFF80  }
0x1b6: {  	[tilespmem:s6], [sflag:$0x5] =	stream.indirect.gather [hbm4b:s16+s5], $0x40, s4, s5, $0xb8;
	[tilespmem:$0xCF50] =	vst v63  }
0x1b7: {  	_ =	swait.ge [sflag:s7], $0x2000  }
0x1b8: {  	[sflag:s7] =	ssyncset.done $0x0  }
0x1b9: {  	s17 =	rddreg [dreg:$0xa];
	[sflag:s7] =	ssyncadd.s32 $0xFFFFE000  }
0x1ba: {  	[tilespmem:s4], [sflag:$0x6] =	stream.linear.gather [hbm4b:s17+s13], $0x80, $0x38;
	[tilespmem:$0xCF50] =	vst v63  }
0x1bb: {  	_ =	swait.ge [sflag:s22], $0x80  }
0x1bc: {  	[sflag:s22] =	ssyncset.done $0x0  }
0x1bd: {  	s18 =	rddreg [dreg:$0x3];
	[sflag:s22] =	ssyncadd.s32 $0xFFFFFF80  }
0x1be: {  	[tilespmem:s8], [sflag:$0x5] =	stream.indirect.gather [hbm4b:s18+s5], $0x40, s4, s5, $0xb8;
	[tilespmem:$0xCF50] =	vst v63  }
0x1bf: {  	_ =	swait.ge [sflag:s7], $0x2000  }
0x1c0: {  	[sflag:s7] =	ssyncset.done $0x0  }
0x1c1: {  	s13 =	simm.s32 $0x0;
	[sflag:s7] =	ssyncadd.s32 $0xFFFFE000  }
0x1c2: {  	v6 =	vld [tilespmem:s13+$0x1C80]  }
0x1c3: {  	v7 =	vld [tilespmem:s13+$0x1C90]  }
0x1c4: {  	v2 =	vld [tilespmem:s13+$0x1CA0]  }
0x1c5: {  	v1 =	vld [tilespmem:s13+$0x1CB0]  }
0x1c6: {  	v3 =	vld [tilespmem:s13+$0x3C80]  }
0x1c7: {  	v5 =	vld [tilespmem:s13+$0x3C90]  }
0x1c8: {  	s14 =	simm.s32 $0x100;
	v4 =	vld [tilespmem:s13+$0x3CA0]  }
.LBB2_12:
0x1c9: {  	s15 =	sshra.s32 s14, $0x2;
	p0 =	sne.s32 s14, $0x7F00;
	v8 =	vld [tilespmem:s13+$0x3CB0];
	v9 =	vmov v2  }
0x1ca: {  	v10 =	vld [tilespmem:s15+$0x1C80];
	v11 =	vmov v1  }
0x1cb: {  	v12 =	vld [tilespmem:s15+$0x1C90];
	v3 =	vadd.f32 v6, v3  }
.Ltmp6:
0x1cc: {  	v2 =	vld [tilespmem:s15+$0x1CA0];
	v5 =	vadd.f32 v7, v5;
	(pc) =	sbr.rel @p0 .LBB2_12-.Ltmp6, $4  }
0x1cd: {  	v1 =	vld [tilespmem:s15+$0x1CB0];
	[tilespmem:s13+$0x3C80] =	vst v3;
	v4 =	vadd.f32 v9, v4  }
0x1ce: {  	v3 =	vld [tilespmem:s15+$0x3C80];
	[tilespmem:s13+$0x3C90] =	vst v5;
	v8 =	vadd.f32 v11, v8  }
0x1cf: {  	v5 =	vld [tilespmem:s15+$0x3C90];
	[tilespmem:s13+$0x3CA0] =	vst v4;
	v6 =	vmov v10  }
0x1d0: {  	s14 =	sadd.s32 $0x100, s14;
	v4 =	vld [tilespmem:s15+$0x3CA0];
	[tilespmem:s13+$0x3CB0] =	vst v8;
	v7 =	vmov v12;
	s13 =	smov.u32 s15  }
0x1d1: {  	v8 =	vld [tilespmem:s13+$0x3CB0];
	_ =	sdelay $0x1  }
0x1d2: {  	v3 =	vadd.f32 v6, v3  }
0x1d3: {  	v5 =	vadd.f32 v7, v5  }
0x1d4: {  	[tilespmem:s13+$0x3C80] =	vst v3;
	v2 =	vadd.f32 v2, v4  }
0x1d5: {  	[tilespmem:s13+$0x3C90] =	vst v5;
	v1 =	vadd.f32 v1, v8  }
0x1d6: {  	[tilespmem:s13+$0x3CA0] =	vst v2  }
0x1d7: {  	s17 =	simm.s32 $0x0;
	s14 =	rddreg [dreg:$0xb];
	[tilespmem:s13+$0x3CB0] =	vst v1  }
0x1d8: {  	[tilespmem:s4], [sflag:$0x6] =	stream.linear.gather [hbm4b:s14+s17], $0x80, $0x38;
	[tilespmem:$0xCF50] =	vst v63  }
0x1d9: {  	_ =	swait.ge [sflag:s22], $0x80  }
0x1da: {  	[sflag:s22] =	ssyncset.done $0x0  }
0x1db: {  	s18 =	rddreg [dreg:$0x4];
	[sflag:s22] =	ssyncadd.s32 $0xFFFFFF80  }
0x1dc: {  	[tilespmem:s8], [sflag:$0x5] =	stream.indirect.gather [hbm4b:s18+s5], $0x40, s4, s5, $0xb8;
	[tilespmem:$0xCF50] =	vst v63  }
0x1dd: {  	_ =	swait.ge [sflag:s7], $0x2000  }
0x1de: {  	[sflag:s7] =	ssyncset.done $0x0  }
0x1df: {  	s13 =	simm.s32 $0x0;
	[sflag:s7] =	ssyncadd.s32 $0xFFFFE000  }
0x1e0: {  	v6 =	vld [tilespmem:s13+$0x1C80]  }
0x1e1: {  	v7 =	vld [tilespmem:s13+$0x1C90]  }
0x1e2: {  	v2 =	vld [tilespmem:s13+$0x1CA0]  }
0x1e3: {  	v1 =	vld [tilespmem:s13+$0x1CB0]  }
0x1e4: {  	v3 =	vld [tilespmem:s13+$0x3C80]  }
0x1e5: {  	v5 =	vld [tilespmem:s13+$0x3C90]  }
0x1e6: {  	s14 =	simm.s32 $0x100;
	v4 =	vld [tilespmem:s13+$0x3CA0]  }
.LBB2_14:
0x1e7: {  	s15 =	sshra.s32 s14, $0x2;
	p0 =	sne.s32 s14, $0x7F00;
	v8 =	vld [tilespmem:s13+$0x3CB0];
	v9 =	vmov v2  }
0x1e8: {  	v10 =	vld [tilespmem:s15+$0x1C80];
	v11 =	vmov v1  }
0x1e9: {  	v12 =	vld [tilespmem:s15+$0x1C90];
	v3 =	vadd.f32 v6, v3  }
.Ltmp7:
0x1ea: {  	v2 =	vld [tilespmem:s15+$0x1CA0];
	v5 =	vadd.f32 v7, v5;
	(pc) =	sbr.rel @p0 .LBB2_14-.Ltmp7, $4  }
0x1eb: {  	v1 =	vld [tilespmem:s15+$0x1CB0];
	[tilespmem:s13+$0x3C80] =	vst v3;
	v4 =	vadd.f32 v9, v4  }
0x1ec: {  	v3 =	vld [tilespmem:s15+$0x3C80];
	[tilespmem:s13+$0x3C90] =	vst v5;
	v8 =	vadd.f32 v11, v8  }
0x1ed: {  	v5 =	vld [tilespmem:s15+$0x3C90];
	[tilespmem:s13+$0x3CA0] =	vst v4;
	v6 =	vmov v10  }
0x1ee: {  	s14 =	sadd.s32 $0x100, s14;
	v4 =	vld [tilespmem:s15+$0x3CA0];
	[tilespmem:s13+$0x3CB0] =	vst v8;
	v7 =	vmov v12;
	s13 =	smov.u32 s15  }
0x1ef: {  	v8 =	vld [tilespmem:s13+$0x3CB0];
	_ =	sdelay $0x1  }
0x1f0: {  	v3 =	vadd.f32 v6, v3  }
0x1f1: {  	v5 =	vadd.f32 v7, v5  }
0x1f2: {  	[tilespmem:s13+$0x3C80] =	vst v3;
	v2 =	vadd.f32 v2, v4  }
0x1f3: {  	[tilespmem:s13+$0x3C90] =	vst v5;
	v1 =	vadd.f32 v1, v8  }
0x1f4: {  	[tilespmem:s13+$0x3CA0] =	vst v2  }
0x1f5: {  	s18 =	simm.s32 $0x0;
	s14 =	rddreg [dreg:$0xc];
	[tilespmem:s13+$0x3CB0] =	vst v1  }
0x1f6: {  	[hbm4b:s14+s18] =	stream.linear.scatter [tilespmem:s6], [sflag:$0x6], $0x2000, $0x38;
	[tilespmem:$0xCF50] =	vst v63  }
0x1f7: {  	_ =	swait.ge [sflag:s22], $0x2000  }
0x1f8: {  	[sflag:s22] =	ssyncset.done $0x0  }
0x1f9: {  	s15 =	rddreg [dreg:$0xd];
	[sflag:s22] =	ssyncadd.s32 $0xFFFFE000  }
0x1fa: {  	[tilespmem:s4], [sflag:$0x6] =	stream.linear.gather [hbm4b:s15+s18], $0x80, $0x38;
	[tilespmem:$0xCF50] =	vst v63  }
0x1fb: {  	_ =	swait.ge [sflag:s22], $0x80  }
0x1fc: {  	[sflag:s22] =	ssyncset.done $0x0  }
0x1fd: {  	s16 =	rddreg [dreg:$0x5];
	[sflag:s22] =	ssyncadd.s32 $0xFFFFFF80  }
0x1fe: {  	[tilespmem:s6], [sflag:$0x5] =	stream.indirect.gather [hbm4b:s16+s5], $0x40, s4, s5, $0xb8;
	[tilespmem:$0xCF50] =	vst v63  }
0x1ff: {  	_ =	swait.ge [sflag:s7], $0x2000  }
0x200: {  	[sflag:s7] =	ssyncset.done $0x0  }
0x201: {  	s17 =	rddreg [dreg:$0xe];
	[sflag:s7] =	ssyncadd.s32 $0xFFFFE000  }
0x202: {  	[tilespmem:s4], [sflag:$0x6] =	stream.linear.gather [hbm4b:s17+s18], $0x80, $0x38;
	[tilespmem:$0xCF50] =	vst v63  }
0x203: {  	_ =	swait.ge [sflag:s22], $0x80  }
0x204: {  	[sflag:s22] =	ssyncset.done $0x0  }
0x205: {  	s18 =	rddreg [dreg:$0x6];
	[sflag:s22] =	ssyncadd.s32 $0xFFFFFF80  }
0x206: {  	[tilespmem:s8], [sflag:$0x5] =	stream.indirect.gather [hbm4b:s18+s5], $0x40, s4, s5, $0xb8;
	[tilespmem:$0xCF50] =	vst v63  }
0x207: {  	_ =	swait.ge [sflag:s7], $0x2000  }
0x208: {  	[sflag:s7] =	ssyncset.done $0x0  }
0x209: {  	s13 =	simm.s32 $0x0;
	[sflag:s7] =	ssyncadd.s32 $0xFFFFE000  }
0x20a: {  	v6 =	vld [tilespmem:s13+$0x1C80]  }
0x20b: {  	v7 =	vld [tilespmem:s13+$0x1C90]  }
0x20c: {  	v2 =	vld [tilespmem:s13+$0x1CA0]  }
0x20d: {  	v1 =	vld [tilespmem:s13+$0x1CB0]  }
0x20e: {  	v3 =	vld [tilespmem:s13+$0x3C80]  }
0x20f: {  	v5 =	vld [tilespmem:s13+$0x3C90]  }
0x210: {  	s14 =	simm.s32 $0x100;
	v4 =	vld [tilespmem:s13+$0x3CA0]  }
.LBB2_16:
0x211: {  	s15 =	sshra.s32 s14, $0x2;
	p0 =	sne.s32 s14, $0x7F00;
	v8 =	vld [tilespmem:s13+$0x3CB0];
	v9 =	vmov v2  }
0x212: {  	v10 =	vld [tilespmem:s15+$0x1C80];
	v11 =	vmov v1  }
0x213: {  	v12 =	vld [tilespmem:s15+$0x1C90];
	v3 =	vadd.f32 v6, v3  }
.Ltmp8:
0x214: {  	v2 =	vld [tilespmem:s15+$0x1CA0];
	v5 =	vadd.f32 v7, v5;
	(pc) =	sbr.rel @p0 .LBB2_16-.Ltmp8, $4  }
0x215: {  	v1 =	vld [tilespmem:s15+$0x1CB0];
	[tilespmem:s13+$0x3C80] =	vst v3;
	v4 =	vadd.f32 v9, v4  }
0x216: {  	v3 =	vld [tilespmem:s15+$0x3C80];
	[tilespmem:s13+$0x3C90] =	vst v5;
	v8 =	vadd.f32 v11, v8  }
0x217: {  	v5 =	vld [tilespmem:s15+$0x3C90];
	[tilespmem:s13+$0x3CA0] =	vst v4;
	v6 =	vmov v10  }
0x218: {  	s14 =	sadd.s32 $0x100, s14;
	v4 =	vld [tilespmem:s15+$0x3CA0];
	[tilespmem:s13+$0x3CB0] =	vst v8;
	v7 =	vmov v12;
	s13 =	smov.u32 s15  }
0x219: {  	v8 =	vld [tilespmem:s13+$0x3CB0];
	_ =	sdelay $0x1  }
0x21a: {  	v3 =	vadd.f32 v6, v3  }
0x21b: {  	v5 =	vadd.f32 v7, v5  }
0x21c: {  	[tilespmem:s13+$0x3C80] =	vst v3;
	v2 =	vadd.f32 v2, v4  }
0x21d: {  	[tilespmem:s13+$0x3C90] =	vst v5;
	v1 =	vadd.f32 v1, v8  }
0x21e: {  	[tilespmem:s13+$0x3CA0] =	vst v2  }
0x21f: {  	s17 =	simm.s32 $0x0;
	[tilespmem:s13+$0x3CB0] =	vst v1  }
0x220: {  	[tilespmem:s4], [sflag:$0x6] =	stream.linear.gather [hbm4b:s19+s17], $0x80, $0x38;
	[tilespmem:$0xCF50] =	vst v63  }
0x221: {  	_ =	swait.ge [sflag:s22], $0x80  }
0x222: {  	[sflag:s22] =	ssyncset.done $0x0  }
0x223: {  	s18 =	rddreg [dreg:$0x7];
	[sflag:s22] =	ssyncadd.s32 $0xFFFFFF80  }
0x224: {  	[tilespmem:s8], [sflag:$0x5] =	stream.indirect.gather [hbm4b:s18+s5], $0x40, s4, s5, $0xb8;
	[tilespmem:$0xCF50] =	vst v63  }
0x225: {  	_ =	swait.ge [sflag:s7], $0x2000  }
0x226: {  	[sflag:s7] =	ssyncset.done $0x0  }
0x227: {  	s13 =	simm.s32 $0x0;
	[sflag:s7] =	ssyncadd.s32 $0xFFFFE000  }
0x228: {  	v6 =	vld [tilespmem:s13+$0x1C80]  }
0x229: {  	v7 =	vld [tilespmem:s13+$0x1C90]  }
0x22a: {  	v2 =	vld [tilespmem:s13+$0x1CA0]  }
0x22b: {  	v1 =	vld [tilespmem:s13+$0x1CB0]  }
0x22c: {  	v3 =	vld [tilespmem:s13+$0x3C80]  }
0x22d: {  	v5 =	vld [tilespmem:s13+$0x3C90]  }
0x22e: {  	s14 =	simm.s32 $0x100;
	v4 =	vld [tilespmem:s13+$0x3CA0]  }
.LBB2_18:
0x22f: {  	s15 =	sshra.s32 s14, $0x2;
	p0 =	sne.s32 s14, $0x7F00;
	v8 =	vld [tilespmem:s13+$0x3CB0];
	v9 =	vmov v2  }
0x230: {  	v10 =	vld [tilespmem:s15+$0x1C80];
	v11 =	vmov v1  }
0x231: {  	v12 =	vld [tilespmem:s15+$0x1C90];
	v3 =	vadd.f32 v6, v3  }
.Ltmp9:
0x232: {  	v2 =	vld [tilespmem:s15+$0x1CA0];
	v5 =	vadd.f32 v7, v5;
	(pc) =	sbr.rel @p0 .LBB2_18-.Ltmp9, $4  }
0x233: {  	v1 =	vld [tilespmem:s15+$0x1CB0];
	[tilespmem:s13+$0x3C80] =	vst v3;
	v4 =	vadd.f32 v9, v4  }
0x234: {  	v3 =	vld [tilespmem:s15+$0x3C80];
	[tilespmem:s13+$0x3C90] =	vst v5;
	v8 =	vadd.f32 v11, v8  }
0x235: {  	v5 =	vld [tilespmem:s15+$0x3C90];
	[tilespmem:s13+$0x3CA0] =	vst v4;
	v6 =	vmov v10  }
0x236: {  	s14 =	sadd.s32 $0x100, s14;
	v4 =	vld [tilespmem:s15+$0x3CA0];
	[tilespmem:s13+$0x3CB0] =	vst v8;
	v7 =	vmov v12;
	s13 =	smov.u32 s15  }
0x237: {  	v8 =	vld [tilespmem:s13+$0x3CB0];
	_ =	sdelay $0x1  }
0x238: {  	v3 =	vadd.f32 v6, v3  }
0x239: {  	v5 =	vadd.f32 v7, v5  }
0x23a: {  	[tilespmem:s13+$0x3C80] =	vst v3;
	v2 =	vadd.f32 v2, v4  }
0x23b: {  	s11 =	sadd.s32 $0x1, s11;
	[tilespmem:s13+$0x3C90] =	vst v5;
	v1 =	vadd.f32 v1, v8  }
0x23c: {  	p0 =	sne.s32 s11, s21;
	[tilespmem:s13+$0x3CA0] =	vst v2  }
.Ltmp10:
0x23d: {  	[tilespmem:s13+$0x3CB0] =	vst v1;
	(pc) =	sbr.rel @p0 .LBB2_1-.Ltmp10, $4  }
0x23e: {  	[hbm4b:s20+s2] =	stream.linear.scatter [tilespmem:s6], [sflag:$0x6], $0x2000, $0x38;
	[tilespmem:$0xCF50] =	vst v63  }
0x23f: {  	_ =	swait.ge [sflag:s22], $0x2000  }
0x240: {  	[sflag:s22] =	ssyncset.done $0x0  }
0x241: {  	[sflag:s22] =	ssyncadd.s32 $0xFFFFE000  }
0x242: {  	_ =	sfence.sel $0x180000  }
0x243: {  	[bflag:$0x0] =	sbarrier.arrive $0xFFFF  }
0x244: {  	_ =	strace $0x90000047  }
0x245: {  	s0 =	stileid.u32;
	[bflag:$0x2] =	sbarrier.arrive $0xFFFF  }
0x246: {  	p0 =	sne.s32 s0, $0x0;
	s0 =	rddreg [dreg:$0x1]  }
0x247: {  	s0 =	sadd.s32 @!p0 $0x100000, s0  }
0x248: {  	[sflag:s0] =	ssyncadd.tile.s32 @!p0 $0x1;
	_ =	shalt  }
.Lfunc_end2:
_tile_overlayer_lowered:
.L_overlay_start_2:
0x249: {  	(tag) =	ssettag $0x2  }
0x24a: {  	s0 =	rddreg [dreg:$0x0];
	s2 =	stileid.u32  }
0x24b: {  	s1 =	rddreg [dreg:$0x1];
	p0 =	sne.s32 s2, $0x0  }
0x24c: {  	s3 =	rddreg [dreg:$0x2];
	[bflag:$0x3] =	sbarrier.arrive $0xFFFF;
	s2 =	simm.s32 @!p0 $0x1C06  }
0x24d: {  	[timem:s3], [sflag:s2] =	dma.local @!p0 [hbm:s0], s1  }
0x24e: {  	s0 =	simm.s32 @!p0 $0x6  }
0x24f: {  	_ =	swait.ge @!p0 [sflag:s0], s1  }
0x250: {  	s1 =	ssub.s32 @!p0 $0x0, s1;
	[sflag:s0] =	ssyncset.done @!p0 $0x0  }
0x251: {  	[sflag:s0] =	ssyncadd.s32 @!p0 s1  }
0x252: {  	[bflag:$0x3] =	sbarrier.arrive $0xFFFF  }
0x253: {  	_ =	shalt  }

</sc_bundles>
